<compile_context>
chip_gen: v7x
topology: tpu7x:2x2x1
jax: 0.10.2.dev20260603
libtpu: 0.0.44.dev20260713+nightly
codegen_flags: <defaults>
</compile_context>

<pallas_src>
import functools

import jax
import jax.numpy as jnp
from jax import lax
from jax.experimental import pallas as pl
from jax.experimental.pallas import tpu as pltpu
from jax.experimental.pallas import tpu_sc as plsc

N = 16777216
VOCAB = 100000

NC = 2
NS = 16
NW = NC * NS
L = 16

VOCABP = 100352
S = VOCABP // NW
CHUNK = 8192
PER_W = N // NW
PAIRS = PER_W // (2 * CHUNK)

CCHUNK = VOCABP // 16
BUF = CCHUNK + 8
BUFA = 6304
OUT_PAD = 106496
MAXZ = OUT_PAD // BUF + 1

_mesh = plsc.VectorSubcoreMesh(
    core_axis_name="c", subcore_axis_name="s", num_cores=NC, num_subcores=NS
)

_params = pltpu.CompilerParams(needs_layout_passes=False)


def _i32(v):
    return jnp.int32(v)


def _fori(lo, hi, body, init):
    return lax.fori_loop(jnp.int32(lo), jnp.int32(hi), body, init)


def _worker_id():
    return lax.axis_index("s") * NC + lax.axis_index("c")


@functools.partial(
    pl.kernel,
    out_type=jax.ShapeDtypeStruct((NW * VOCABP,), jnp.int32),
    mesh=_mesh,
    compiler_params=_params,
    scratch_types=[
        pltpu.VMEM((VOCABP,), jnp.int32),
        pltpu.VMEM((CHUNK,), jnp.uint32),
        pltpu.VMEM((CHUNK,), jnp.uint32),
        pltpu.SemaphoreType.DMA,
        pltpu.SemaphoreType.DMA,
    ],
)
def _hist_kernel(x_hbm, part_hbm, hist, buf0, buf1, sem0, sem1):
    wid = _worker_id()
    base = wid * _i32(PER_W)
    zeros16 = jnp.zeros((L,), jnp.int32)
    ones16 = jnp.ones((L,), jnp.int32)

    def zbody(i, carry):
        base8 = i * _i32(8 * L)
        for u in range(8):
            hist[pl.ds(base8 + u * L, L)] = zeros16
        return carry

    _fori(0, VOCABP // (8 * L), zbody, jnp.int32(0))

    def copy_in(chunk_idx, buf, sem):
        return pltpu.make_async_copy(
            x_hbm.at[
                pl.ds(
                    pl.multiple_of(base + chunk_idx * _i32(CHUNK), 8),
                    CHUNK,
                )
            ],
            buf,
            sem,
        )

    def process(buf):
        def pbody(j, carry):
            base8 = j * _i32(16 * L)
            for u in range(16):
                w = plsc.bitcast(buf[pl.ds(base8 + u * L, L)], jnp.int32)
                plsc.addupdate_scatter(hist, [w], ones16)
            return carry

        _fori(0, CHUNK // (16 * L), pbody, jnp.int32(0))

    copy_in(0, buf0, sem0).start()

    def body(p, carry):
        copy_in(2 * p + 1, buf1, sem1).start()
        copy_in(2 * p, buf0, sem0).wait()
        process(buf0)

        @pl.when(p < PAIRS - 1)
        def _():
            copy_in(2 * p + 2, buf0, sem0).start()

        copy_in(2 * p + 1, buf1, sem1).wait()
        process(buf1)
        return carry

    _fori(0, PAIRS, body, jnp.int32(0))

    pltpu.sync_copy(hist, part_hbm.at[pl.ds(pl.multiple_of(wid * _i32(VOCABP), 8), VOCABP)])


@functools.partial(
    pl.kernel,
    out_type=jax.ShapeDtypeStruct((VOCABP,), jnp.int32),
    mesh=_mesh,
    compiler_params=_params,
    scratch_types=[
        pltpu.VMEM((S,), jnp.int32),
        pltpu.VMEM((S,), jnp.int32),
    ],
)
def _merge_kernel(part_hbm, hist_hbm, acc, tmp):
    wid = _worker_id()
    col = pl.multiple_of(wid * _i32(S), 8)
    pltpu.sync_copy(part_hbm.at[pl.ds(col, S)], acc)

    def rbody(r, carry):
        pltpu.sync_copy(part_hbm.at[pl.ds(pl.multiple_of(r * _i32(VOCABP) + col, 8), S)], tmp)

        def jbody(j, c2):
            base4 = j * _i32(4 * L)
            for u in range(4):
                sl = pl.ds(base4 + u * L, L)
                acc[sl] = acc[sl] + tmp[sl]
            return c2

        _fori(0, S // (4 * L), jbody, jnp.int32(0))
        return carry

    _fori(1, NW, rbody, jnp.int32(0))
    pltpu.sync_copy(acc, hist_hbm.at[pl.ds(col, S)])


@functools.partial(
    pl.kernel,
    out_type=(
        jax.ShapeDtypeStruct((OUT_PAD,), jnp.int32),
        jax.ShapeDtypeStruct((OUT_PAD,), jnp.int32),
    ),
    mesh=_mesh,
    compiler_params=_params,
    scratch_types=[
        pltpu.VMEM((CCHUNK,), jnp.int32),
        pltpu.VMEM((BUFA,), jnp.int32),
        pltpu.VMEM((BUFA,), jnp.int32),
    ],
)
def _compact_kernel(hist_hbm, val_hbm, cnt_hbm, hchunk, vbuf, cbuf):
    cid = lax.axis_index("c")
    sid = lax.axis_index("s")

    @pl.when(jnp.logical_and(cid == 0, sid == 0))
    def _():
        iota = lax.iota(jnp.int32, L)
        zeros16 = jnp.zeros((L,), jnp.int32)

        def zero_bufs(i, carry):
            base2 = i * _i32(2 * L)
            for u in range(2):
                vbuf[pl.ds(base2 + u * L, L)] = zeros16
                cbuf[pl.ds(base2 + u * L, L)] = zeros16
            return carry

        _fori(0, BUFA // (2 * L), zero_bufs, jnp.int32(0))

        def chunk_body(ci, carry):
            f, g = carry
            pltpu.sync_copy(hist_hbm.at[pl.ds(pl.multiple_of(ci * _i32(CCHUNK), 8), CCHUNK)], hchunk)

            def step(j, sc):
                fc, vals = sc
                for u in range(2):
                    h = hchunk[pl.ds(j * _i32(2 * L) + u * L, L)]
                    m = h > 0
                    plsc.store_compressed(vbuf.at[pl.ds(fc, L)], vals, mask=m)
                    plsc.store_compressed(cbuf.at[pl.ds(fc, L)], h, mask=m)
                    pc = plsc.all_reduce_population_count(m)[0]
                    fc = fc + pc
                    vals = vals + _i32(L)
                return (fc, vals)

            vals0 = ci * _i32(CCHUNK) + iota
            f, _unused = _fori(0, CCHUNK // (2 * L), step, (f, vals0))

            rem = jnp.bitwise_and(f, 7)
            k = f - rem
            tailv = vbuf[pl.ds(k, L)]
            tailc = cbuf[pl.ds(k, L)]
            tailv = jnp.where(iota < rem, tailv, jnp.int32(0))
            tailc = jnp.where(iota < rem, tailc, jnp.int32(0))

            pltpu.sync_copy(vbuf.at[pl.ds(0, BUF)], val_hbm.at[pl.ds(pl.multiple_of(g, 8), BUF)])
            pltpu.sync_copy(cbuf.at[pl.ds(0, BUF)], cnt_hbm.at[pl.ds(pl.multiple_of(g, 8), BUF)])

            _fori(0, BUFA // (2 * L), zero_bufs, jnp.int32(0))
            vbuf[pl.ds(0, L)] = tailv
            cbuf[pl.ds(0, L)] = tailc
            return (rem, g + k)

        f, g = _fori(0, VOCABP // CCHUNK, chunk_body, (jnp.int32(0), jnp.int32(0)))

        pltpu.sync_copy(vbuf.at[pl.ds(0, BUF)], val_hbm.at[pl.ds(pl.multiple_of(g, 8), BUF)])
        pltpu.sync_copy(cbuf.at[pl.ds(0, BUF)], cnt_hbm.at[pl.ds(pl.multiple_of(g, 8), BUF)])

        _fori(0, BUFA // (2 * L), zero_bufs, jnp.int32(0))

        def ztail(i, carry):
            off = jnp.minimum(g + _i32(BUF) + i * _i32(BUF), _i32(OUT_PAD - BUF))
            pltpu.sync_copy(vbuf.at[pl.ds(0, BUF)], val_hbm.at[pl.ds(pl.multiple_of(off, 8), BUF)])
            pltpu.sync_copy(cbuf.at[pl.ds(0, BUF)], cnt_hbm.at[pl.ds(pl.multiple_of(off, 8), BUF)])
            return carry

        _fori(0, MAXZ, ztail, jnp.int32(0))


def kernel(input_tensor, output_tensor, count_tensor):
    del output_tensor, count_tensor
    x = input_tensor.astype(jnp.uint32)
    partials = _hist_kernel(x)
    hist = _merge_kernel(partials)
    values, counts = _compact_kernel(hist)
    return (
        values[:VOCAB].astype(jnp.int64),
        counts[:VOCAB].astype(jnp.int64),
    )

# --- scband reference (transcript-rebuilt; emitter-appended) ---
"""Pipeline reference for scband-unique-op-8942121910634 (READ-ONLY COPY).

The authoritative reference and input builder live on the scoring server;
editing this copy changes nothing except your own understanding.
"""

import jax
jax.config.update("jax_enable_x64", True)
import jax.numpy as jnp
import numpy as np

N = 16777216
VOCAB = 100000

def setup_inputs(seed: int = 0) -> dict:
    key = jax.random.key(seed)
    k1, k2 = jax.random.split(key)
    input_tensor = jax.random.randint(k1, (N,), 0, VOCAB, dtype=jnp.int64)
    output_tensor = jnp.zeros((VOCAB,), dtype=jnp.int64)
    count_tensor = jnp.zeros((VOCAB,), dtype=jnp.int64)
    return {"input_tensor": input_tensor, "output_tensor": output_tensor, "count_tensor": count_tensor}

def reference(input_tensor, output_tensor, count_tensor):
    # Faithful translation of torch.unique(input, return_counts=True).
    # torch's sorted=False on CUDA still returns sorted values; jnp.unique returns sorted values.
    # output_tensor / count_tensor are overwritten locally in the torch module, so they are unused inputs.
    unique_size = count_tensor.shape[0]
    values, counts = jnp.unique(input_tensor, return_counts=True,
                                size=unique_size, fill_value=0)
    return values, counts

if __name__ == "__main__":
    import jax
    _d = setup_inputs()
    print(jax.jit(kernel)(*tuple(_d.values())))

</pallas_src>

<mosaic_0001>
#map = affine_map<(d0, d1) -> (0)>
module attributes {stable_mosaic.version = 14 : i64} {
  func.func @_compact_kernel(%arg0: i32, %arg1: i32, %arg2: memref<100352xi32, #tpu.memory_space<hbm>>, %arg3: memref<106496xi32, #tpu.memory_space<hbm>>, %arg4: memref<106496xi32, #tpu.memory_space<hbm>>, %arg5: memref<6272xi32, #tpu.memory_space<vmem>>, %arg6: memref<6304xi32, #tpu.memory_space<vmem>>, %arg7: memref<6304xi32, #tpu.memory_space<vmem>>) attributes {dimension_semantics = [#tpu.dimension_semantics<core_parallel>, #tpu.dimension_semantics<subcore_parallel>], iteration_bounds = array<i64: 2, 16>, scalar_prefetch = 0 : i64, scratch_operands = 3 : i64, tpu.core_type = #tpu.core_type<sc_vector_subcore>, window_params = [{transform_indices = #map}, {transform_indices = #map}, {transform_indices = #map}]} {
    %eq3A = arith.constant 0 : i32
    %eq3A_0 = arith.cmpi eq, %arg0, %eq3A : i32
    %eq3A_1 = arith.constant 0 : i32
    %eq3A_2 = arith.cmpi eq, %arg1, %eq3A_1 : i32
    %and3A = arith.andi %eq3A_0, %eq3A_2 : i1
    %convert_element_type3A = arith.extui %and3A : i1 to i32
    %cond3A = arith.constant 0 : i32
    %cond3A_3 = arith.cmpi ne, %convert_element_type3A, %cond3A : i32
    scf.if %cond3A_3 {
      %iota3A = tpu.iota {dimensions = array<i32: 0>} : vector<16xi32>
      %broadcast_in_dim3A = arith.constant 0 : i32
      %broadcast_in_dim3A_4 = vector.broadcast %broadcast_in_dim3A : i32 to vector<16xi32>
      %while3A = arith.constant 0 : i32
      %while3A_5 = arith.constant 0 : i32
      %while3A_6 = arith.constant 197 : i32
      %while3A_7 = arith.subi %while3A_6, %while3A_5 : i32
      %while3A_8 = arith.addi %while3A_5, %while3A_7 : i32
      %while3A_9 = arith.constant 1 : i32
      %while3A_10 = arith.divsi %while3A_7, %while3A_9 : i32
      %while3A_11 = arith.muli %while3A_10, %while3A_9 : i32
      %while3A_12 = arith.addi %while3A_5, %while3A_11 : i32
      %while3A_13 = arith.constant 1 : i32
      scf.for %while3A_52 = %while3A_5 to %while3A_12 step %while3A_13  : i32 {
        %mul3A = arith.constant 32 : i32
        %mul3A_53 = arith.muli %while3A_52, %mul3A : i32
        %add3A = arith.constant 0 : i32
        %add3A_54 = arith.addi %mul3A_53, %add3A : i32
        %swap3A = arith.index_cast %add3A_54 : i32 to index
        %swap3A_55 = tpu.vector_load %arg6[%swap3A] {strides = array<i32>} : memref<6304xi32, #tpu.memory_space<vmem>>, vector<16xi32>,
        tpu.vector_store %arg6[%swap3A], %broadcast_in_dim3A_4 {strides = array<i32>} : memref<6304xi32, #tpu.memory_space<vmem>>, vector<16xi32>,
        %add3A_56 = arith.constant 0 : i32
        %add3A_57 = arith.addi %mul3A_53, %add3A_56 : i32
        %swap3A_58 = arith.index_cast %add3A_57 : i32 to index
        %swap3A_59 = tpu.vector_load %arg7[%swap3A_58] {strides = array<i32>} : memref<6304xi32, #tpu.memory_space<vmem>>, vector<16xi32>,
        tpu.vector_store %arg7[%swap3A_58], %broadcast_in_dim3A_4 {strides = array<i32>} : memref<6304xi32, #tpu.memory_space<vmem>>, vector<16xi32>,
        %add3A_60 = arith.constant 16 : i32
        %add3A_61 = arith.addi %mul3A_53, %add3A_60 : i32
        %swap3A_62 = arith.index_cast %add3A_61 : i32 to index
        %swap3A_63 = tpu.vector_load %arg6[%swap3A_62] {strides = array<i32>} : memref<6304xi32, #tpu.memory_space<vmem>>, vector<16xi32>,
        tpu.vector_store %arg6[%swap3A_62], %broadcast_in_dim3A_4 {strides = array<i32>} : memref<6304xi32, #tpu.memory_space<vmem>>, vector<16xi32>,
        %add3A_64 = arith.constant 16 : i32
        %add3A_65 = arith.addi %mul3A_53, %add3A_64 : i32
        %swap3A_66 = arith.index_cast %add3A_65 : i32 to index
        %swap3A_67 = tpu.vector_load %arg7[%swap3A_66] {strides = array<i32>} : memref<6304xi32, #tpu.memory_space<vmem>>, vector<16xi32>,
        tpu.vector_store %arg7[%swap3A_66], %broadcast_in_dim3A_4 {strides = array<i32>} : memref<6304xi32, #tpu.memory_space<vmem>>, vector<16xi32>,
      }
      %while3A_14 = arith.constant 1 : i32
      scf.for %while3A_52 = %while3A_12 to %while3A_8 step %while3A_14  : i32 {
        %mul3A = arith.constant 32 : i32
        %mul3A_53 = arith.muli %while3A_52, %mul3A : i32
        %add3A = arith.constant 0 : i32
        %add3A_54 = arith.addi %mul3A_53, %add3A : i32
        %swap3A = arith.index_cast %add3A_54 : i32 to index
        %swap3A_55 = tpu.vector_load %arg6[%swap3A] {strides = array<i32>} : memref<6304xi32, #tpu.memory_space<vmem>>, vector<16xi32>,
        tpu.vector_store %arg6[%swap3A], %broadcast_in_dim3A_4 {strides = array<i32>} : memref<6304xi32, #tpu.memory_space<vmem>>, vector<16xi32>,
        %add3A_56 = arith.constant 0 : i32
        %add3A_57 = arith.addi %mul3A_53, %add3A_56 : i32
        %swap3A_58 = arith.index_cast %add3A_57 : i32 to index
        %swap3A_59 = tpu.vector_load %arg7[%swap3A_58] {strides = array<i32>} : memref<6304xi32, #tpu.memory_space<vmem>>, vector<16xi32>,
        tpu.vector_store %arg7[%swap3A_58], %broadcast_in_dim3A_4 {strides = array<i32>} : memref<6304xi32, #tpu.memory_space<vmem>>, vector<16xi32>,
        %add3A_60 = arith.constant 16 : i32
        %add3A_61 = arith.addi %mul3A_53, %add3A_60 : i32
        %swap3A_62 = arith.index_cast %add3A_61 : i32 to index
        %swap3A_63 = tpu.vector_load %arg6[%swap3A_62] {strides = array<i32>} : memref<6304xi32, #tpu.memory_space<vmem>>, vector<16xi32>,
        tpu.vector_store %arg6[%swap3A_62], %broadcast_in_dim3A_4 {strides = array<i32>} : memref<6304xi32, #tpu.memory_space<vmem>>, vector<16xi32>,
        %add3A_64 = arith.constant 16 : i32
        %add3A_65 = arith.addi %mul3A_53, %add3A_64 : i32
        %swap3A_66 = arith.index_cast %add3A_65 : i32 to index
        %swap3A_67 = tpu.vector_load %arg7[%swap3A_66] {strides = array<i32>} : memref<6304xi32, #tpu.memory_space<vmem>>, vector<16xi32>,
        tpu.vector_store %arg7[%swap3A_66], %broadcast_in_dim3A_4 {strides = array<i32>} : memref<6304xi32, #tpu.memory_space<vmem>>, vector<16xi32>,
      }
      %while3A_15 = arith.constant 0 : i32
      %while3A_16 = arith.constant 16 : i32
      %while3A_17 = arith.constant 0 : i32
      %while3A_18 = arith.constant 0 : i32
      %while3A_19 = arith.subi %while3A_16, %while3A_15 : i32
      %while3A_20 = arith.addi %while3A_15, %while3A_19 : i32
      %while3A_21 = arith.constant 1 : i32
      %while3A_22 = arith.divsi %while3A_19, %while3A_21 : i32
      %while3A_23 = arith.muli %while3A_22, %while3A_21 : i32
      %while3A_24 = arith.addi %while3A_15, %while3A_23 : i32
      %while3A_25 = arith.constant 1 : i32
      %while3A_26:2 = scf.for %while3A_52 = %while3A_15 to %while3A_24 step %while3A_25 iter_args(%while3A_53 = %while3A_17, %while3A_54 = %while3A_18) -> (i32, i32)  : i32 {
        %mul3A = arith.constant 6272 : i32
        %mul3A_55 = arith.muli %while3A_52, %mul3A : i32
        %multiple_of3A_56 = tpu.assume_multiple %mul3A_55, 8 : i32
        "tpu.region"() ({
          %run_scoped3A = tpu.sem_alloc : memref<!tpu.dma_semaphore, #tpu.memory_space<semaphore_mem>>
          %dma_start3A = tpu.memref_slice %arg2[%multiple_of3A_56] : memref<100352xi32, #tpu.memory_space<hbm>> -> memref<6272xi32, #tpu.memory_space<hbm>>
          %dma_start3A_101 = tpu.memref_slice %arg2[%multiple_of3A_56] : memref<100352xi32, #tpu.memory_space<hbm>> -> memref<6272xi32, #tpu.memory_space<hbm>>
          tpu.enqueue_dma source(%dma_start3A_101 : memref<6272xi32, #tpu.memory_space<hbm>>) target(%arg5 : memref<6272xi32, #tpu.memory_space<vmem>>) target_semaphore(%run_scoped3A : memref<!tpu.dma_semaphore, #tpu.memory_space<semaphore_mem>>)
          %dma_wait3A = tpu.memref_slice %arg2[%multiple_of3A_56] : memref<100352xi32, #tpu.memory_space<hbm>> -> memref<6272xi32, #tpu.memory_space<hbm>>
          %dma_wait3A_102 = tpu.memref_slice %arg2[%multiple_of3A_56] : memref<100352xi32, #tpu.memory_space<hbm>> -> memref<6272xi32, #tpu.memory_space<hbm>>
          tpu.wait_dma2 semaphore(%run_scoped3A : memref<!tpu.dma_semaphore, #tpu.memory_space<semaphore_mem>>) src(%dma_wait3A_102 : memref<6272xi32, #tpu.memory_space<hbm>>) dst(%arg5 : memref<6272xi32, #tpu.memory_space<vmem>>)
          tpu.yield
        }) : () -> ()
        %mul3A_57 = arith.constant 6272 : i32
        %mul3A_58 = arith.muli %while3A_52, %mul3A_57 : i32
        %add3A = vector.broadcast %mul3A_58 : i32 to vector<16xi32>
        %add3A_59 = arith.addi %add3A, %iota3A : vector<16xi32>
        %while3A_60 = arith.constant 0 : i32
        %while3A_61 = arith.constant 196 : i32
        %while3A_62 = arith.subi %while3A_61, %while3A_60 : i32
        %while3A_63 = arith.addi %while3A_60, %while3A_62 : i32
        %while3A_64 = arith.constant 1 : i32
        %while3A_65 = arith.divsi %while3A_62, %while3A_64 : i32
        %while3A_66 = arith.muli %while3A_65, %while3A_64 : i32
        %while3A_67 = arith.addi %while3A_60, %while3A_66 : i32
        %while3A_68 = arith.constant 1 : i32
        %while3A_69:2 = scf.for %while3A_101 = %while3A_60 to %while3A_67 step %while3A_68 iter_args(%while3A_102 = %while3A_53, %while3A_103 = %add3A_59) -> (i32, vector<16xi32>)  : i32 {
          %mul3A_104 = arith.constant 32 : i32
          %mul3A_105 = arith.muli %while3A_101, %mul3A_104 : i32
          %add3A_106 = arith.constant 0 : i32
          %add3A_107 = arith.addi %mul3A_105, %add3A_106 : i32
          %get3A_108 = arith.index_cast %add3A_107 : i32 to index
          %get3A_109 = tpu.vector_load %arg5[%get3A_108] {strides = array<i32>} : memref<6272xi32, #tpu.memory_space<vmem>>, vector<16xi32>,
          %gt3A = arith.constant 0 : i32
          %gt3A_110 = vector.broadcast %gt3A : i32 to vector<16xi32>
          %gt3A_111 = arith.cmpi sgt, %get3A_109, %gt3A_110 : vector<16xi32>
          %swap3A_112 = arith.index_cast %while3A_102 : i32 to index
          %swap3A_113 = tpu.vector_load %arg6[%swap3A_112] masked %gt3A_111 {strides = array<i32>} : memref<6304xi32, #tpu.memory_space<vmem>>, vector<16xi32>, vector<16xi1>
          tpu.vector_store %arg6[%swap3A_112], %while3A_103 masked %gt3A_111 {strides = array<i32>} : memref<6304xi32, #tpu.memory_space<vmem>>, vector<16xi32>, vector<16xi1>
          %swap3A_114 = arith.index_cast %while3A_102 : i32 to index
          %swap3A_115 = tpu.vector_load %arg7[%swap3A_114] masked %gt3A_111 {strides = array<i32>} : memref<6304xi32, #tpu.memory_space<vmem>>, vector<16xi32>, vector<16xi1>
          tpu.vector_store %arg7[%swap3A_114], %get3A_109 masked %gt3A_111 {strides = array<i32>} : memref<6304xi32, #tpu.memory_space<vmem>>, vector<16xi32>, vector<16xi1>
          %all_reduce_population_count3A = tpu.all_reduce %gt3A_111 {dim = 0 : i64, kind = #tpu.reduction_kind<sum>} : vector<16xi1> -> vector<16xi32>
          %slice3A = vector.extract_strided_slice %all_reduce_population_count3A {offsets = [0], sizes = [1], strides = [1]} : vector<16xi32> to vector<1xi32>
          %squeeze3A = vector.extract %slice3A[0] : i32 from vector<1xi32>
          %add3A_116 = arith.addi %while3A_102, %squeeze3A : i32
          %add3A_117 = arith.constant 16 : i32
          %add3A_118 = vector.broadcast %add3A_117 : i32 to vector<16xi32>
          %add3A_119 = arith.addi %while3A_103, %add3A_118 : vector<16xi32>
          %mul3A_120 = arith.constant 32 : i32
          %mul3A_121 = arith.muli %while3A_101, %mul3A_120 : i32
          %add3A_122 = arith.constant 16 : i32
          %add3A_123 = arith.addi %mul3A_121, %add3A_122 : i32
          %get3A_124 = arith.index_cast %add3A_123 : i32 to index
          %get3A_125 = tpu.vector_load %arg5[%get3A_124] {strides = array<i32>} : memref<6272xi32, #tpu.memory_space<vmem>>, vector<16xi32>,
          %gt3A_126 = arith.constant 0 : i32
          %gt3A_127 = vector.broadcast %gt3A_126 : i32 to vector<16xi32>
          %gt3A_128 = arith.cmpi sgt, %get3A_125, %gt3A_127 : vector<16xi32>
          %swap3A_129 = arith.index_cast %add3A_116 : i32 to index
          %swap3A_130 = tpu.vector_load %arg6[%swap3A_129] masked %gt3A_128 {strides = array<i32>} : memref<6304xi32, #tpu.memory_space<vmem>>, vector<16xi32>, vector<16xi1>
          tpu.vector_store %arg6[%swap3A_129], %add3A_119 masked %gt3A_128 {strides = array<i32>} : memref<6304xi32, #tpu.memory_space<vmem>>, vector<16xi32>, vector<16xi1>
          %swap3A_131 = arith.index_cast %add3A_116 : i32 to index
          %swap3A_132 = tpu.vector_load %arg7[%swap3A_131] masked %gt3A_128 {strides = array<i32>} : memref<6304xi32, #tpu.memory_space<vmem>>, vector<16xi32>, vector<16xi1>
          tpu.vector_store %arg7[%swap3A_131], %get3A_125 masked %gt3A_128 {strides = array<i32>} : memref<6304xi32, #tpu.memory_space<vmem>>, vector<16xi32>, vector<16xi1>
          %all_reduce_population_count3A_133 = tpu.all_reduce %gt3A_128 {dim = 0 : i64, kind = #tpu.reduction_kind<sum>} : vector<16xi1> -> vector<16xi32>
          %slice3A_134 = vector.extract_strided_slice %all_reduce_population_count3A_133 {offsets = [0], sizes = [1], strides = [1]} : vector<16xi32> to vector<1xi32>
          %squeeze3A_135 = vector.extract %slice3A_134[0] : i32 from vector<1xi32>
          %add3A_136 = arith.addi %add3A_116, %squeeze3A_135 : i32
          %add3A_137 = arith.constant 16 : i32
          %add3A_138 = vector.broadcast %add3A_137 : i32 to vector<16xi32>
          %add3A_139 = arith.addi %add3A_119, %add3A_138 : vector<16xi32>
          scf.yield %add3A_136, %add3A_139 : i32, vector<16xi32>
        }
        %while3A_70 = arith.constant 1 : i32
        %while3A_71:2 = scf.for %while3A_101 = %while3A_67 to %while3A_63 step %while3A_70 iter_args(%while3A_102 = %while3A_69#0, %while3A_103 = %while3A_69#1) -> (i32, vector<16xi32>)  : i32 {
          %mul3A_104 = arith.constant 32 : i32
          %mul3A_105 = arith.muli %while3A_101, %mul3A_104 : i32
          %add3A_106 = arith.constant 0 : i32
          %add3A_107 = arith.addi %mul3A_105, %add3A_106 : i32
          %get3A_108 = arith.index_cast %add3A_107 : i32 to index
          %get3A_109 = tpu.vector_load %arg5[%get3A_108] {strides = array<i32>} : memref<6272xi32, #tpu.memory_space<vmem>>, vector<16xi32>,
          %gt3A = arith.constant 0 : i32
          %gt3A_110 = vector.broadcast %gt3A : i32 to vector<16xi32>
          %gt3A_111 = arith.cmpi sgt, %get3A_109, %gt3A_110 : vector<16xi32>
          %swap3A_112 = arith.index_cast %while3A_102 : i32 to index
          %swap3A_113 = tpu.vector_load %arg6[%swap3A_112] masked %gt3A_111 {strides = array<i32>} : memref<6304xi32, #tpu.memory_space<vmem>>, vector<16xi32>, vector<16xi1>
          tpu.vector_store %arg6[%swap3A_112], %while3A_103 masked %gt3A_111 {strides = array<i32>} : memref<6304xi32, #tpu.memory_space<vmem>>, vector<16xi32>, vector<16xi1>
          %swap3A_114 = arith.index_cast %while3A_102 : i32 to index
          %swap3A_115 = tpu.vector_load %arg7[%swap3A_114] masked %gt3A_111 {strides = array<i32>} : memref<6304xi32, #tpu.memory_space<vmem>>, vector<16xi32>, vector<16xi1>
          tpu.vector_store %arg7[%swap3A_114], %get3A_109 masked %gt3A_111 {strides = array<i32>} : memref<6304xi32, #tpu.memory_space<vmem>>, vector<16xi32>, vector<16xi1>
          %all_reduce_population_count3A = tpu.all_reduce %gt3A_111 {dim = 0 : i64, kind = #tpu.reduction_kind<sum>} : vector<16xi1> -> vector<16xi32>
          %slice3A = vector.extract_strided_slice %all_reduce_population_count3A {offsets = [0], sizes = [1], strides = [1]} : vector<16xi32> to vector<1xi32>
          %squeeze3A = vector.extract %slice3A[0] : i32 from vector<1xi32>
          %add3A_116 = arith.addi %while3A_102, %squeeze3A : i32
          %add3A_117 = arith.constant 16 : i32
          %add3A_118 = vector.broadcast %add3A_117 : i32 to vector<16xi32>
          %add3A_119 = arith.addi %while3A_103, %add3A_118 : vector<16xi32>
          %mul3A_120 = arith.constant 32 : i32
          %mul3A_121 = arith.muli %while3A_101, %mul3A_120 : i32
          %add3A_122 = arith.constant 16 : i32
          %add3A_123 = arith.addi %mul3A_121, %add3A_122 : i32
          %get3A_124 = arith.index_cast %add3A_123 : i32 to index
          %get3A_125 = tpu.vector_load %arg5[%get3A_124] {strides = array<i32>} : memref<6272xi32, #tpu.memory_space<vmem>>, vector<16xi32>,
          %gt3A_126 = arith.constant 0 : i32
          %gt3A_127 = vector.broadcast %gt3A_126 : i32 to vector<16xi32>
          %gt3A_128 = arith.cmpi sgt, %get3A_125, %gt3A_127 : vector<16xi32>
          %swap3A_129 = arith.index_cast %add3A_116 : i32 to index
          %swap3A_130 = tpu.vector_load %arg6[%swap3A_129] masked %gt3A_128 {strides = array<i32>} : memref<6304xi32, #tpu.memory_space<vmem>>, vector<16xi32>, vector<16xi1>
          tpu.vector_store %arg6[%swap3A_129], %add3A_119 masked %gt3A_128 {strides = array<i32>} : memref<6304xi32, #tpu.memory_space<vmem>>, vector<16xi32>, vector<16xi1>
          %swap3A_131 = arith.index_cast %add3A_116 : i32 to index
          %swap3A_132 = tpu.vector_load %arg7[%swap3A_131] masked %gt3A_128 {strides = array<i32>} : memref<6304xi32, #tpu.memory_space<vmem>>, vector<16xi32>, vector<16xi1>
          tpu.vector_store %arg7[%swap3A_131], %get3A_125 masked %gt3A_128 {strides = array<i32>} : memref<6304xi32, #tpu.memory_space<vmem>>, vector<16xi32>, vector<16xi1>
          %all_reduce_population_count3A_133 = tpu.all_reduce %gt3A_128 {dim = 0 : i64, kind = #tpu.reduction_kind<sum>} : vector<16xi1> -> vector<16xi32>
          %slice3A_134 = vector.extract_strided_slice %all_reduce_population_count3A_133 {offsets = [0], sizes = [1], strides = [1]} : vector<16xi32> to vector<1xi32>
          %squeeze3A_135 = vector.extract %slice3A_134[0] : i32 from vector<1xi32>
          %add3A_136 = arith.addi %add3A_116, %squeeze3A_135 : i32
          %add3A_137 = arith.constant 16 : i32
          %add3A_138 = vector.broadcast %add3A_137 : i32 to vector<16xi32>
          %add3A_139 = arith.addi %add3A_119, %add3A_138 : vector<16xi32>
          scf.yield %add3A_136, %add3A_139 : i32, vector<16xi32>
        }
        %and3A_72 = arith.constant 7 : i32
        %and3A_73 = arith.andi %while3A_71#0, %and3A_72 : i32
        %sub3A = arith.subi %while3A_71#0, %and3A_73 : i32
        %get3A = arith.index_cast %sub3A : i32 to index
        %get3A_74 = tpu.vector_load %arg6[%get3A] {strides = array<i32>} : memref<6304xi32, #tpu.memory_space<vmem>>, vector<16xi32>,
        %get3A_75 = arith.index_cast %sub3A : i32 to index
        %get3A_76 = tpu.vector_load %arg7[%get3A_75] {strides = array<i32>} : memref<6304xi32, #tpu.memory_space<vmem>>, vector<16xi32>,
        %lt3A = vector.broadcast %and3A_73 : i32 to vector<16xi32>
        %lt3A_77 = arith.cmpi slt, %iota3A, %lt3A : vector<16xi32>
        %jit3A = arith.constant 0 : i32
        %broadcast_in_dim3A_78 = vector.broadcast %jit3A : i32 to vector<16xi32>
        %select_n3A = arith.select %lt3A_77, %get3A_74, %broadcast_in_dim3A_78 : vector<16xi1>, vector<16xi32>
        %lt3A_79 = vector.broadcast %and3A_73 : i32 to vector<16xi32>
        %lt3A_80 = arith.cmpi slt, %iota3A, %lt3A_79 : vector<16xi32>
        %jit3A_81 = arith.constant 0 : i32
        %broadcast_in_dim3A_82 = vector.broadcast %jit3A_81 : i32 to vector<16xi32>
        %select_n3A_83 = arith.select %lt3A_80, %get3A_76, %broadcast_in_dim3A_82 : vector<16xi1>, vector<16xi32>
        %multiple_of3A_84 = tpu.assume_multiple %while3A_54, 8 : i32
        "tpu.region"() ({
          %run_scoped3A = tpu.sem_alloc : memref<!tpu.dma_semaphore, #tpu.memory_space<semaphore_mem>>
          %dma_start3A = arith.constant 0 : i32
          %dma_start3A_101 = tpu.memref_slice %arg6[%dma_start3A] : memref<6304xi32, #tpu.memory_space<vmem>> -> memref<6280xi32, #tpu.memory_space<vmem>>
          %dma_start3A_102 = tpu.memref_slice %arg3[%multiple_of3A_84] : memref<106496xi32, #tpu.memory_space<hbm>> -> memref<6280xi32, #tpu.memory_space<hbm>>
          %dma_start3A_103 = tpu.memref_slice %arg3[%multiple_of3A_84] : memref<106496xi32, #tpu.memory_space<hbm>> -> memref<6280xi32, #tpu.memory_space<hbm>>
          %dma_start3A_104 = arith.constant 0 : i32
          %dma_start3A_105 = tpu.memref_slice %arg6[%dma_start3A_104] : memref<6304xi32, #tpu.memory_space<vmem>> -> memref<6280xi32, #tpu.memory_space<vmem>>
          tpu.enqueue_dma source(%dma_start3A_105 : memref<6280xi32, #tpu.memory_space<vmem>>) target(%dma_start3A_103 : memref<6280xi32, #tpu.memory_space<hbm>>) target_semaphore(%run_scoped3A : memref<!tpu.dma_semaphore, #tpu.memory_space<semaphore_mem>>)
          %dma_wait3A = arith.constant 0 : i32
          %dma_wait3A_106 = tpu.memref_slice %arg6[%dma_wait3A] : memref<6304xi32, #tpu.memory_space<vmem>> -> memref<6280xi32, #tpu.memory_space<vmem>>
          %dma_wait3A_107 = tpu.memref_slice %arg3[%multiple_of3A_84] : memref<106496xi32, #tpu.memory_space<hbm>> -> memref<6280xi32, #tpu.memory_space<hbm>>
          %dma_wait3A_108 = tpu.memref_slice %arg3[%multiple_of3A_84] : memref<106496xi32, #tpu.memory_space<hbm>> -> memref<6280xi32, #tpu.memory_space<hbm>>
          %dma_wait3A_109 = arith.constant 0 : i32
          %dma_wait3A_110 = tpu.memref_slice %arg6[%dma_wait3A_109] : memref<6304xi32, #tpu.memory_space<vmem>> -> memref<6280xi32, #tpu.memory_space<vmem>>
          tpu.wait_dma2 semaphore(%run_scoped3A : memref<!tpu.dma_semaphore, #tpu.memory_space<semaphore_mem>>) src(%dma_wait3A_110 : memref<6280xi32, #tpu.memory_space<vmem>>) dst(%dma_wait3A_108 : memref<6280xi32, #tpu.memory_space<hbm>>)
          tpu.yield
        }) : () -> ()
        %multiple_of3A_85 = tpu.assume_multiple %while3A_54, 8 : i32
        "tpu.region"() ({
          %run_scoped3A = tpu.sem_alloc : memref<!tpu.dma_semaphore, #tpu.memory_space<semaphore_mem>>
          %dma_start3A = arith.constant 0 : i32
          %dma_start3A_101 = tpu.memref_slice %arg7[%dma_start3A] : memref<6304xi32, #tpu.memory_space<vmem>> -> memref<6280xi32, #tpu.memory_space<vmem>>
          %dma_start3A_102 = tpu.memref_slice %arg4[%multiple_of3A_85] : memref<106496xi32, #tpu.memory_space<hbm>> -> memref<6280xi32, #tpu.memory_space<hbm>>
          %dma_start3A_103 = tpu.memref_slice %arg4[%multiple_of3A_85] : memref<106496xi32, #tpu.memory_space<hbm>> -> memref<6280xi32, #tpu.memory_space<hbm>>
          %dma_start3A_104 = arith.constant 0 : i32
          %dma_start3A_105 = tpu.memref_slice %arg7[%dma_start3A_104] : memref<6304xi32, #tpu.memory_space<vmem>> -> memref<6280xi32, #tpu.memory_space<vmem>>
          tpu.enqueue_dma source(%dma_start3A_105 : memref<6280xi32, #tpu.memory_space<vmem>>) target(%dma_start3A_103 : memref<6280xi32, #tpu.memory_space<hbm>>) target_semaphore(%run_scoped3A : memref<!tpu.dma_semaphore, #tpu.memory_space<semaphore_mem>>)
          %dma_wait3A = arith.constant 0 : i32
          %dma_wait3A_106 = tpu.memref_slice %arg7[%dma_wait3A] : memref<6304xi32, #tpu.memory_space<vmem>> -> memref<6280xi32, #tpu.memory_space<vmem>>
          %dma_wait3A_107 = tpu.memref_slice %arg4[%multiple_of3A_85] : memref<106496xi32, #tpu.memory_space<hbm>> -> memref<6280xi32, #tpu.memory_space<hbm>>
          %dma_wait3A_108 = tpu.memref_slice %arg4[%multiple_of3A_85] : memref<106496xi32, #tpu.memory_space<hbm>> -> memref<6280xi32, #tpu.memory_space<hbm>>
          %dma_wait3A_109 = arith.constant 0 : i32
          %dma_wait3A_110 = tpu.memref_slice %arg7[%dma_wait3A_109] : memref<6304xi32, #tpu.memory_space<vmem>> -> memref<6280xi32, #tpu.memory_space<vmem>>
          tpu.wait_dma2 semaphore(%run_scoped3A : memref<!tpu.dma_semaphore, #tpu.memory_space<semaphore_mem>>) src(%dma_wait3A_110 : memref<6280xi32, #tpu.memory_space<vmem>>) dst(%dma_wait3A_108 : memref<6280xi32, #tpu.memory_space<hbm>>)
          tpu.yield
        }) : () -> ()
        %while3A_86 = arith.constant 0 : i32
        %while3A_87 = arith.constant 0 : i32
        %while3A_88 = arith.constant 197 : i32
        %while3A_89 = arith.subi %while3A_88, %while3A_87 : i32
        %while3A_90 = arith.addi %while3A_87, %while3A_89 : i32
        %while3A_91 = arith.constant 1 : i32
        %while3A_92 = arith.divsi %while3A_89, %while3A_91 : i32
        %while3A_93 = arith.muli %while3A_92, %while3A_91 : i32
        %while3A_94 = arith.addi %while3A_87, %while3A_93 : i32
        %while3A_95 = arith.constant 1 : i32
        scf.for %while3A_101 = %while3A_87 to %while3A_94 step %while3A_95  : i32 {
          %mul3A_102 = arith.constant 32 : i32
          %mul3A_103 = arith.muli %while3A_101, %mul3A_102 : i32
          %add3A_104 = arith.constant 0 : i32
          %add3A_105 = arith.addi %mul3A_103, %add3A_104 : i32
          %swap3A_106 = arith.index_cast %add3A_105 : i32 to index
          %swap3A_107 = tpu.vector_load %arg6[%swap3A_106] {strides = array<i32>} : memref<6304xi32, #tpu.memory_space<vmem>>, vector<16xi32>,
          tpu.vector_store %arg6[%swap3A_106], %broadcast_in_dim3A_4 {strides = array<i32>} : memref<6304xi32, #tpu.memory_space<vmem>>, vector<16xi32>,
          %add3A_108 = arith.constant 0 : i32
          %add3A_109 = arith.addi %mul3A_103, %add3A_108 : i32
          %swap3A_110 = arith.index_cast %add3A_109 : i32 to index
          %swap3A_111 = tpu.vector_load %arg7[%swap3A_110] {strides = array<i32>} : memref<6304xi32, #tpu.memory_space<vmem>>, vector<16xi32>,
          tpu.vector_store %arg7[%swap3A_110], %broadcast_in_dim3A_4 {strides = array<i32>} : memref<6304xi32, #tpu.memory_space<vmem>>, vector<16xi32>,
          %add3A_112 = arith.constant 16 : i32
          %add3A_113 = arith.addi %mul3A_103, %add3A_112 : i32
          %swap3A_114 = arith.index_cast %add3A_113 : i32 to index
          %swap3A_115 = tpu.vector_load %arg6[%swap3A_114] {strides = array<i32>} : memref<6304xi32, #tpu.memory_space<vmem>>, vector<16xi32>,
          tpu.vector_store %arg6[%swap3A_114], %broadcast_in_dim3A_4 {strides = array<i32>} : memref<6304xi32, #tpu.memory_space<vmem>>, vector<16xi32>,
          %add3A_116 = arith.constant 16 : i32
          %add3A_117 = arith.addi %mul3A_103, %add3A_116 : i32
          %swap3A_118 = arith.index_cast %add3A_117 : i32 to index
          %swap3A_119 = tpu.vector_load %arg7[%swap3A_118] {strides = array<i32>} : memref<6304xi32, #tpu.memory_space<vmem>>, vector<16xi32>,
          tpu.vector_store %arg7[%swap3A_118], %broadcast_in_dim3A_4 {strides = array<i32>} : memref<6304xi32, #tpu.memory_space<vmem>>, vector<16xi32>,
        }
        %while3A_96 = arith.constant 1 : i32
        scf.for %while3A_101 = %while3A_94 to %while3A_90 step %while3A_96  : i32 {
          %mul3A_102 = arith.constant 32 : i32
          %mul3A_103 = arith.muli %while3A_101, %mul3A_102 : i32
          %add3A_104 = arith.constant 0 : i32
          %add3A_105 = arith.addi %mul3A_103, %add3A_104 : i32
          %swap3A_106 = arith.index_cast %add3A_105 : i32 to index
          %swap3A_107 = tpu.vector_load %arg6[%swap3A_106] {strides = array<i32>} : memref<6304xi32, #tpu.memory_space<vmem>>, vector<16xi32>,
          tpu.vector_store %arg6[%swap3A_106], %broadcast_in_dim3A_4 {strides = array<i32>} : memref<6304xi32, #tpu.memory_space<vmem>>, vector<16xi32>,
          %add3A_108 = arith.constant 0 : i32
          %add3A_109 = arith.addi %mul3A_103, %add3A_108 : i32
          %swap3A_110 = arith.index_cast %add3A_109 : i32 to index
          %swap3A_111 = tpu.vector_load %arg7[%swap3A_110] {strides = array<i32>} : memref<6304xi32, #tpu.memory_space<vmem>>, vector<16xi32>,
          tpu.vector_store %arg7[%swap3A_110], %broadcast_in_dim3A_4 {strides = array<i32>} : memref<6304xi32, #tpu.memory_space<vmem>>, vector<16xi32>,
          %add3A_112 = arith.constant 16 : i32
          %add3A_113 = arith.addi %mul3A_103, %add3A_112 : i32
          %swap3A_114 = arith.index_cast %add3A_113 : i32 to index
          %swap3A_115 = tpu.vector_load %arg6[%swap3A_114] {strides = array<i32>} : memref<6304xi32, #tpu.memory_space<vmem>>, vector<16xi32>,
          tpu.vector_store %arg6[%swap3A_114], %broadcast_in_dim3A_4 {strides = array<i32>} : memref<6304xi32, #tpu.memory_space<vmem>>, vector<16xi32>,
          %add3A_116 = arith.constant 16 : i32
          %add3A_117 = arith.addi %mul3A_103, %add3A_116 : i32
          %swap3A_118 = arith.index_cast %add3A_117 : i32 to index
          %swap3A_119 = tpu.vector_load %arg7[%swap3A_118] {strides = array<i32>} : memref<6304xi32, #tpu.memory_space<vmem>>, vector<16xi32>,
          tpu.vector_store %arg7[%swap3A_118], %broadcast_in_dim3A_4 {strides = array<i32>} : memref<6304xi32, #tpu.memory_space<vmem>>, vector<16xi32>,
        }
        %swap3A = arith.constant 0 : index
        %swap3A_97 = tpu.vector_load %arg6[%swap3A] {strides = array<i32>} : memref<6304xi32, #tpu.memory_space<vmem>>, vector<16xi32>,
        tpu.vector_store %arg6[%swap3A], %select_n3A {strides = array<i32>} : memref<6304xi32, #tpu.memory_space<vmem>>, vector<16xi32>,
        %swap3A_98 = arith.constant 0 : index
        %swap3A_99 = tpu.vector_load %arg7[%swap3A_98] {strides = array<i32>} : memref<6304xi32, #tpu.memory_space<vmem>>, vector<16xi32>,
        tpu.vector_store %arg7[%swap3A_98], %select_n3A_83 {strides = array<i32>} : memref<6304xi32, #tpu.memory_space<vmem>>, vector<16xi32>,
        %add3A_100 = arith.addi %while3A_54, %sub3A : i32
        scf.yield %and3A_73, %add3A_100 : i32, i32
      }
      %while3A_27 = arith.constant 1 : i32
      %while3A_28:2 = scf.for %while3A_52 = %while3A_24 to %while3A_20 step %while3A_27 iter_args(%while3A_53 = %while3A_26#0, %while3A_54 = %while3A_26#1) -> (i32, i32)  : i32 {
        %mul3A = arith.constant 6272 : i32
        %mul3A_55 = arith.muli %while3A_52, %mul3A : i32
        %multiple_of3A_56 = tpu.assume_multiple %mul3A_55, 8 : i32
        "tpu.region"() ({
          %run_scoped3A = tpu.sem_alloc : memref<!tpu.dma_semaphore, #tpu.memory_space<semaphore_mem>>
          %dma_start3A = tpu.memref_slice %arg2[%multiple_of3A_56] : memref<100352xi32, #tpu.memory_space<hbm>> -> memref<6272xi32, #tpu.memory_space<hbm>>
          %dma_start3A_101 = tpu.memref_slice %arg2[%multiple_of3A_56] : memref<100352xi32, #tpu.memory_space<hbm>> -> memref<6272xi32, #tpu.memory_space<hbm>>
          tpu.enqueue_dma source(%dma_start3A_101 : memref<6272xi32, #tpu.memory_space<hbm>>) target(%arg5 : memref<6272xi32, #tpu.memory_space<vmem>>) target_semaphore(%run_scoped3A : memref<!tpu.dma_semaphore, #tpu.memory_space<semaphore_mem>>)
          %dma_wait3A = tpu.memref_slice %arg2[%multiple_of3A_56] : memref<100352xi32, #tpu.memory_space<hbm>> -> memref<6272xi32, #tpu.memory_space<hbm>>
          %dma_wait3A_102 = tpu.memref_slice %arg2[%multiple_of3A_56] : memref<100352xi32, #tpu.memory_space<hbm>> -> memref<6272xi32, #tpu.memory_space<hbm>>
          tpu.wait_dma2 semaphore(%run_scoped3A : memref<!tpu.dma_semaphore, #tpu.memory_space<semaphore_mem>>) src(%dma_wait3A_102 : memref<6272xi32, #tpu.memory_space<hbm>>) dst(%arg5 : memref<6272xi32, #tpu.memory_space<vmem>>)
          tpu.yield
        }) : () -> ()
        %mul3A_57 = arith.constant 6272 : i32
        %mul3A_58 = arith.muli %while3A_52, %mul3A_57 : i32
        %add3A = vector.broadcast %mul3A_58 : i32 to vector<16xi32>
        %add3A_59 = arith.addi %add3A, %iota3A : vector<16xi32>
        %while3A_60 = arith.constant 0 : i32
        %while3A_61 = arith.constant 196 : i32
        %while3A_62 = arith.subi %while3A_61, %while3A_60 : i32
        %while3A_63 = arith.addi %while3A_60, %while3A_62 : i32
        %while3A_64 = arith.constant 1 : i32
        %while3A_65 = arith.divsi %while3A_62, %while3A_64 : i32
        %while3A_66 = arith.muli %while3A_65, %while3A_64 : i32
        %while3A_67 = arith.addi %while3A_60, %while3A_66 : i32
        %while3A_68 = arith.constant 1 : i32
        %while3A_69:2 = scf.for %while3A_101 = %while3A_60 to %while3A_67 step %while3A_68 iter_args(%while3A_102 = %while3A_53, %while3A_103 = %add3A_59) -> (i32, vector<16xi32>)  : i32 {
          %mul3A_104 = arith.constant 32 : i32
          %mul3A_105 = arith.muli %while3A_101, %mul3A_104 : i32
          %add3A_106 = arith.constant 0 : i32
          %add3A_107 = arith.addi %mul3A_105, %add3A_106 : i32
          %get3A_108 = arith.index_cast %add3A_107 : i32 to index
          %get3A_109 = tpu.vector_load %arg5[%get3A_108] {strides = array<i32>} : memref<6272xi32, #tpu.memory_space<vmem>>, vector<16xi32>,
          %gt3A = arith.constant 0 : i32
          %gt3A_110 = vector.broadcast %gt3A : i32 to vector<16xi32>
          %gt3A_111 = arith.cmpi sgt, %get3A_109, %gt3A_110 : vector<16xi32>
          %swap3A_112 = arith.index_cast %while3A_102 : i32 to index
          %swap3A_113 = tpu.vector_load %arg6[%swap3A_112] masked %gt3A_111 {strides = array<i32>} : memref<6304xi32, #tpu.memory_space<vmem>>, vector<16xi32>, vector<16xi1>
          tpu.vector_store %arg6[%swap3A_112], %while3A_103 masked %gt3A_111 {strides = array<i32>} : memref<6304xi32, #tpu.memory_space<vmem>>, vector<16xi32>, vector<16xi1>
          %swap3A_114 = arith.index_cast %while3A_102 : i32 to index
          %swap3A_115 = tpu.vector_load %arg7[%swap3A_114] masked %gt3A_111 {strides = array<i32>} : memref<6304xi32, #tpu.memory_space<vmem>>, vector<16xi32>, vector<16xi1>
          tpu.vector_store %arg7[%swap3A_114], %get3A_109 masked %gt3A_111 {strides = array<i32>} : memref<6304xi32, #tpu.memory_space<vmem>>, vector<16xi32>, vector<16xi1>
          %all_reduce_population_count3A = tpu.all_reduce %gt3A_111 {dim = 0 : i64, kind = #tpu.reduction_kind<sum>} : vector<16xi1> -> vector<16xi32>
          %slice3A = vector.extract_strided_slice %all_reduce_population_count3A {offsets = [0], sizes = [1], strides = [1]} : vector<16xi32> to vector<1xi32>
          %squeeze3A = vector.extract %slice3A[0] : i32 from vector<1xi32>
          %add3A_116 = arith.addi %while3A_102, %squeeze3A : i32
          %add3A_117 = arith.constant 16 : i32
          %add3A_118 = vector.broadcast %add3A_117 : i32 to vector<16xi32>
          %add3A_119 = arith.addi %while3A_103, %add3A_118 : vector<16xi32>
          %mul3A_120 = arith.constant 32 : i32
          %mul3A_121 = arith.muli %while3A_101, %mul3A_120 : i32
          %add3A_122 = arith.constant 16 : i32
          %add3A_123 = arith.addi %mul3A_121, %add3A_122 : i32
          %get3A_124 = arith.index_cast %add3A_123 : i32 to index
          %get3A_125 = tpu.vector_load %arg5[%get3A_124] {strides = array<i32>} : memref<6272xi32, #tpu.memory_space<vmem>>, vector<16xi32>,
          %gt3A_126 = arith.constant 0 : i32
          %gt3A_127 = vector.broadcast %gt3A_126 : i32 to vector<16xi32>
          %gt3A_128 = arith.cmpi sgt, %get3A_125, %gt3A_127 : vector<16xi32>
          %swap3A_129 = arith.index_cast %add3A_116 : i32 to index
          %swap3A_130 = tpu.vector_load %arg6[%swap3A_129] masked %gt3A_128 {strides = array<i32>} : memref<6304xi32, #tpu.memory_space<vmem>>, vector<16xi32>, vector<16xi1>
          tpu.vector_store %arg6[%swap3A_129], %add3A_119 masked %gt3A_128 {strides = array<i32>} : memref<6304xi32, #tpu.memory_space<vmem>>, vector<16xi32>, vector<16xi1>
          %swap3A_131 = arith.index_cast %add3A_116 : i32 to index
          %swap3A_132 = tpu.vector_load %arg7[%swap3A_131] masked %gt3A_128 {strides = array<i32>} : memref<6304xi32, #tpu.memory_space<vmem>>, vector<16xi32>, vector<16xi1>
          tpu.vector_store %arg7[%swap3A_131], %get3A_125 masked %gt3A_128 {strides = array<i32>} : memref<6304xi32, #tpu.memory_space<vmem>>, vector<16xi32>, vector<16xi1>
          %all_reduce_population_count3A_133 = tpu.all_reduce %gt3A_128 {dim = 0 : i64, kind = #tpu.reduction_kind<sum>} : vector<16xi1> -> vector<16xi32>
          %slice3A_134 = vector.extract_strided_slice %all_reduce_population_count3A_133 {offsets = [0], sizes = [1], strides = [1]} : vector<16xi32> to vector<1xi32>
          %squeeze3A_135 = vector.extract %slice3A_134[0] : i32 from vector<1xi32>
          %add3A_136 = arith.addi %add3A_116, %squeeze3A_135 : i32
          %add3A_137 = arith.constant 16 : i32
          %add3A_138 = vector.broadcast %add3A_137 : i32 to vector<16xi32>
          %add3A_139 = arith.addi %add3A_119, %add3A_138 : vector<16xi32>
          scf.yield %add3A_136, %add3A_139 : i32, vector<16xi32>
        }
        %while3A_70 = arith.constant 1 : i32
        %while3A_71:2 = scf.for %while3A_101 = %while3A_67 to %while3A_63 step %while3A_70 iter_args(%while3A_102 = %while3A_69#0, %while3A_103 = %while3A_69#1) -> (i32, vector<16xi32>)  : i32 {
          %mul3A_104 = arith.constant 32 : i32
          %mul3A_105 = arith.muli %while3A_101, %mul3A_104 : i32
          %add3A_106 = arith.constant 0 : i32
          %add3A_107 = arith.addi %mul3A_105, %add3A_106 : i32
          %get3A_108 = arith.index_cast %add3A_107 : i32 to index
          %get3A_109 = tpu.vector_load %arg5[%get3A_108] {strides = array<i32>} : memref<6272xi32, #tpu.memory_space<vmem>>, vector<16xi32>,
          %gt3A = arith.constant 0 : i32
          %gt3A_110 = vector.broadcast %gt3A : i32 to vector<16xi32>
          %gt3A_111 = arith.cmpi sgt, %get3A_109, %gt3A_110 : vector<16xi32>
          %swap3A_112 = arith.index_cast %while3A_102 : i32 to index
          %swap3A_113 = tpu.vector_load %arg6[%swap3A_112] masked %gt3A_111 {strides = array<i32>} : memref<6304xi32, #tpu.memory_space<vmem>>, vector<16xi32>, vector<16xi1>
          tpu.vector_store %arg6[%swap3A_112], %while3A_103 masked %gt3A_111 {strides = array<i32>} : memref<6304xi32, #tpu.memory_space<vmem>>, vector<16xi32>, vector<16xi1>
          %swap3A_114 = arith.index_cast %while3A_102 : i32 to index
          %swap3A_115 = tpu.vector_load %arg7[%swap3A_114] masked %gt3A_111 {strides = array<i32>} : memref<6304xi32, #tpu.memory_space<vmem>>, vector<16xi32>, vector<16xi1>
          tpu.vector_store %arg7[%swap3A_114], %get3A_109 masked %gt3A_111 {strides = array<i32>} : memref<6304xi32, #tpu.memory_space<vmem>>, vector<16xi32>, vector<16xi1>
          %all_reduce_population_count3A = tpu.all_reduce %gt3A_111 {dim = 0 : i64, kind = #tpu.reduction_kind<sum>} : vector<16xi1> -> vector<16xi32>
          %slice3A = vector.extract_strided_slice %all_reduce_population_count3A {offsets = [0], sizes = [1], strides = [1]} : vector<16xi32> to vector<1xi32>
          %squeeze3A = vector.extract %slice3A[0] : i32 from vector<1xi32>
          %add3A_116 = arith.addi %while3A_102, %squeeze3A : i32
          %add3A_117 = arith.constant 16 : i32
          %add3A_118 = vector.broadcast %add3A_117 : i32 to vector<16xi32>
          %add3A_119 = arith.addi %while3A_103, %add3A_118 : vector<16xi32>
          %mul3A_120 = arith.constant 32 : i32
          %mul3A_121 = arith.muli %while3A_101, %mul3A_120 : i32
          %add3A_122 = arith.constant 16 : i32
          %add3A_123 = arith.addi %mul3A_121, %add3A_122 : i32
          %get3A_124 = arith.index_cast %add3A_123 : i32 to index
          %get3A_125 = tpu.vector_load %arg5[%get3A_124] {strides = array<i32>} : memref<6272xi32, #tpu.memory_space<vmem>>, vector<16xi32>,
          %gt3A_126 = arith.constant 0 : i32
          %gt3A_127 = vector.broadcast %gt3A_126 : i32 to vector<16xi32>
          %gt3A_128 = arith.cmpi sgt, %get3A_125, %gt3A_127 : vector<16xi32>
          %swap3A_129 = arith.index_cast %add3A_116 : i32 to index
          %swap3A_130 = tpu.vector_load %arg6[%swap3A_129] masked %gt3A_128 {strides = array<i32>} : memref<6304xi32, #tpu.memory_space<vmem>>, vector<16xi32>, vector<16xi1>
          tpu.vector_store %arg6[%swap3A_129], %add3A_119 masked %gt3A_128 {strides = array<i32>} : memref<6304xi32, #tpu.memory_space<vmem>>, vector<16xi32>, vector<16xi1>
          %swap3A_131 = arith.index_cast %add3A_116 : i32 to index
          %swap3A_132 = tpu.vector_load %arg7[%swap3A_131] masked %gt3A_128 {strides = array<i32>} : memref<6304xi32, #tpu.memory_space<vmem>>, vector<16xi32>, vector<16xi1>
          tpu.vector_store %arg7[%swap3A_131], %get3A_125 masked %gt3A_128 {strides = array<i32>} : memref<6304xi32, #tpu.memory_space<vmem>>, vector<16xi32>, vector<16xi1>
          %all_reduce_population_count3A_133 = tpu.all_reduce %gt3A_128 {dim = 0 : i64, kind = #tpu.reduction_kind<sum>} : vector<16xi1> -> vector<16xi32>
          %slice3A_134 = vector.extract_strided_slice %all_reduce_population_count3A_133 {offsets = [0], sizes = [1], strides = [1]} : vector<16xi32> to vector<1xi32>
          %squeeze3A_135 = vector.extract %slice3A_134[0] : i32 from vector<1xi32>
          %add3A_136 = arith.addi %add3A_116, %squeeze3A_135 : i32
          %add3A_137 = arith.constant 16 : i32
          %add3A_138 = vector.broadcast %add3A_137 : i32 to vector<16xi32>
          %add3A_139 = arith.addi %add3A_119, %add3A_138 : vector<16xi32>
          scf.yield %add3A_136, %add3A_139 : i32, vector<16xi32>
        }
        %and3A_72 = arith.constant 7 : i32
        %and3A_73 = arith.andi %while3A_71#0, %and3A_72 : i32
        %sub3A = arith.subi %while3A_71#0, %and3A_73 : i32
        %get3A = arith.index_cast %sub3A : i32 to index
        %get3A_74 = tpu.vector_load %arg6[%get3A] {strides = array<i32>} : memref<6304xi32, #tpu.memory_space<vmem>>, vector<16xi32>,
        %get3A_75 = arith.index_cast %sub3A : i32 to index
        %get3A_76 = tpu.vector_load %arg7[%get3A_75] {strides = array<i32>} : memref<6304xi32, #tpu.memory_space<vmem>>, vector<16xi32>,
        %lt3A = vector.broadcast %and3A_73 : i32 to vector<16xi32>
        %lt3A_77 = arith.cmpi slt, %iota3A, %lt3A : vector<16xi32>
        %jit3A = arith.constant 0 : i32
        %broadcast_in_dim3A_78 = vector.broadcast %jit3A : i32 to vector<16xi32>
        %select_n3A = arith.select %lt3A_77, %get3A_74, %broadcast_in_dim3A_78 : vector<16xi1>, vector<16xi32>
        %lt3A_79 = vector.broadcast %and3A_73 : i32 to vector<16xi32>
        %lt3A_80 = arith.cmpi slt, %iota3A, %lt3A_79 : vector<16xi32>
        %jit3A_81 = arith.constant 0 : i32
        %broadcast_in_dim3A_82 = vector.broadcast %jit3A_81 : i32 to vector<16xi32>
        %select_n3A_83 = arith.select %lt3A_80, %get3A_76, %broadcast_in_dim3A_82 : vector<16xi1>, vector<16xi32>
        %multiple_of3A_84 = tpu.assume_multiple %while3A_54, 8 : i32
        "tpu.region"() ({
          %run_scoped3A = tpu.sem_alloc : memref<!tpu.dma_semaphore, #tpu.memory_space<semaphore_mem>>
          %dma_start3A = arith.constant 0 : i32
          %dma_start3A_101 = tpu.memref_slice %arg6[%dma_start3A] : memref<6304xi32, #tpu.memory_space<vmem>> -> memref<6280xi32, #tpu.memory_space<vmem>>
          %dma_start3A_102 = tpu.memref_slice %arg3[%multiple_of3A_84] : memref<106496xi32, #tpu.memory_space<hbm>> -> memref<6280xi32, #tpu.memory_space<hbm>>
          %dma_start3A_103 = tpu.memref_slice %arg3[%multiple_of3A_84] : memref<106496xi32, #tpu.memory_space<hbm>> -> memref<6280xi32, #tpu.memory_space<hbm>>
          %dma_start3A_104 = arith.constant 0 : i32
          %dma_start3A_105 = tpu.memref_slice %arg6[%dma_start3A_104] : memref<6304xi32, #tpu.memory_space<vmem>> -> memref<6280xi32, #tpu.memory_space<vmem>>
          tpu.enqueue_dma source(%dma_start3A_105 : memref<6280xi32, #tpu.memory_space<vmem>>) target(%dma_start3A_103 : memref<6280xi32, #tpu.memory_space<hbm>>) target_semaphore(%run_scoped3A : memref<!tpu.dma_semaphore, #tpu.memory_space<semaphore_mem>>)
          %dma_wait3A = arith.constant 0 : i32
          %dma_wait3A_106 = tpu.memref_slice %arg6[%dma_wait3A] : memref<6304xi32, #tpu.memory_space<vmem>> -> memref<6280xi32, #tpu.memory_space<vmem>>
          %dma_wait3A_107 = tpu.memref_slice %arg3[%multiple_of3A_84] : memref<106496xi32, #tpu.memory_space<hbm>> -> memref<6280xi32, #tpu.memory_space<hbm>>
          %dma_wait3A_108 = tpu.memref_slice %arg3[%multiple_of3A_84] : memref<106496xi32, #tpu.memory_space<hbm>> -> memref<6280xi32, #tpu.memory_space<hbm>>
          %dma_wait3A_109 = arith.constant 0 : i32
          %dma_wait3A_110 = tpu.memref_slice %arg6[%dma_wait3A_109] : memref<6304xi32, #tpu.memory_space<vmem>> -> memref<6280xi32, #tpu.memory_space<vmem>>
          tpu.wait_dma2 semaphore(%run_scoped3A : memref<!tpu.dma_semaphore, #tpu.memory_space<semaphore_mem>>) src(%dma_wait3A_110 : memref<6280xi32, #tpu.memory_space<vmem>>) dst(%dma_wait3A_108 : memref<6280xi32, #tpu.memory_space<hbm>>)
          tpu.yield
        }) : () -> ()
        %multiple_of3A_85 = tpu.assume_multiple %while3A_54, 8 : i32
        "tpu.region"() ({
          %run_scoped3A = tpu.sem_alloc : memref<!tpu.dma_semaphore, #tpu.memory_space<semaphore_mem>>
          %dma_start3A = arith.constant 0 : i32
          %dma_start3A_101 = tpu.memref_slice %arg7[%dma_start3A] : memref<6304xi32, #tpu.memory_space<vmem>> -> memref<6280xi32, #tpu.memory_space<vmem>>
          %dma_start3A_102 = tpu.memref_slice %arg4[%multiple_of3A_85] : memref<106496xi32, #tpu.memory_space<hbm>> -> memref<6280xi32, #tpu.memory_space<hbm>>
          %dma_start3A_103 = tpu.memref_slice %arg4[%multiple_of3A_85] : memref<106496xi32, #tpu.memory_space<hbm>> -> memref<6280xi32, #tpu.memory_space<hbm>>
          %dma_start3A_104 = arith.constant 0 : i32
          %dma_start3A_105 = tpu.memref_slice %arg7[%dma_start3A_104] : memref<6304xi32, #tpu.memory_space<vmem>> -> memref<6280xi32, #tpu.memory_space<vmem>>
          tpu.enqueue_dma source(%dma_start3A_105 : memref<6280xi32, #tpu.memory_space<vmem>>) target(%dma_start3A_103 : memref<6280xi32, #tpu.memory_space<hbm>>) target_semaphore(%run_scoped3A : memref<!tpu.dma_semaphore, #tpu.memory_space<semaphore_mem>>)
          %dma_wait3A = arith.constant 0 : i32
          %dma_wait3A_106 = tpu.memref_slice %arg7[%dma_wait3A] : memref<6304xi32, #tpu.memory_space<vmem>> -> memref<6280xi32, #tpu.memory_space<vmem>>
          %dma_wait3A_107 = tpu.memref_slice %arg4[%multiple_of3A_85] : memref<106496xi32, #tpu.memory_space<hbm>> -> memref<6280xi32, #tpu.memory_space<hbm>>
          %dma_wait3A_108 = tpu.memref_slice %arg4[%multiple_of3A_85] : memref<106496xi32, #tpu.memory_space<hbm>> -> memref<6280xi32, #tpu.memory_space<hbm>>
          %dma_wait3A_109 = arith.constant 0 : i32
          %dma_wait3A_110 = tpu.memref_slice %arg7[%dma_wait3A_109] : memref<6304xi32, #tpu.memory_space<vmem>> -> memref<6280xi32, #tpu.memory_space<vmem>>
          tpu.wait_dma2 semaphore(%run_scoped3A : memref<!tpu.dma_semaphore, #tpu.memory_space<semaphore_mem>>) src(%dma_wait3A_110 : memref<6280xi32, #tpu.memory_space<vmem>>) dst(%dma_wait3A_108 : memref<6280xi32, #tpu.memory_space<hbm>>)
          tpu.yield
        }) : () -> ()
        %while3A_86 = arith.constant 0 : i32
        %while3A_87 = arith.constant 0 : i32
        %while3A_88 = arith.constant 197 : i32
        %while3A_89 = arith.subi %while3A_88, %while3A_87 : i32
        %while3A_90 = arith.addi %while3A_87, %while3A_89 : i32
        %while3A_91 = arith.constant 1 : i32
        %while3A_92 = arith.divsi %while3A_89, %while3A_91 : i32
        %while3A_93 = arith.muli %while3A_92, %while3A_91 : i32
        %while3A_94 = arith.addi %while3A_87, %while3A_93 : i32
        %while3A_95 = arith.constant 1 : i32
        scf.for %while3A_101 = %while3A_87 to %while3A_94 step %while3A_95  : i32 {
          %mul3A_102 = arith.constant 32 : i32
          %mul3A_103 = arith.muli %while3A_101, %mul3A_102 : i32
          %add3A_104 = arith.constant 0 : i32
          %add3A_105 = arith.addi %mul3A_103, %add3A_104 : i32
          %swap3A_106 = arith.index_cast %add3A_105 : i32 to index
          %swap3A_107 = tpu.vector_load %arg6[%swap3A_106] {strides = array<i32>} : memref<6304xi32, #tpu.memory_space<vmem>>, vector<16xi32>,
          tpu.vector_store %arg6[%swap3A_106], %broadcast_in_dim3A_4 {strides = array<i32>} : memref<6304xi32, #tpu.memory_space<vmem>>, vector<16xi32>,
          %add3A_108 = arith.constant 0 : i32
          %add3A_109 = arith.addi %mul3A_103, %add3A_108 : i32
          %swap3A_110 = arith.index_cast %add3A_109 : i32 to index
          %swap3A_111 = tpu.vector_load %arg7[%swap3A_110] {strides = array<i32>} : memref<6304xi32, #tpu.memory_space<vmem>>, vector<16xi32>,
          tpu.vector_store %arg7[%swap3A_110], %broadcast_in_dim3A_4 {strides = array<i32>} : memref<6304xi32, #tpu.memory_space<vmem>>, vector<16xi32>,
          %add3A_112 = arith.constant 16 : i32
          %add3A_113 = arith.addi %mul3A_103, %add3A_112 : i32
          %swap3A_114 = arith.index_cast %add3A_113 : i32 to index
          %swap3A_115 = tpu.vector_load %arg6[%swap3A_114] {strides = array<i32>} : memref<6304xi32, #tpu.memory_space<vmem>>, vector<16xi32>,
          tpu.vector_store %arg6[%swap3A_114], %broadcast_in_dim3A_4 {strides = array<i32>} : memref<6304xi32, #tpu.memory_space<vmem>>, vector<16xi32>,
          %add3A_116 = arith.constant 16 : i32
          %add3A_117 = arith.addi %mul3A_103, %add3A_116 : i32
          %swap3A_118 = arith.index_cast %add3A_117 : i32 to index
          %swap3A_119 = tpu.vector_load %arg7[%swap3A_118] {strides = array<i32>} : memref<6304xi32, #tpu.memory_space<vmem>>, vector<16xi32>,
          tpu.vector_store %arg7[%swap3A_118], %broadcast_in_dim3A_4 {strides = array<i32>} : memref<6304xi32, #tpu.memory_space<vmem>>, vector<16xi32>,
        }
        %while3A_96 = arith.constant 1 : i32
        scf.for %while3A_101 = %while3A_94 to %while3A_90 step %while3A_96  : i32 {
          %mul3A_102 = arith.constant 32 : i32
          %mul3A_103 = arith.muli %while3A_101, %mul3A_102 : i32
          %add3A_104 = arith.constant 0 : i32
          %add3A_105 = arith.addi %mul3A_103, %add3A_104 : i32
          %swap3A_106 = arith.index_cast %add3A_105 : i32 to index
          %swap3A_107 = tpu.vector_load %arg6[%swap3A_106] {strides = array<i32>} : memref<6304xi32, #tpu.memory_space<vmem>>, vector<16xi32>,
          tpu.vector_store %arg6[%swap3A_106], %broadcast_in_dim3A_4 {strides = array<i32>} : memref<6304xi32, #tpu.memory_space<vmem>>, vector<16xi32>,
          %add3A_108 = arith.constant 0 : i32
          %add3A_109 = arith.addi %mul3A_103, %add3A_108 : i32
          %swap3A_110 = arith.index_cast %add3A_109 : i32 to index
          %swap3A_111 = tpu.vector_load %arg7[%swap3A_110] {strides = array<i32>} : memref<6304xi32, #tpu.memory_space<vmem>>, vector<16xi32>,
          tpu.vector_store %arg7[%swap3A_110], %broadcast_in_dim3A_4 {strides = array<i32>} : memref<6304xi32, #tpu.memory_space<vmem>>, vector<16xi32>,
          %add3A_112 = arith.constant 16 : i32
          %add3A_113 = arith.addi %mul3A_103, %add3A_112 : i32
          %swap3A_114 = arith.index_cast %add3A_113 : i32 to index
          %swap3A_115 = tpu.vector_load %arg6[%swap3A_114] {strides = array<i32>} : memref<6304xi32, #tpu.memory_space<vmem>>, vector<16xi32>,
          tpu.vector_store %arg6[%swap3A_114], %broadcast_in_dim3A_4 {strides = array<i32>} : memref<6304xi32, #tpu.memory_space<vmem>>, vector<16xi32>,
          %add3A_116 = arith.constant 16 : i32
          %add3A_117 = arith.addi %mul3A_103, %add3A_116 : i32
          %swap3A_118 = arith.index_cast %add3A_117 : i32 to index
          %swap3A_119 = tpu.vector_load %arg7[%swap3A_118] {strides = array<i32>} : memref<6304xi32, #tpu.memory_space<vmem>>, vector<16xi32>,
          tpu.vector_store %arg7[%swap3A_118], %broadcast_in_dim3A_4 {strides = array<i32>} : memref<6304xi32, #tpu.memory_space<vmem>>, vector<16xi32>,
        }
        %swap3A = arith.constant 0 : index
        %swap3A_97 = tpu.vector_load %arg6[%swap3A] {strides = array<i32>} : memref<6304xi32, #tpu.memory_space<vmem>>, vector<16xi32>,
        tpu.vector_store %arg6[%swap3A], %select_n3A {strides = array<i32>} : memref<6304xi32, #tpu.memory_space<vmem>>, vector<16xi32>,
        %swap3A_98 = arith.constant 0 : index
        %swap3A_99 = tpu.vector_load %arg7[%swap3A_98] {strides = array<i32>} : memref<6304xi32, #tpu.memory_space<vmem>>, vector<16xi32>,
        tpu.vector_store %arg7[%swap3A_98], %select_n3A_83 {strides = array<i32>} : memref<6304xi32, #tpu.memory_space<vmem>>, vector<16xi32>,
        %add3A_100 = arith.addi %while3A_54, %sub3A : i32
        scf.yield %and3A_73, %add3A_100 : i32, i32
      }
      %multiple_of3A = tpu.assume_multiple %while3A_28#1, 8 : i32
      "tpu.region"() ({
        %run_scoped3A = tpu.sem_alloc : memref<!tpu.dma_semaphore, #tpu.memory_space<semaphore_mem>>
        %dma_start3A = arith.constant 0 : i32
        %dma_start3A_52 = tpu.memref_slice %arg6[%dma_start3A] : memref<6304xi32, #tpu.memory_space<vmem>> -> memref<6280xi32, #tpu.memory_space<vmem>>
        %dma_start3A_53 = tpu.memref_slice %arg3[%multiple_of3A] : memref<106496xi32, #tpu.memory_space<hbm>> -> memref<6280xi32, #tpu.memory_space<hbm>>
        %dma_start3A_54 = tpu.memref_slice %arg3[%multiple_of3A] : memref<106496xi32, #tpu.memory_space<hbm>> -> memref<6280xi32, #tpu.memory_space<hbm>>
        %dma_start3A_55 = arith.constant 0 : i32
        %dma_start3A_56 = tpu.memref_slice %arg6[%dma_start3A_55] : memref<6304xi32, #tpu.memory_space<vmem>> -> memref<6280xi32, #tpu.memory_space<vmem>>
        tpu.enqueue_dma source(%dma_start3A_56 : memref<6280xi32, #tpu.memory_space<vmem>>) target(%dma_start3A_54 : memref<6280xi32, #tpu.memory_space<hbm>>) target_semaphore(%run_scoped3A : memref<!tpu.dma_semaphore, #tpu.memory_space<semaphore_mem>>)
        %dma_wait3A = arith.constant 0 : i32
        %dma_wait3A_57 = tpu.memref_slice %arg6[%dma_wait3A] : memref<6304xi32, #tpu.memory_space<vmem>> -> memref<6280xi32, #tpu.memory_space<vmem>>
        %dma_wait3A_58 = tpu.memref_slice %arg3[%multiple_of3A] : memref<106496xi32, #tpu.memory_space<hbm>> -> memref<6280xi32, #tpu.memory_space<hbm>>
        %dma_wait3A_59 = tpu.memref_slice %arg3[%multiple_of3A] : memref<106496xi32, #tpu.memory_space<hbm>> -> memref<6280xi32, #tpu.memory_space<hbm>>
        %dma_wait3A_60 = arith.constant 0 : i32
        %dma_wait3A_61 = tpu.memref_slice %arg6[%dma_wait3A_60] : memref<6304xi32, #tpu.memory_space<vmem>> -> memref<6280xi32, #tpu.memory_space<vmem>>
        tpu.wait_dma2 semaphore(%run_scoped3A : memref<!tpu.dma_semaphore, #tpu.memory_space<semaphore_mem>>) src(%dma_wait3A_61 : memref<6280xi32, #tpu.memory_space<vmem>>) dst(%dma_wait3A_59 : memref<6280xi32, #tpu.memory_space<hbm>>)
        tpu.yield
      }) : () -> ()
      %multiple_of3A_29 = tpu.assume_multiple %while3A_28#1, 8 : i32
      "tpu.region"() ({
        %run_scoped3A = tpu.sem_alloc : memref<!tpu.dma_semaphore, #tpu.memory_space<semaphore_mem>>
        %dma_start3A = arith.constant 0 : i32
        %dma_start3A_52 = tpu.memref_slice %arg7[%dma_start3A] : memref<6304xi32, #tpu.memory_space<vmem>> -> memref<6280xi32, #tpu.memory_space<vmem>>
        %dma_start3A_53 = tpu.memref_slice %arg4[%multiple_of3A_29] : memref<106496xi32, #tpu.memory_space<hbm>> -> memref<6280xi32, #tpu.memory_space<hbm>>
        %dma_start3A_54 = tpu.memref_slice %arg4[%multiple_of3A_29] : memref<106496xi32, #tpu.memory_space<hbm>> -> memref<6280xi32, #tpu.memory_space<hbm>>
        %dma_start3A_55 = arith.constant 0 : i32
        %dma_start3A_56 = tpu.memref_slice %arg7[%dma_start3A_55] : memref<6304xi32, #tpu.memory_space<vmem>> -> memref<6280xi32, #tpu.memory_space<vmem>>
        tpu.enqueue_dma source(%dma_start3A_56 : memref<6280xi32, #tpu.memory_space<vmem>>) target(%dma_start3A_54 : memref<6280xi32, #tpu.memory_space<hbm>>) target_semaphore(%run_scoped3A : memref<!tpu.dma_semaphore, #tpu.memory_space<semaphore_mem>>)
        %dma_wait3A = arith.constant 0 : i32
        %dma_wait3A_57 = tpu.memref_slice %arg7[%dma_wait3A] : memref<6304xi32, #tpu.memory_space<vmem>> -> memref<6280xi32, #tpu.memory_space<vmem>>
        %dma_wait3A_58 = tpu.memref_slice %arg4[%multiple_of3A_29] : memref<106496xi32, #tpu.memory_space<hbm>> -> memref<6280xi32, #tpu.memory_space<hbm>>
        %dma_wait3A_59 = tpu.memref_slice %arg4[%multiple_of3A_29] : memref<106496xi32, #tpu.memory_space<hbm>> -> memref<6280xi32, #tpu.memory_space<hbm>>
        %dma_wait3A_60 = arith.constant 0 : i32
        %dma_wait3A_61 = tpu.memref_slice %arg7[%dma_wait3A_60] : memref<6304xi32, #tpu.memory_space<vmem>> -> memref<6280xi32, #tpu.memory_space<vmem>>
        tpu.wait_dma2 semaphore(%run_scoped3A : memref<!tpu.dma_semaphore, #tpu.memory_space<semaphore_mem>>) src(%dma_wait3A_61 : memref<6280xi32, #tpu.memory_space<vmem>>) dst(%dma_wait3A_59 : memref<6280xi32, #tpu.memory_space<hbm>>)
        tpu.yield
      }) : () -> ()
      %while3A_30 = arith.constant 0 : i32
      %while3A_31 = arith.constant 0 : i32
      %while3A_32 = arith.constant 197 : i32
      %while3A_33 = arith.subi %while3A_32, %while3A_31 : i32
      %while3A_34 = arith.addi %while3A_31, %while3A_33 : i32
      %while3A_35 = arith.constant 1 : i32
      %while3A_36 = arith.divsi %while3A_33, %while3A_35 : i32
      %while3A_37 = arith.muli %while3A_36, %while3A_35 : i32
      %while3A_38 = arith.addi %while3A_31, %while3A_37 : i32
      %while3A_39 = arith.constant 1 : i32
      scf.for %while3A_52 = %while3A_31 to %while3A_38 step %while3A_39  : i32 {
        %mul3A = arith.constant 32 : i32
        %mul3A_53 = arith.muli %while3A_52, %mul3A : i32
        %add3A = arith.constant 0 : i32
        %add3A_54 = arith.addi %mul3A_53, %add3A : i32
        %swap3A = arith.index_cast %add3A_54 : i32 to index
        %swap3A_55 = tpu.vector_load %arg6[%swap3A] {strides = array<i32>} : memref<6304xi32, #tpu.memory_space<vmem>>, vector<16xi32>,
        tpu.vector_store %arg6[%swap3A], %broadcast_in_dim3A_4 {strides = array<i32>} : memref<6304xi32, #tpu.memory_space<vmem>>, vector<16xi32>,
        %add3A_56 = arith.constant 0 : i32
        %add3A_57 = arith.addi %mul3A_53, %add3A_56 : i32
        %swap3A_58 = arith.index_cast %add3A_57 : i32 to index
        %swap3A_59 = tpu.vector_load %arg7[%swap3A_58] {strides = array<i32>} : memref<6304xi32, #tpu.memory_space<vmem>>, vector<16xi32>,
        tpu.vector_store %arg7[%swap3A_58], %broadcast_in_dim3A_4 {strides = array<i32>} : memref<6304xi32, #tpu.memory_space<vmem>>, vector<16xi32>,
        %add3A_60 = arith.constant 16 : i32
        %add3A_61 = arith.addi %mul3A_53, %add3A_60 : i32
        %swap3A_62 = arith.index_cast %add3A_61 : i32 to index
        %swap3A_63 = tpu.vector_load %arg6[%swap3A_62] {strides = array<i32>} : memref<6304xi32, #tpu.memory_space<vmem>>, vector<16xi32>,
        tpu.vector_store %arg6[%swap3A_62], %broadcast_in_dim3A_4 {strides = array<i32>} : memref<6304xi32, #tpu.memory_space<vmem>>, vector<16xi32>,
        %add3A_64 = arith.constant 16 : i32
        %add3A_65 = arith.addi %mul3A_53, %add3A_64 : i32
        %swap3A_66 = arith.index_cast %add3A_65 : i32 to index
        %swap3A_67 = tpu.vector_load %arg7[%swap3A_66] {strides = array<i32>} : memref<6304xi32, #tpu.memory_space<vmem>>, vector<16xi32>,
        tpu.vector_store %arg7[%swap3A_66], %broadcast_in_dim3A_4 {strides = array<i32>} : memref<6304xi32, #tpu.memory_space<vmem>>, vector<16xi32>,
      }
      %while3A_40 = arith.constant 1 : i32
      scf.for %while3A_52 = %while3A_38 to %while3A_34 step %while3A_40  : i32 {
        %mul3A = arith.constant 32 : i32
        %mul3A_53 = arith.muli %while3A_52, %mul3A : i32
        %add3A = arith.constant 0 : i32
        %add3A_54 = arith.addi %mul3A_53, %add3A : i32
        %swap3A = arith.index_cast %add3A_54 : i32 to index
        %swap3A_55 = tpu.vector_load %arg6[%swap3A] {strides = array<i32>} : memref<6304xi32, #tpu.memory_space<vmem>>, vector<16xi32>,
        tpu.vector_store %arg6[%swap3A], %broadcast_in_dim3A_4 {strides = array<i32>} : memref<6304xi32, #tpu.memory_space<vmem>>, vector<16xi32>,
        %add3A_56 = arith.constant 0 : i32
        %add3A_57 = arith.addi %mul3A_53, %add3A_56 : i32
        %swap3A_58 = arith.index_cast %add3A_57 : i32 to index
        %swap3A_59 = tpu.vector_load %arg7[%swap3A_58] {strides = array<i32>} : memref<6304xi32, #tpu.memory_space<vmem>>, vector<16xi32>,
        tpu.vector_store %arg7[%swap3A_58], %broadcast_in_dim3A_4 {strides = array<i32>} : memref<6304xi32, #tpu.memory_space<vmem>>, vector<16xi32>,
        %add3A_60 = arith.constant 16 : i32
        %add3A_61 = arith.addi %mul3A_53, %add3A_60 : i32
        %swap3A_62 = arith.index_cast %add3A_61 : i32 to index
        %swap3A_63 = tpu.vector_load %arg6[%swap3A_62] {strides = array<i32>} : memref<6304xi32, #tpu.memory_space<vmem>>, vector<16xi32>,
        tpu.vector_store %arg6[%swap3A_62], %broadcast_in_dim3A_4 {strides = array<i32>} : memref<6304xi32, #tpu.memory_space<vmem>>, vector<16xi32>,
        %add3A_64 = arith.constant 16 : i32
        %add3A_65 = arith.addi %mul3A_53, %add3A_64 : i32
        %swap3A_66 = arith.index_cast %add3A_65 : i32 to index
        %swap3A_67 = tpu.vector_load %arg7[%swap3A_66] {strides = array<i32>} : memref<6304xi32, #tpu.memory_space<vmem>>, vector<16xi32>,
        tpu.vector_store %arg7[%swap3A_66], %broadcast_in_dim3A_4 {strides = array<i32>} : memref<6304xi32, #tpu.memory_space<vmem>>, vector<16xi32>,
      }
      %while3A_41 = arith.constant 0 : i32
      %while3A_42 = arith.constant 0 : i32
      %while3A_43 = arith.constant 17 : i32
      %while3A_44 = arith.subi %while3A_43, %while3A_42 : i32
      %while3A_45 = arith.addi %while3A_42, %while3A_44 : i32
      %while3A_46 = arith.constant 1 : i32
      %while3A_47 = arith.divsi %while3A_44, %while3A_46 : i32
      %while3A_48 = arith.muli %while3A_47, %while3A_46 : i32
      %while3A_49 = arith.addi %while3A_42, %while3A_48 : i32
      %while3A_50 = arith.constant 1 : i32
      scf.for %while3A_52 = %while3A_42 to %while3A_49 step %while3A_50  : i32 {
        %add3A = arith.constant 6280 : i32
        %add3A_53 = arith.addi %while3A_28#1, %add3A : i32
        %mul3A = arith.constant 6280 : i32
        %mul3A_54 = arith.muli %while3A_52, %mul3A : i32
        %add3A_55 = arith.addi %add3A_53, %mul3A_54 : i32
        %min3A = arith.constant 100216 : i32
        %min3A_56 = arith.minsi %add3A_55, %min3A : i32
        %multiple_of3A_57 = tpu.assume_multiple %min3A_56, 8 : i32
        "tpu.region"() ({
          %run_scoped3A = tpu.sem_alloc : memref<!tpu.dma_semaphore, #tpu.memory_space<semaphore_mem>>
          %dma_start3A = arith.constant 0 : i32
          %dma_start3A_59 = tpu.memref_slice %arg6[%dma_start3A] : memref<6304xi32, #tpu.memory_space<vmem>> -> memref<6280xi32, #tpu.memory_space<vmem>>
          %dma_start3A_60 = tpu.memref_slice %arg3[%multiple_of3A_57] : memref<106496xi32, #tpu.memory_space<hbm>> -> memref<6280xi32, #tpu.memory_space<hbm>>
          %dma_start3A_61 = tpu.memref_slice %arg3[%multiple_of3A_57] : memref<106496xi32, #tpu.memory_space<hbm>> -> memref<6280xi32, #tpu.memory_space<hbm>>
          %dma_start3A_62 = arith.constant 0 : i32
          %dma_start3A_63 = tpu.memref_slice %arg6[%dma_start3A_62] : memref<6304xi32, #tpu.memory_space<vmem>> -> memref<6280xi32, #tpu.memory_space<vmem>>
          tpu.enqueue_dma source(%dma_start3A_63 : memref<6280xi32, #tpu.memory_space<vmem>>) target(%dma_start3A_61 : memref<6280xi32, #tpu.memory_space<hbm>>) target_semaphore(%run_scoped3A : memref<!tpu.dma_semaphore, #tpu.memory_space<semaphore_mem>>)
          %dma_wait3A = arith.constant 0 : i32
          %dma_wait3A_64 = tpu.memref_slice %arg6[%dma_wait3A] : memref<6304xi32, #tpu.memory_space<vmem>> -> memref<6280xi32, #tpu.memory_space<vmem>>
          %dma_wait3A_65 = tpu.memref_slice %arg3[%multiple_of3A_57] : memref<106496xi32, #tpu.memory_space<hbm>> -> memref<6280xi32, #tpu.memory_space<hbm>>
          %dma_wait3A_66 = tpu.memref_slice %arg3[%multiple_of3A_57] : memref<106496xi32, #tpu.memory_space<hbm>> -> memref<6280xi32, #tpu.memory_space<hbm>>
          %dma_wait3A_67 = arith.constant 0 : i32
          %dma_wait3A_68 = tpu.memref_slice %arg6[%dma_wait3A_67] : memref<6304xi32, #tpu.memory_space<vmem>> -> memref<6280xi32, #tpu.memory_space<vmem>>
          tpu.wait_dma2 semaphore(%run_scoped3A : memref<!tpu.dma_semaphore, #tpu.memory_space<semaphore_mem>>) src(%dma_wait3A_68 : memref<6280xi32, #tpu.memory_space<vmem>>) dst(%dma_wait3A_66 : memref<6280xi32, #tpu.memory_space<hbm>>)
          tpu.yield
        }) : () -> ()
        %multiple_of3A_58 = tpu.assume_multiple %min3A_56, 8 : i32
        "tpu.region"() ({
          %run_scoped3A = tpu.sem_alloc : memref<!tpu.dma_semaphore, #tpu.memory_space<semaphore_mem>>
          %dma_start3A = arith.constant 0 : i32
          %dma_start3A_59 = tpu.memref_slice %arg7[%dma_start3A] : memref<6304xi32, #tpu.memory_space<vmem>> -> memref<6280xi32, #tpu.memory_space<vmem>>
          %dma_start3A_60 = tpu.memref_slice %arg4[%multiple_of3A_58] : memref<106496xi32, #tpu.memory_space<hbm>> -> memref<6280xi32, #tpu.memory_space<hbm>>
          %dma_start3A_61 = tpu.memref_slice %arg4[%multiple_of3A_58] : memref<106496xi32, #tpu.memory_space<hbm>> -> memref<6280xi32, #tpu.memory_space<hbm>>
          %dma_start3A_62 = arith.constant 0 : i32
          %dma_start3A_63 = tpu.memref_slice %arg7[%dma_start3A_62] : memref<6304xi32, #tpu.memory_space<vmem>> -> memref<6280xi32, #tpu.memory_space<vmem>>
          tpu.enqueue_dma source(%dma_start3A_63 : memref<6280xi32, #tpu.memory_space<vmem>>) target(%dma_start3A_61 : memref<6280xi32, #tpu.memory_space<hbm>>) target_semaphore(%run_scoped3A : memref<!tpu.dma_semaphore, #tpu.memory_space<semaphore_mem>>)
          %dma_wait3A = arith.constant 0 : i32
          %dma_wait3A_64 = tpu.memref_slice %arg7[%dma_wait3A] : memref<6304xi32, #tpu.memory_space<vmem>> -> memref<6280xi32, #tpu.memory_space<vmem>>
          %dma_wait3A_65 = tpu.memref_slice %arg4[%multiple_of3A_58] : memref<106496xi32, #tpu.memory_space<hbm>> -> memref<6280xi32, #tpu.memory_space<hbm>>
          %dma_wait3A_66 = tpu.memref_slice %arg4[%multiple_of3A_58] : memref<106496xi32, #tpu.memory_space<hbm>> -> memref<6280xi32, #tpu.memory_space<hbm>>
          %dma_wait3A_67 = arith.constant 0 : i32
          %dma_wait3A_68 = tpu.memref_slice %arg7[%dma_wait3A_67] : memref<6304xi32, #tpu.memory_space<vmem>> -> memref<6280xi32, #tpu.memory_space<vmem>>
          tpu.wait_dma2 semaphore(%run_scoped3A : memref<!tpu.dma_semaphore, #tpu.memory_space<semaphore_mem>>) src(%dma_wait3A_68 : memref<6280xi32, #tpu.memory_space<vmem>>) dst(%dma_wait3A_66 : memref<6280xi32, #tpu.memory_space<hbm>>)
          tpu.yield
        }) : () -> ()
      }
      %while3A_51 = arith.constant 1 : i32
      scf.for %while3A_52 = %while3A_49 to %while3A_45 step %while3A_51  : i32 {
        %add3A = arith.constant 6280 : i32
        %add3A_53 = arith.addi %while3A_28#1, %add3A : i32
        %mul3A = arith.constant 6280 : i32
        %mul3A_54 = arith.muli %while3A_52, %mul3A : i32
        %add3A_55 = arith.addi %add3A_53, %mul3A_54 : i32
        %min3A = arith.constant 100216 : i32
        %min3A_56 = arith.minsi %add3A_55, %min3A : i32
        %multiple_of3A_57 = tpu.assume_multiple %min3A_56, 8 : i32
        "tpu.region"() ({
          %run_scoped3A = tpu.sem_alloc : memref<!tpu.dma_semaphore, #tpu.memory_space<semaphore_mem>>
          %dma_start3A = arith.constant 0 : i32
          %dma_start3A_59 = tpu.memref_slice %arg6[%dma_start3A] : memref<6304xi32, #tpu.memory_space<vmem>> -> memref<6280xi32, #tpu.memory_space<vmem>>
          %dma_start3A_60 = tpu.memref_slice %arg3[%multiple_of3A_57] : memref<106496xi32, #tpu.memory_space<hbm>> -> memref<6280xi32, #tpu.memory_space<hbm>>
          %dma_start3A_61 = tpu.memref_slice %arg3[%multiple_of3A_57] : memref<106496xi32, #tpu.memory_space<hbm>> -> memref<6280xi32, #tpu.memory_space<hbm>>
          %dma_start3A_62 = arith.constant 0 : i32
          %dma_start3A_63 = tpu.memref_slice %arg6[%dma_start3A_62] : memref<6304xi32, #tpu.memory_space<vmem>> -> memref<6280xi32, #tpu.memory_space<vmem>>
          tpu.enqueue_dma source(%dma_start3A_63 : memref<6280xi32, #tpu.memory_space<vmem>>) target(%dma_start3A_61 : memref<6280xi32, #tpu.memory_space<hbm>>) target_semaphore(%run_scoped3A : memref<!tpu.dma_semaphore, #tpu.memory_space<semaphore_mem>>)
          %dma_wait3A = arith.constant 0 : i32
          %dma_wait3A_64 = tpu.memref_slice %arg6[%dma_wait3A] : memref<6304xi32, #tpu.memory_space<vmem>> -> memref<6280xi32, #tpu.memory_space<vmem>>
          %dma_wait3A_65 = tpu.memref_slice %arg3[%multiple_of3A_57] : memref<106496xi32, #tpu.memory_space<hbm>> -> memref<6280xi32, #tpu.memory_space<hbm>>
          %dma_wait3A_66 = tpu.memref_slice %arg3[%multiple_of3A_57] : memref<106496xi32, #tpu.memory_space<hbm>> -> memref<6280xi32, #tpu.memory_space<hbm>>
          %dma_wait3A_67 = arith.constant 0 : i32
          %dma_wait3A_68 = tpu.memref_slice %arg6[%dma_wait3A_67] : memref<6304xi32, #tpu.memory_space<vmem>> -> memref<6280xi32, #tpu.memory_space<vmem>>
          tpu.wait_dma2 semaphore(%run_scoped3A : memref<!tpu.dma_semaphore, #tpu.memory_space<semaphore_mem>>) src(%dma_wait3A_68 : memref<6280xi32, #tpu.memory_space<vmem>>) dst(%dma_wait3A_66 : memref<6280xi32, #tpu.memory_space<hbm>>)
          tpu.yield
        }) : () -> ()
        %multiple_of3A_58 = tpu.assume_multiple %min3A_56, 8 : i32
        "tpu.region"() ({
          %run_scoped3A = tpu.sem_alloc : memref<!tpu.dma_semaphore, #tpu.memory_space<semaphore_mem>>
          %dma_start3A = arith.constant 0 : i32
          %dma_start3A_59 = tpu.memref_slice %arg7[%dma_start3A] : memref<6304xi32, #tpu.memory_space<vmem>> -> memref<6280xi32, #tpu.memory_space<vmem>>
          %dma_start3A_60 = tpu.memref_slice %arg4[%multiple_of3A_58] : memref<106496xi32, #tpu.memory_space<hbm>> -> memref<6280xi32, #tpu.memory_space<hbm>>
          %dma_start3A_61 = tpu.memref_slice %arg4[%multiple_of3A_58] : memref<106496xi32, #tpu.memory_space<hbm>> -> memref<6280xi32, #tpu.memory_space<hbm>>
          %dma_start3A_62 = arith.constant 0 : i32
          %dma_start3A_63 = tpu.memref_slice %arg7[%dma_start3A_62] : memref<6304xi32, #tpu.memory_space<vmem>> -> memref<6280xi32, #tpu.memory_space<vmem>>
          tpu.enqueue_dma source(%dma_start3A_63 : memref<6280xi32, #tpu.memory_space<vmem>>) target(%dma_start3A_61 : memref<6280xi32, #tpu.memory_space<hbm>>) target_semaphore(%run_scoped3A : memref<!tpu.dma_semaphore, #tpu.memory_space<semaphore_mem>>)
          %dma_wait3A = arith.constant 0 : i32
          %dma_wait3A_64 = tpu.memref_slice %arg7[%dma_wait3A] : memref<6304xi32, #tpu.memory_space<vmem>> -> memref<6280xi32, #tpu.memory_space<vmem>>
          %dma_wait3A_65 = tpu.memref_slice %arg4[%multiple_of3A_58] : memref<106496xi32, #tpu.memory_space<hbm>> -> memref<6280xi32, #tpu.memory_space<hbm>>
          %dma_wait3A_66 = tpu.memref_slice %arg4[%multiple_of3A_58] : memref<106496xi32, #tpu.memory_space<hbm>> -> memref<6280xi32, #tpu.memory_space<hbm>>
          %dma_wait3A_67 = arith.constant 0 : i32
          %dma_wait3A_68 = tpu.memref_slice %arg7[%dma_wait3A_67] : memref<6304xi32, #tpu.memory_space<vmem>> -> memref<6280xi32, #tpu.memory_space<vmem>>
          tpu.wait_dma2 semaphore(%run_scoped3A : memref<!tpu.dma_semaphore, #tpu.memory_space<semaphore_mem>>) src(%dma_wait3A_68 : memref<6280xi32, #tpu.memory_space<vmem>>) dst(%dma_wait3A_66 : memref<6280xi32, #tpu.memory_space<hbm>>)
          tpu.yield
        }) : () -> ()
      }
    } else {
    }
    return
  }
}

#map = affine_map<(d0, d1) -> (0)>
module attributes {stable_mosaic.version = 14 : i64} {
  func.func @_hist_kernel(%arg0: i32, %arg1: i32, %arg2: memref<16777216xi32, #tpu.memory_space<hbm>>, %arg3: memref<3211264xi32, #tpu.memory_space<hbm>>, %arg4: memref<100352xi32, #tpu.memory_space<vmem>>, %arg5: memref<8192xi32, #tpu.memory_space<vmem>>, %arg6: memref<8192xi32, #tpu.memory_space<vmem>>, %arg7: memref<!tpu.dma_semaphore, #tpu.memory_space<semaphore_mem>>, %arg8: memref<!tpu.dma_semaphore, #tpu.memory_space<semaphore_mem>>) attributes {dimension_semantics = [#tpu.dimension_semantics<core_parallel>, #tpu.dimension_semantics<subcore_parallel>], iteration_bounds = array<i64: 2, 16>, scalar_prefetch = 0 : i64, scratch_operands = 5 : i64, tpu.core_type = #tpu.core_type<sc_vector_subcore>, window_params = [{transform_indices = #map}, {transform_indices = #map}]} {
    %mul3A = arith.constant 2 : i32
    %mul3A_0 = arith.muli %arg1, %mul3A : i32
    %add3A = arith.addi %mul3A_0, %arg0 : i32
    %mul3A_1 = arith.constant 524288 : i32
    %mul3A_2 = arith.muli %add3A, %mul3A_1 : i32
    %broadcast_in_dim3A = arith.constant 0 : i32
    %broadcast_in_dim3A_3 = vector.broadcast %broadcast_in_dim3A : i32 to vector<16xi32>
    %broadcast_in_dim3A_4 = arith.constant 1 : i32
    %broadcast_in_dim3A_5 = vector.broadcast %broadcast_in_dim3A_4 : i32 to vector<16xi32>
    %while3A = arith.constant 0 : i32
    %while3A_6 = arith.constant 0 : i32
    %while3A_7 = arith.constant 784 : i32
    %while3A_8 = arith.subi %while3A_7, %while3A_6 : i32
    %while3A_9 = arith.addi %while3A_6, %while3A_8 : i32
    %while3A_10 = arith.constant 1 : i32
    %while3A_11 = arith.divsi %while3A_8, %while3A_10 : i32
    %while3A_12 = arith.muli %while3A_11, %while3A_10 : i32
    %while3A_13 = arith.addi %while3A_6, %while3A_12 : i32
    %while3A_14 = arith.constant 1 : i32
    scf.for %while3A_35 = %while3A_6 to %while3A_13 step %while3A_14  : i32 {
      %mul3A_36 = arith.constant 128 : i32
      %mul3A_37 = arith.muli %while3A_35, %mul3A_36 : i32
      %add3A_38 = arith.constant 0 : i32
      %add3A_39 = arith.addi %mul3A_37, %add3A_38 : i32
      %swap3A = arith.index_cast %add3A_39 : i32 to index
      %swap3A_40 = tpu.vector_load %arg4[%swap3A] {strides = array<i32>} : memref<100352xi32, #tpu.memory_space<vmem>>, vector<16xi32>,
      tpu.vector_store %arg4[%swap3A], %broadcast_in_dim3A_3 {strides = array<i32>} : memref<100352xi32, #tpu.memory_space<vmem>>, vector<16xi32>,
      %add3A_41 = arith.constant 16 : i32
      %add3A_42 = arith.addi %mul3A_37, %add3A_41 : i32
      %swap3A_43 = arith.index_cast %add3A_42 : i32 to index
      %swap3A_44 = tpu.vector_load %arg4[%swap3A_43] {strides = array<i32>} : memref<100352xi32, #tpu.memory_space<vmem>>, vector<16xi32>,
      tpu.vector_store %arg4[%swap3A_43], %broadcast_in_dim3A_3 {strides = array<i32>} : memref<100352xi32, #tpu.memory_space<vmem>>, vector<16xi32>,
      %add3A_45 = arith.constant 32 : i32
      %add3A_46 = arith.addi %mul3A_37, %add3A_45 : i32
      %swap3A_47 = arith.index_cast %add3A_46 : i32 to index
      %swap3A_48 = tpu.vector_load %arg4[%swap3A_47] {strides = array<i32>} : memref<100352xi32, #tpu.memory_space<vmem>>, vector<16xi32>,
      tpu.vector_store %arg4[%swap3A_47], %broadcast_in_dim3A_3 {strides = array<i32>} : memref<100352xi32, #tpu.memory_space<vmem>>, vector<16xi32>,
      %add3A_49 = arith.constant 48 : i32
      %add3A_50 = arith.addi %mul3A_37, %add3A_49 : i32
      %swap3A_51 = arith.index_cast %add3A_50 : i32 to index
      %swap3A_52 = tpu.vector_load %arg4[%swap3A_51] {strides = array<i32>} : memref<100352xi32, #tpu.memory_space<vmem>>, vector<16xi32>,
      tpu.vector_store %arg4[%swap3A_51], %broadcast_in_dim3A_3 {strides = array<i32>} : memref<100352xi32, #tpu.memory_space<vmem>>, vector<16xi32>,
      %add3A_53 = arith.constant 64 : i32
      %add3A_54 = arith.addi %mul3A_37, %add3A_53 : i32
      %swap3A_55 = arith.index_cast %add3A_54 : i32 to index
      %swap3A_56 = tpu.vector_load %arg4[%swap3A_55] {strides = array<i32>} : memref<100352xi32, #tpu.memory_space<vmem>>, vector<16xi32>,
      tpu.vector_store %arg4[%swap3A_55], %broadcast_in_dim3A_3 {strides = array<i32>} : memref<100352xi32, #tpu.memory_space<vmem>>, vector<16xi32>,
      %add3A_57 = arith.constant 80 : i32
      %add3A_58 = arith.addi %mul3A_37, %add3A_57 : i32
      %swap3A_59 = arith.index_cast %add3A_58 : i32 to index
      %swap3A_60 = tpu.vector_load %arg4[%swap3A_59] {strides = array<i32>} : memref<100352xi32, #tpu.memory_space<vmem>>, vector<16xi32>,
      tpu.vector_store %arg4[%swap3A_59], %broadcast_in_dim3A_3 {strides = array<i32>} : memref<100352xi32, #tpu.memory_space<vmem>>, vector<16xi32>,
      %add3A_61 = arith.constant 96 : i32
      %add3A_62 = arith.addi %mul3A_37, %add3A_61 : i32
      %swap3A_63 = arith.index_cast %add3A_62 : i32 to index
      %swap3A_64 = tpu.vector_load %arg4[%swap3A_63] {strides = array<i32>} : memref<100352xi32, #tpu.memory_space<vmem>>, vector<16xi32>,
      tpu.vector_store %arg4[%swap3A_63], %broadcast_in_dim3A_3 {strides = array<i32>} : memref<100352xi32, #tpu.memory_space<vmem>>, vector<16xi32>,
      %add3A_65 = arith.constant 112 : i32
      %add3A_66 = arith.addi %mul3A_37, %add3A_65 : i32
      %swap3A_67 = arith.index_cast %add3A_66 : i32 to index
      %swap3A_68 = tpu.vector_load %arg4[%swap3A_67] {strides = array<i32>} : memref<100352xi32, #tpu.memory_space<vmem>>, vector<16xi32>,
      tpu.vector_store %arg4[%swap3A_67], %broadcast_in_dim3A_3 {strides = array<i32>} : memref<100352xi32, #tpu.memory_space<vmem>>, vector<16xi32>,
    }
    %while3A_15 = arith.constant 1 : i32
    scf.for %while3A_35 = %while3A_13 to %while3A_9 step %while3A_15  : i32 {
      %mul3A_36 = arith.constant 128 : i32
      %mul3A_37 = arith.muli %while3A_35, %mul3A_36 : i32
      %add3A_38 = arith.constant 0 : i32
      %add3A_39 = arith.addi %mul3A_37, %add3A_38 : i32
      %swap3A = arith.index_cast %add3A_39 : i32 to index
      %swap3A_40 = tpu.vector_load %arg4[%swap3A] {strides = array<i32>} : memref<100352xi32, #tpu.memory_space<vmem>>, vector<16xi32>,
      tpu.vector_store %arg4[%swap3A], %broadcast_in_dim3A_3 {strides = array<i32>} : memref<100352xi32, #tpu.memory_space<vmem>>, vector<16xi32>,
      %add3A_41 = arith.constant 16 : i32
      %add3A_42 = arith.addi %mul3A_37, %add3A_41 : i32
      %swap3A_43 = arith.index_cast %add3A_42 : i32 to index
      %swap3A_44 = tpu.vector_load %arg4[%swap3A_43] {strides = array<i32>} : memref<100352xi32, #tpu.memory_space<vmem>>, vector<16xi32>,
      tpu.vector_store %arg4[%swap3A_43], %broadcast_in_dim3A_3 {strides = array<i32>} : memref<100352xi32, #tpu.memory_space<vmem>>, vector<16xi32>,
      %add3A_45 = arith.constant 32 : i32
      %add3A_46 = arith.addi %mul3A_37, %add3A_45 : i32
      %swap3A_47 = arith.index_cast %add3A_46 : i32 to index
      %swap3A_48 = tpu.vector_load %arg4[%swap3A_47] {strides = array<i32>} : memref<100352xi32, #tpu.memory_space<vmem>>, vector<16xi32>,
      tpu.vector_store %arg4[%swap3A_47], %broadcast_in_dim3A_3 {strides = array<i32>} : memref<100352xi32, #tpu.memory_space<vmem>>, vector<16xi32>,
      %add3A_49 = arith.constant 48 : i32
      %add3A_50 = arith.addi %mul3A_37, %add3A_49 : i32
      %swap3A_51 = arith.index_cast %add3A_50 : i32 to index
      %swap3A_52 = tpu.vector_load %arg4[%swap3A_51] {strides = array<i32>} : memref<100352xi32, #tpu.memory_space<vmem>>, vector<16xi32>,
      tpu.vector_store %arg4[%swap3A_51], %broadcast_in_dim3A_3 {strides = array<i32>} : memref<100352xi32, #tpu.memory_space<vmem>>, vector<16xi32>,
      %add3A_53 = arith.constant 64 : i32
      %add3A_54 = arith.addi %mul3A_37, %add3A_53 : i32
      %swap3A_55 = arith.index_cast %add3A_54 : i32 to index
      %swap3A_56 = tpu.vector_load %arg4[%swap3A_55] {strides = array<i32>} : memref<100352xi32, #tpu.memory_space<vmem>>, vector<16xi32>,
      tpu.vector_store %arg4[%swap3A_55], %broadcast_in_dim3A_3 {strides = array<i32>} : memref<100352xi32, #tpu.memory_space<vmem>>, vector<16xi32>,
      %add3A_57 = arith.constant 80 : i32
      %add3A_58 = arith.addi %mul3A_37, %add3A_57 : i32
      %swap3A_59 = arith.index_cast %add3A_58 : i32 to index
      %swap3A_60 = tpu.vector_load %arg4[%swap3A_59] {strides = array<i32>} : memref<100352xi32, #tpu.memory_space<vmem>>, vector<16xi32>,
      tpu.vector_store %arg4[%swap3A_59], %broadcast_in_dim3A_3 {strides = array<i32>} : memref<100352xi32, #tpu.memory_space<vmem>>, vector<16xi32>,
      %add3A_61 = arith.constant 96 : i32
      %add3A_62 = arith.addi %mul3A_37, %add3A_61 : i32
      %swap3A_63 = arith.index_cast %add3A_62 : i32 to index
      %swap3A_64 = tpu.vector_load %arg4[%swap3A_63] {strides = array<i32>} : memref<100352xi32, #tpu.memory_space<vmem>>, vector<16xi32>,
      tpu.vector_store %arg4[%swap3A_63], %broadcast_in_dim3A_3 {strides = array<i32>} : memref<100352xi32, #tpu.memory_space<vmem>>, vector<16xi32>,
      %add3A_65 = arith.constant 112 : i32
      %add3A_66 = arith.addi %mul3A_37, %add3A_65 : i32
      %swap3A_67 = arith.index_cast %add3A_66 : i32 to index
      %swap3A_68 = tpu.vector_load %arg4[%swap3A_67] {strides = array<i32>} : memref<100352xi32, #tpu.memory_space<vmem>>, vector<16xi32>,
      tpu.vector_store %arg4[%swap3A_67], %broadcast_in_dim3A_3 {strides = array<i32>} : memref<100352xi32, #tpu.memory_space<vmem>>, vector<16xi32>,
    }
    %mul3A_16 = arith.constant 0 : i32
    %mul3A_17 = arith.constant 8192 : i32
    %mul3A_18 = arith.muli %mul3A_16, %mul3A_17 : i32
    %add3A_19 = arith.addi %mul3A_2, %mul3A_18 : i32
    %multiple_of3A = tpu.assume_multiple %add3A_19, 8 : i32
    %dma_start3A = tpu.memref_slice %arg2[%multiple_of3A] : memref<16777216xi32, #tpu.memory_space<hbm>> -> memref<8192xi32, #tpu.memory_space<hbm>>
    %dma_start3A_20 = tpu.memref_slice %arg2[%multiple_of3A] : memref<16777216xi32, #tpu.memory_space<hbm>> -> memref<8192xi32, #tpu.memory_space<hbm>>
    tpu.enqueue_dma source(%dma_start3A_20 : memref<8192xi32, #tpu.memory_space<hbm>>) target(%arg5 : memref<8192xi32, #tpu.memory_space<vmem>>) target_semaphore(%arg7 : memref<!tpu.dma_semaphore, #tpu.memory_space<semaphore_mem>>)
    %while3A_21 = arith.constant 0 : i32
    %while3A_22 = arith.constant 0 : i32
    %while3A_23 = arith.constant 32 : i32
    %while3A_24 = arith.subi %while3A_23, %while3A_22 : i32
    %while3A_25 = arith.addi %while3A_22, %while3A_24 : i32
    %while3A_26 = arith.constant 1 : i32
    %while3A_27 = arith.divsi %while3A_24, %while3A_26 : i32
    %while3A_28 = arith.muli %while3A_27, %while3A_26 : i32
    %while3A_29 = arith.addi %while3A_22, %while3A_28 : i32
    %while3A_30 = arith.constant 1 : i32
    scf.for %while3A_35 = %while3A_22 to %while3A_29 step %while3A_30  : i32 {
      %mul3A_36 = arith.constant 2 : i32
      %mul3A_37 = arith.muli %mul3A_36, %while3A_35 : i32
      %add3A_38 = arith.constant 1 : i32
      %add3A_39 = arith.addi %mul3A_37, %add3A_38 : i32
      %mul3A_40 = arith.constant 8192 : i32
      %mul3A_41 = arith.muli %add3A_39, %mul3A_40 : i32
      %add3A_42 = arith.addi %mul3A_2, %mul3A_41 : i32
      %multiple_of3A_43 = tpu.assume_multiple %add3A_42, 8 : i32
      %dma_start3A_44 = tpu.memref_slice %arg2[%multiple_of3A_43] : memref<16777216xi32, #tpu.memory_space<hbm>> -> memref<8192xi32, #tpu.memory_space<hbm>>
      %dma_start3A_45 = tpu.memref_slice %arg2[%multiple_of3A_43] : memref<16777216xi32, #tpu.memory_space<hbm>> -> memref<8192xi32, #tpu.memory_space<hbm>>
      tpu.enqueue_dma source(%dma_start3A_45 : memref<8192xi32, #tpu.memory_space<hbm>>) target(%arg6 : memref<8192xi32, #tpu.memory_space<vmem>>) target_semaphore(%arg8 : memref<!tpu.dma_semaphore, #tpu.memory_space<semaphore_mem>>)
      %mul3A_46 = arith.constant 2 : i32
      %mul3A_47 = arith.muli %mul3A_46, %while3A_35 : i32
      %mul3A_48 = arith.constant 8192 : i32
      %mul3A_49 = arith.muli %mul3A_47, %mul3A_48 : i32
      %add3A_50 = arith.addi %mul3A_2, %mul3A_49 : i32
      %multiple_of3A_51 = tpu.assume_multiple %add3A_50, 8 : i32
      %dma_wait3A = tpu.memref_slice %arg2[%multiple_of3A_51] : memref<16777216xi32, #tpu.memory_space<hbm>> -> memref<8192xi32, #tpu.memory_space<hbm>>
      %dma_wait3A_52 = tpu.memref_slice %arg2[%multiple_of3A_51] : memref<16777216xi32, #tpu.memory_space<hbm>> -> memref<8192xi32, #tpu.memory_space<hbm>>
      tpu.wait_dma2 semaphore(%arg7 : memref<!tpu.dma_semaphore, #tpu.memory_space<semaphore_mem>>) src(%dma_wait3A_52 : memref<8192xi32, #tpu.memory_space<hbm>>) dst(%arg5 : memref<8192xi32, #tpu.memory_space<vmem>>)
      %while3A_53 = arith.constant 0 : i32
      %while3A_54 = arith.constant 0 : i32
      %while3A_55 = arith.constant 32 : i32
      %while3A_56 = arith.subi %while3A_55, %while3A_54 : i32
      %while3A_57 = arith.addi %while3A_54, %while3A_56 : i32
      %while3A_58 = arith.constant 1 : i32
      %while3A_59 = arith.divsi %while3A_56, %while3A_58 : i32
      %while3A_60 = arith.muli %while3A_59, %while3A_58 : i32
      %while3A_61 = arith.addi %while3A_54, %while3A_60 : i32
      %while3A_62 = arith.constant 1 : i32
      scf.for %while3A_87 = %while3A_54 to %while3A_61 step %while3A_62  : i32 {
        %mul3A_88 = arith.constant 256 : i32
        %mul3A_89 = arith.muli %while3A_87, %mul3A_88 : i32
        %add3A_90 = arith.constant 0 : i32
        %add3A_91 = arith.addi %mul3A_89, %add3A_90 : i32
        %get3A = arith.index_cast %add3A_91 : i32 to index
        %get3A_92 = tpu.vector_load %arg5[%get3A] {strides = array<i32>} : memref<8192xi32, #tpu.memory_space<vmem>>, vector<16xi32>,
        %bitcast3A = vector.bitcast %get3A_92 : vector<16xi32> to vector<16xi32>
        tpu.vector_store_idx %arg4[%bitcast3A], %broadcast_in_dim3A_5 {add = true} : memref<100352xi32, #tpu.memory_space<vmem>>[vector<16xi32>], vector<16xi32>,
        %add3A_93 = arith.constant 16 : i32
        %add3A_94 = arith.addi %mul3A_89, %add3A_93 : i32
        %get3A_95 = arith.index_cast %add3A_94 : i32 to index
        %get3A_96 = tpu.vector_load %arg5[%get3A_95] {strides = array<i32>} : memref<8192xi32, #tpu.memory_space<vmem>>, vector<16xi32>,
        %bitcast3A_97 = vector.bitcast %get3A_96 : vector<16xi32> to vector<16xi32>
        tpu.vector_store_idx %arg4[%bitcast3A_97], %broadcast_in_dim3A_5 {add = true} : memref<100352xi32, #tpu.memory_space<vmem>>[vector<16xi32>], vector<16xi32>,
        %add3A_98 = arith.constant 32 : i32
        %add3A_99 = arith.addi %mul3A_89, %add3A_98 : i32
        %get3A_100 = arith.index_cast %add3A_99 : i32 to index
        %get3A_101 = tpu.vector_load %arg5[%get3A_100] {strides = array<i32>} : memref<8192xi32, #tpu.memory_space<vmem>>, vector<16xi32>,
        %bitcast3A_102 = vector.bitcast %get3A_101 : vector<16xi32> to vector<16xi32>
        tpu.vector_store_idx %arg4[%bitcast3A_102], %broadcast_in_dim3A_5 {add = true} : memref<100352xi32, #tpu.memory_space<vmem>>[vector<16xi32>], vector<16xi32>,
        %add3A_103 = arith.constant 48 : i32
        %add3A_104 = arith.addi %mul3A_89, %add3A_103 : i32
        %get3A_105 = arith.index_cast %add3A_104 : i32 to index
        %get3A_106 = tpu.vector_load %arg5[%get3A_105] {strides = array<i32>} : memref<8192xi32, #tpu.memory_space<vmem>>, vector<16xi32>,
        %bitcast3A_107 = vector.bitcast %get3A_106 : vector<16xi32> to vector<16xi32>
        tpu.vector_store_idx %arg4[%bitcast3A_107], %broadcast_in_dim3A_5 {add = true} : memref<100352xi32, #tpu.memory_space<vmem>>[vector<16xi32>], vector<16xi32>,
        %add3A_108 = arith.constant 64 : i32
        %add3A_109 = arith.addi %mul3A_89, %add3A_108 : i32
        %get3A_110 = arith.index_cast %add3A_109 : i32 to index
        %get3A_111 = tpu.vector_load %arg5[%get3A_110] {strides = array<i32>} : memref<8192xi32, #tpu.memory_space<vmem>>, vector<16xi32>,
        %bitcast3A_112 = vector.bitcast %get3A_111 : vector<16xi32> to vector<16xi32>
        tpu.vector_store_idx %arg4[%bitcast3A_112], %broadcast_in_dim3A_5 {add = true} : memref<100352xi32, #tpu.memory_space<vmem>>[vector<16xi32>], vector<16xi32>,
        %add3A_113 = arith.constant 80 : i32
        %add3A_114 = arith.addi %mul3A_89, %add3A_113 : i32
        %get3A_115 = arith.index_cast %add3A_114 : i32 to index
        %get3A_116 = tpu.vector_load %arg5[%get3A_115] {strides = array<i32>} : memref<8192xi32, #tpu.memory_space<vmem>>, vector<16xi32>,
        %bitcast3A_117 = vector.bitcast %get3A_116 : vector<16xi32> to vector<16xi32>
        tpu.vector_store_idx %arg4[%bitcast3A_117], %broadcast_in_dim3A_5 {add = true} : memref<100352xi32, #tpu.memory_space<vmem>>[vector<16xi32>], vector<16xi32>,
        %add3A_118 = arith.constant 96 : i32
        %add3A_119 = arith.addi %mul3A_89, %add3A_118 : i32
        %get3A_120 = arith.index_cast %add3A_119 : i32 to index
        %get3A_121 = tpu.vector_load %arg5[%get3A_120] {strides = array<i32>} : memref<8192xi32, #tpu.memory_space<vmem>>, vector<16xi32>,
        %bitcast3A_122 = vector.bitcast %get3A_121 : vector<16xi32> to vector<16xi32>
        tpu.vector_store_idx %arg4[%bitcast3A_122], %broadcast_in_dim3A_5 {add = true} : memref<100352xi32, #tpu.memory_space<vmem>>[vector<16xi32>], vector<16xi32>,
        %add3A_123 = arith.constant 112 : i32
        %add3A_124 = arith.addi %mul3A_89, %add3A_123 : i32
        %get3A_125 = arith.index_cast %add3A_124 : i32 to index
        %get3A_126 = tpu.vector_load %arg5[%get3A_125] {strides = array<i32>} : memref<8192xi32, #tpu.memory_space<vmem>>, vector<16xi32>,
        %bitcast3A_127 = vector.bitcast %get3A_126 : vector<16xi32> to vector<16xi32>
        tpu.vector_store_idx %arg4[%bitcast3A_127], %broadcast_in_dim3A_5 {add = true} : memref<100352xi32, #tpu.memory_space<vmem>>[vector<16xi32>], vector<16xi32>,
        %add3A_128 = arith.constant 128 : i32
        %add3A_129 = arith.addi %mul3A_89, %add3A_128 : i32
        %get3A_130 = arith.index_cast %add3A_129 : i32 to index
        %get3A_131 = tpu.vector_load %arg5[%get3A_130] {strides = array<i32>} : memref<8192xi32, #tpu.memory_space<vmem>>, vector<16xi32>,
        %bitcast3A_132 = vector.bitcast %get3A_131 : vector<16xi32> to vector<16xi32>
        tpu.vector_store_idx %arg4[%bitcast3A_132], %broadcast_in_dim3A_5 {add = true} : memref<100352xi32, #tpu.memory_space<vmem>>[vector<16xi32>], vector<16xi32>,
        %add3A_133 = arith.constant 144 : i32
        %add3A_134 = arith.addi %mul3A_89, %add3A_133 : i32
        %get3A_135 = arith.index_cast %add3A_134 : i32 to index
        %get3A_136 = tpu.vector_load %arg5[%get3A_135] {strides = array<i32>} : memref<8192xi32, #tpu.memory_space<vmem>>, vector<16xi32>,
        %bitcast3A_137 = vector.bitcast %get3A_136 : vector<16xi32> to vector<16xi32>
        tpu.vector_store_idx %arg4[%bitcast3A_137], %broadcast_in_dim3A_5 {add = true} : memref<100352xi32, #tpu.memory_space<vmem>>[vector<16xi32>], vector<16xi32>,
        %add3A_138 = arith.constant 160 : i32
        %add3A_139 = arith.addi %mul3A_89, %add3A_138 : i32
        %get3A_140 = arith.index_cast %add3A_139 : i32 to index
        %get3A_141 = tpu.vector_load %arg5[%get3A_140] {strides = array<i32>} : memref<8192xi32, #tpu.memory_space<vmem>>, vector<16xi32>,
        %bitcast3A_142 = vector.bitcast %get3A_141 : vector<16xi32> to vector<16xi32>
        tpu.vector_store_idx %arg4[%bitcast3A_142], %broadcast_in_dim3A_5 {add = true} : memref<100352xi32, #tpu.memory_space<vmem>>[vector<16xi32>], vector<16xi32>,
        %add3A_143 = arith.constant 176 : i32
        %add3A_144 = arith.addi %mul3A_89, %add3A_143 : i32
        %get3A_145 = arith.index_cast %add3A_144 : i32 to index
        %get3A_146 = tpu.vector_load %arg5[%get3A_145] {strides = array<i32>} : memref<8192xi32, #tpu.memory_space<vmem>>, vector<16xi32>,
        %bitcast3A_147 = vector.bitcast %get3A_146 : vector<16xi32> to vector<16xi32>
        tpu.vector_store_idx %arg4[%bitcast3A_147], %broadcast_in_dim3A_5 {add = true} : memref<100352xi32, #tpu.memory_space<vmem>>[vector<16xi32>], vector<16xi32>,
        %add3A_148 = arith.constant 192 : i32
        %add3A_149 = arith.addi %mul3A_89, %add3A_148 : i32
        %get3A_150 = arith.index_cast %add3A_149 : i32 to index
        %get3A_151 = tpu.vector_load %arg5[%get3A_150] {strides = array<i32>} : memref<8192xi32, #tpu.memory_space<vmem>>, vector<16xi32>,
        %bitcast3A_152 = vector.bitcast %get3A_151 : vector<16xi32> to vector<16xi32>
        tpu.vector_store_idx %arg4[%bitcast3A_152], %broadcast_in_dim3A_5 {add = true} : memref<100352xi32, #tpu.memory_space<vmem>>[vector<16xi32>], vector<16xi32>,
        %add3A_153 = arith.constant 208 : i32
        %add3A_154 = arith.addi %mul3A_89, %add3A_153 : i32
        %get3A_155 = arith.index_cast %add3A_154 : i32 to index
        %get3A_156 = tpu.vector_load %arg5[%get3A_155] {strides = array<i32>} : memref<8192xi32, #tpu.memory_space<vmem>>, vector<16xi32>,
        %bitcast3A_157 = vector.bitcast %get3A_156 : vector<16xi32> to vector<16xi32>
        tpu.vector_store_idx %arg4[%bitcast3A_157], %broadcast_in_dim3A_5 {add = true} : memref<100352xi32, #tpu.memory_space<vmem>>[vector<16xi32>], vector<16xi32>,
        %add3A_158 = arith.constant 224 : i32
        %add3A_159 = arith.addi %mul3A_89, %add3A_158 : i32
        %get3A_160 = arith.index_cast %add3A_159 : i32 to index
        %get3A_161 = tpu.vector_load %arg5[%get3A_160] {strides = array<i32>} : memref<8192xi32, #tpu.memory_space<vmem>>, vector<16xi32>,
        %bitcast3A_162 = vector.bitcast %get3A_161 : vector<16xi32> to vector<16xi32>
        tpu.vector_store_idx %arg4[%bitcast3A_162], %broadcast_in_dim3A_5 {add = true} : memref<100352xi32, #tpu.memory_space<vmem>>[vector<16xi32>], vector<16xi32>,
        %add3A_163 = arith.constant 240 : i32
        %add3A_164 = arith.addi %mul3A_89, %add3A_163 : i32
        %get3A_165 = arith.index_cast %add3A_164 : i32 to index
        %get3A_166 = tpu.vector_load %arg5[%get3A_165] {strides = array<i32>} : memref<8192xi32, #tpu.memory_space<vmem>>, vector<16xi32>,
        %bitcast3A_167 = vector.bitcast %get3A_166 : vector<16xi32> to vector<16xi32>
        tpu.vector_store_idx %arg4[%bitcast3A_167], %broadcast_in_dim3A_5 {add = true} : memref<100352xi32, #tpu.memory_space<vmem>>[vector<16xi32>], vector<16xi32>,
      }
      %while3A_63 = arith.constant 1 : i32
      scf.for %while3A_87 = %while3A_61 to %while3A_57 step %while3A_63  : i32 {
        %mul3A_88 = arith.constant 256 : i32
        %mul3A_89 = arith.muli %while3A_87, %mul3A_88 : i32
        %add3A_90 = arith.constant 0 : i32
        %add3A_91 = arith.addi %mul3A_89, %add3A_90 : i32
        %get3A = arith.index_cast %add3A_91 : i32 to index
        %get3A_92 = tpu.vector_load %arg5[%get3A] {strides = array<i32>} : memref<8192xi32, #tpu.memory_space<vmem>>, vector<16xi32>,
        %bitcast3A = vector.bitcast %get3A_92 : vector<16xi32> to vector<16xi32>
        tpu.vector_store_idx %arg4[%bitcast3A], %broadcast_in_dim3A_5 {add = true} : memref<100352xi32, #tpu.memory_space<vmem>>[vector<16xi32>], vector<16xi32>,
        %add3A_93 = arith.constant 16 : i32
        %add3A_94 = arith.addi %mul3A_89, %add3A_93 : i32
        %get3A_95 = arith.index_cast %add3A_94 : i32 to index
        %get3A_96 = tpu.vector_load %arg5[%get3A_95] {strides = array<i32>} : memref<8192xi32, #tpu.memory_space<vmem>>, vector<16xi32>,
        %bitcast3A_97 = vector.bitcast %get3A_96 : vector<16xi32> to vector<16xi32>
        tpu.vector_store_idx %arg4[%bitcast3A_97], %broadcast_in_dim3A_5 {add = true} : memref<100352xi32, #tpu.memory_space<vmem>>[vector<16xi32>], vector<16xi32>,
        %add3A_98 = arith.constant 32 : i32
        %add3A_99 = arith.addi %mul3A_89, %add3A_98 : i32
        %get3A_100 = arith.index_cast %add3A_99 : i32 to index
        %get3A_101 = tpu.vector_load %arg5[%get3A_100] {strides = array<i32>} : memref<8192xi32, #tpu.memory_space<vmem>>, vector<16xi32>,
        %bitcast3A_102 = vector.bitcast %get3A_101 : vector<16xi32> to vector<16xi32>
        tpu.vector_store_idx %arg4[%bitcast3A_102], %broadcast_in_dim3A_5 {add = true} : memref<100352xi32, #tpu.memory_space<vmem>>[vector<16xi32>], vector<16xi32>,
        %add3A_103 = arith.constant 48 : i32
        %add3A_104 = arith.addi %mul3A_89, %add3A_103 : i32
        %get3A_105 = arith.index_cast %add3A_104 : i32 to index
        %get3A_106 = tpu.vector_load %arg5[%get3A_105] {strides = array<i32>} : memref<8192xi32, #tpu.memory_space<vmem>>, vector<16xi32>,
        %bitcast3A_107 = vector.bitcast %get3A_106 : vector<16xi32> to vector<16xi32>
        tpu.vector_store_idx %arg4[%bitcast3A_107], %broadcast_in_dim3A_5 {add = true} : memref<100352xi32, #tpu.memory_space<vmem>>[vector<16xi32>], vector<16xi32>,
        %add3A_108 = arith.constant 64 : i32
        %add3A_109 = arith.addi %mul3A_89, %add3A_108 : i32
        %get3A_110 = arith.index_cast %add3A_109 : i32 to index
        %get3A_111 = tpu.vector_load %arg5[%get3A_110] {strides = array<i32>} : memref<8192xi32, #tpu.memory_space<vmem>>, vector<16xi32>,
        %bitcast3A_112 = vector.bitcast %get3A_111 : vector<16xi32> to vector<16xi32>
        tpu.vector_store_idx %arg4[%bitcast3A_112], %broadcast_in_dim3A_5 {add = true} : memref<100352xi32, #tpu.memory_space<vmem>>[vector<16xi32>], vector<16xi32>,
        %add3A_113 = arith.constant 80 : i32
        %add3A_114 = arith.addi %mul3A_89, %add3A_113 : i32
        %get3A_115 = arith.index_cast %add3A_114 : i32 to index
        %get3A_116 = tpu.vector_load %arg5[%get3A_115] {strides = array<i32>} : memref<8192xi32, #tpu.memory_space<vmem>>, vector<16xi32>,
        %bitcast3A_117 = vector.bitcast %get3A_116 : vector<16xi32> to vector<16xi32>
        tpu.vector_store_idx %arg4[%bitcast3A_117], %broadcast_in_dim3A_5 {add = true} : memref<100352xi32, #tpu.memory_space<vmem>>[vector<16xi32>], vector<16xi32>,
        %add3A_118 = arith.constant 96 : i32
        %add3A_119 = arith.addi %mul3A_89, %add3A_118 : i32
        %get3A_120 = arith.index_cast %add3A_119 : i32 to index
        %get3A_121 = tpu.vector_load %arg5[%get3A_120] {strides = array<i32>} : memref<8192xi32, #tpu.memory_space<vmem>>, vector<16xi32>,
        %bitcast3A_122 = vector.bitcast %get3A_121 : vector<16xi32> to vector<16xi32>
        tpu.vector_store_idx %arg4[%bitcast3A_122], %broadcast_in_dim3A_5 {add = true} : memref<100352xi32, #tpu.memory_space<vmem>>[vector<16xi32>], vector<16xi32>,
        %add3A_123 = arith.constant 112 : i32
        %add3A_124 = arith.addi %mul3A_89, %add3A_123 : i32
        %get3A_125 = arith.index_cast %add3A_124 : i32 to index
        %get3A_126 = tpu.vector_load %arg5[%get3A_125] {strides = array<i32>} : memref<8192xi32, #tpu.memory_space<vmem>>, vector<16xi32>,
        %bitcast3A_127 = vector.bitcast %get3A_126 : vector<16xi32> to vector<16xi32>
        tpu.vector_store_idx %arg4[%bitcast3A_127], %broadcast_in_dim3A_5 {add = true} : memref<100352xi32, #tpu.memory_space<vmem>>[vector<16xi32>], vector<16xi32>,
        %add3A_128 = arith.constant 128 : i32
        %add3A_129 = arith.addi %mul3A_89, %add3A_128 : i32
        %get3A_130 = arith.index_cast %add3A_129 : i32 to index
        %get3A_131 = tpu.vector_load %arg5[%get3A_130] {strides = array<i32>} : memref<8192xi32, #tpu.memory_space<vmem>>, vector<16xi32>,
        %bitcast3A_132 = vector.bitcast %get3A_131 : vector<16xi32> to vector<16xi32>
        tpu.vector_store_idx %arg4[%bitcast3A_132], %broadcast_in_dim3A_5 {add = true} : memref<100352xi32, #tpu.memory_space<vmem>>[vector<16xi32>], vector<16xi32>,
        %add3A_133 = arith.constant 144 : i32
        %add3A_134 = arith.addi %mul3A_89, %add3A_133 : i32
        %get3A_135 = arith.index_cast %add3A_134 : i32 to index
        %get3A_136 = tpu.vector_load %arg5[%get3A_135] {strides = array<i32>} : memref<8192xi32, #tpu.memory_space<vmem>>, vector<16xi32>,
        %bitcast3A_137 = vector.bitcast %get3A_136 : vector<16xi32> to vector<16xi32>
        tpu.vector_store_idx %arg4[%bitcast3A_137], %broadcast_in_dim3A_5 {add = true} : memref<100352xi32, #tpu.memory_space<vmem>>[vector<16xi32>], vector<16xi32>,
        %add3A_138 = arith.constant 160 : i32
        %add3A_139 = arith.addi %mul3A_89, %add3A_138 : i32
        %get3A_140 = arith.index_cast %add3A_139 : i32 to index
        %get3A_141 = tpu.vector_load %arg5[%get3A_140] {strides = array<i32>} : memref<8192xi32, #tpu.memory_space<vmem>>, vector<16xi32>,
        %bitcast3A_142 = vector.bitcast %get3A_141 : vector<16xi32> to vector<16xi32>
        tpu.vector_store_idx %arg4[%bitcast3A_142], %broadcast_in_dim3A_5 {add = true} : memref<100352xi32, #tpu.memory_space<vmem>>[vector<16xi32>], vector<16xi32>,
        %add3A_143 = arith.constant 176 : i32
        %add3A_144 = arith.addi %mul3A_89, %add3A_143 : i32
        %get3A_145 = arith.index_cast %add3A_144 : i32 to index
        %get3A_146 = tpu.vector_load %arg5[%get3A_145] {strides = array<i32>} : memref<8192xi32, #tpu.memory_space<vmem>>, vector<16xi32>,
        %bitcast3A_147 = vector.bitcast %get3A_146 : vector<16xi32> to vector<16xi32>
        tpu.vector_store_idx %arg4[%bitcast3A_147], %broadcast_in_dim3A_5 {add = true} : memref<100352xi32, #tpu.memory_space<vmem>>[vector<16xi32>], vector<16xi32>,
        %add3A_148 = arith.constant 192 : i32
        %add3A_149 = arith.addi %mul3A_89, %add3A_148 : i32
        %get3A_150 = arith.index_cast %add3A_149 : i32 to index
        %get3A_151 = tpu.vector_load %arg5[%get3A_150] {strides = array<i32>} : memref<8192xi32, #tpu.memory_space<vmem>>, vector<16xi32>,
        %bitcast3A_152 = vector.bitcast %get3A_151 : vector<16xi32> to vector<16xi32>
        tpu.vector_store_idx %arg4[%bitcast3A_152], %broadcast_in_dim3A_5 {add = true} : memref<100352xi32, #tpu.memory_space<vmem>>[vector<16xi32>], vector<16xi32>,
        %add3A_153 = arith.constant 208 : i32
        %add3A_154 = arith.addi %mul3A_89, %add3A_153 : i32
        %get3A_155 = arith.index_cast %add3A_154 : i32 to index
        %get3A_156 = tpu.vector_load %arg5[%get3A_155] {strides = array<i32>} : memref<8192xi32, #tpu.memory_space<vmem>>, vector<16xi32>,
        %bitcast3A_157 = vector.bitcast %get3A_156 : vector<16xi32> to vector<16xi32>
        tpu.vector_store_idx %arg4[%bitcast3A_157], %broadcast_in_dim3A_5 {add = true} : memref<100352xi32, #tpu.memory_space<vmem>>[vector<16xi32>], vector<16xi32>,
        %add3A_158 = arith.constant 224 : i32
        %add3A_159 = arith.addi %mul3A_89, %add3A_158 : i32
        %get3A_160 = arith.index_cast %add3A_159 : i32 to index
        %get3A_161 = tpu.vector_load %arg5[%get3A_160] {strides = array<i32>} : memref<8192xi32, #tpu.memory_space<vmem>>, vector<16xi32>,
        %bitcast3A_162 = vector.bitcast %get3A_161 : vector<16xi32> to vector<16xi32>
        tpu.vector_store_idx %arg4[%bitcast3A_162], %broadcast_in_dim3A_5 {add = true} : memref<100352xi32, #tpu.memory_space<vmem>>[vector<16xi32>], vector<16xi32>,
        %add3A_163 = arith.constant 240 : i32
        %add3A_164 = arith.addi %mul3A_89, %add3A_163 : i32
        %get3A_165 = arith.index_cast %add3A_164 : i32 to index
        %get3A_166 = tpu.vector_load %arg5[%get3A_165] {strides = array<i32>} : memref<8192xi32, #tpu.memory_space<vmem>>, vector<16xi32>,
        %bitcast3A_167 = vector.bitcast %get3A_166 : vector<16xi32> to vector<16xi32>
        tpu.vector_store_idx %arg4[%bitcast3A_167], %broadcast_in_dim3A_5 {add = true} : memref<100352xi32, #tpu.memory_space<vmem>>[vector<16xi32>], vector<16xi32>,
      }
      %lt3A = arith.constant 31 : i32
      %lt3A_64 = arith.cmpi slt, %while3A_35, %lt3A : i32
      %convert_element_type3A = arith.extui %lt3A_64 : i1 to i32
      %cond3A = arith.constant 0 : i32
      %cond3A_65 = arith.cmpi ne, %convert_element_type3A, %cond3A : i32
      scf.if %cond3A_65 {
        %mul3A_87 = arith.constant 2 : i32
        %mul3A_88 = arith.muli %mul3A_87, %while3A_35 : i32
        %add3A_89 = arith.constant 2 : i32
        %add3A_90 = arith.addi %mul3A_88, %add3A_89 : i32
        %mul3A_91 = arith.constant 8192 : i32
        %mul3A_92 = arith.muli %add3A_90, %mul3A_91 : i32
        %add3A_93 = arith.addi %mul3A_2, %mul3A_92 : i32
        %multiple_of3A_94 = tpu.assume_multiple %add3A_93, 8 : i32
        %dma_start3A_95 = tpu.memref_slice %arg2[%multiple_of3A_94] : memref<16777216xi32, #tpu.memory_space<hbm>> -> memref<8192xi32, #tpu.memory_space<hbm>>
        %dma_start3A_96 = tpu.memref_slice %arg2[%multiple_of3A_94] : memref<16777216xi32, #tpu.memory_space<hbm>> -> memref<8192xi32, #tpu.memory_space<hbm>>
        tpu.enqueue_dma source(%dma_start3A_96 : memref<8192xi32, #tpu.memory_space<hbm>>) target(%arg5 : memref<8192xi32, #tpu.memory_space<vmem>>) target_semaphore(%arg7 : memref<!tpu.dma_semaphore, #tpu.memory_space<semaphore_mem>>)
      } else {
      }
      %mul3A_66 = arith.constant 2 : i32
      %mul3A_67 = arith.muli %mul3A_66, %while3A_35 : i32
      %add3A_68 = arith.constant 1 : i32
      %add3A_69 = arith.addi %mul3A_67, %add3A_68 : i32
      %mul3A_70 = arith.constant 8192 : i32
      %mul3A_71 = arith.muli %add3A_69, %mul3A_70 : i32
      %add3A_72 = arith.addi %mul3A_2, %mul3A_71 : i32
      %multiple_of3A_73 = tpu.assume_multiple %add3A_72, 8 : i32
      %dma_wait3A_74 = tpu.memref_slice %arg2[%multiple_of3A_73] : memref<16777216xi32, #tpu.memory_space<hbm>> -> memref<8192xi32, #tpu.memory_space<hbm>>
      %dma_wait3A_75 = tpu.memref_slice %arg2[%multiple_of3A_73] : memref<16777216xi32, #tpu.memory_space<hbm>> -> memref<8192xi32, #tpu.memory_space<hbm>>
      tpu.wait_dma2 semaphore(%arg8 : memref<!tpu.dma_semaphore, #tpu.memory_space<semaphore_mem>>) src(%dma_wait3A_75 : memref<8192xi32, #tpu.memory_space<hbm>>) dst(%arg6 : memref<8192xi32, #tpu.memory_space<vmem>>)
      %while3A_76 = arith.constant 0 : i32
      %while3A_77 = arith.constant 0 : i32
      %while3A_78 = arith.constant 32 : i32
      %while3A_79 = arith.subi %while3A_78, %while3A_77 : i32
      %while3A_80 = arith.addi %while3A_77, %while3A_79 : i32
      %while3A_81 = arith.constant 1 : i32
      %while3A_82 = arith.divsi %while3A_79, %while3A_81 : i32
      %while3A_83 = arith.muli %while3A_82, %while3A_81 : i32
      %while3A_84 = arith.addi %while3A_77, %while3A_83 : i32
      %while3A_85 = arith.constant 1 : i32
      scf.for %while3A_87 = %while3A_77 to %while3A_84 step %while3A_85  : i32 {
        %mul3A_88 = arith.constant 256 : i32
        %mul3A_89 = arith.muli %while3A_87, %mul3A_88 : i32
        %add3A_90 = arith.constant 0 : i32
        %add3A_91 = arith.addi %mul3A_89, %add3A_90 : i32
        %get3A = arith.index_cast %add3A_91 : i32 to index
        %get3A_92 = tpu.vector_load %arg6[%get3A] {strides = array<i32>} : memref<8192xi32, #tpu.memory_space<vmem>>, vector<16xi32>,
        %bitcast3A = vector.bitcast %get3A_92 : vector<16xi32> to vector<16xi32>
        tpu.vector_store_idx %arg4[%bitcast3A], %broadcast_in_dim3A_5 {add = true} : memref<100352xi32, #tpu.memory_space<vmem>>[vector<16xi32>], vector<16xi32>,
        %add3A_93 = arith.constant 16 : i32
        %add3A_94 = arith.addi %mul3A_89, %add3A_93 : i32
        %get3A_95 = arith.index_cast %add3A_94 : i32 to index
        %get3A_96 = tpu.vector_load %arg6[%get3A_95] {strides = array<i32>} : memref<8192xi32, #tpu.memory_space<vmem>>, vector<16xi32>,
        %bitcast3A_97 = vector.bitcast %get3A_96 : vector<16xi32> to vector<16xi32>
        tpu.vector_store_idx %arg4[%bitcast3A_97], %broadcast_in_dim3A_5 {add = true} : memref<100352xi32, #tpu.memory_space<vmem>>[vector<16xi32>], vector<16xi32>,
        %add3A_98 = arith.constant 32 : i32
        %add3A_99 = arith.addi %mul3A_89, %add3A_98 : i32
        %get3A_100 = arith.index_cast %add3A_99 : i32 to index
        %get3A_101 = tpu.vector_load %arg6[%get3A_100] {strides = array<i32>} : memref<8192xi32, #tpu.memory_space<vmem>>, vector<16xi32>,
        %bitcast3A_102 = vector.bitcast %get3A_101 : vector<16xi32> to vector<16xi32>
        tpu.vector_store_idx %arg4[%bitcast3A_102], %broadcast_in_dim3A_5 {add = true} : memref<100352xi32, #tpu.memory_space<vmem>>[vector<16xi32>], vector<16xi32>,
        %add3A_103 = arith.constant 48 : i32
        %add3A_104 = arith.addi %mul3A_89, %add3A_103 : i32
        %get3A_105 = arith.index_cast %add3A_104 : i32 to index
        %get3A_106 = tpu.vector_load %arg6[%get3A_105] {strides = array<i32>} : memref<8192xi32, #tpu.memory_space<vmem>>, vector<16xi32>,
        %bitcast3A_107 = vector.bitcast %get3A_106 : vector<16xi32> to vector<16xi32>
        tpu.vector_store_idx %arg4[%bitcast3A_107], %broadcast_in_dim3A_5 {add = true} : memref<100352xi32, #tpu.memory_space<vmem>>[vector<16xi32>], vector<16xi32>,
        %add3A_108 = arith.constant 64 : i32
        %add3A_109 = arith.addi %mul3A_89, %add3A_108 : i32
        %get3A_110 = arith.index_cast %add3A_109 : i32 to index
        %get3A_111 = tpu.vector_load %arg6[%get3A_110] {strides = array<i32>} : memref<8192xi32, #tpu.memory_space<vmem>>, vector<16xi32>,
        %bitcast3A_112 = vector.bitcast %get3A_111 : vector<16xi32> to vector<16xi32>
        tpu.vector_store_idx %arg4[%bitcast3A_112], %broadcast_in_dim3A_5 {add = true} : memref<100352xi32, #tpu.memory_space<vmem>>[vector<16xi32>], vector<16xi32>,
        %add3A_113 = arith.constant 80 : i32
        %add3A_114 = arith.addi %mul3A_89, %add3A_113 : i32
        %get3A_115 = arith.index_cast %add3A_114 : i32 to index
        %get3A_116 = tpu.vector_load %arg6[%get3A_115] {strides = array<i32>} : memref<8192xi32, #tpu.memory_space<vmem>>, vector<16xi32>,
        %bitcast3A_117 = vector.bitcast %get3A_116 : vector<16xi32> to vector<16xi32>
        tpu.vector_store_idx %arg4[%bitcast3A_117], %broadcast_in_dim3A_5 {add = true} : memref<100352xi32, #tpu.memory_space<vmem>>[vector<16xi32>], vector<16xi32>,
        %add3A_118 = arith.constant 96 : i32
        %add3A_119 = arith.addi %mul3A_89, %add3A_118 : i32
        %get3A_120 = arith.index_cast %add3A_119 : i32 to index
        %get3A_121 = tpu.vector_load %arg6[%get3A_120] {strides = array<i32>} : memref<8192xi32, #tpu.memory_space<vmem>>, vector<16xi32>,
        %bitcast3A_122 = vector.bitcast %get3A_121 : vector<16xi32> to vector<16xi32>
        tpu.vector_store_idx %arg4[%bitcast3A_122], %broadcast_in_dim3A_5 {add = true} : memref<100352xi32, #tpu.memory_space<vmem>>[vector<16xi32>], vector<16xi32>,
        %add3A_123 = arith.constant 112 : i32
        %add3A_124 = arith.addi %mul3A_89, %add3A_123 : i32
        %get3A_125 = arith.index_cast %add3A_124 : i32 to index
        %get3A_126 = tpu.vector_load %arg6[%get3A_125] {strides = array<i32>} : memref<8192xi32, #tpu.memory_space<vmem>>, vector<16xi32>,
        %bitcast3A_127 = vector.bitcast %get3A_126 : vector<16xi32> to vector<16xi32>
        tpu.vector_store_idx %arg4[%bitcast3A_127], %broadcast_in_dim3A_5 {add = true} : memref<100352xi32, #tpu.memory_space<vmem>>[vector<16xi32>], vector<16xi32>,
        %add3A_128 = arith.constant 128 : i32
        %add3A_129 = arith.addi %mul3A_89, %add3A_128 : i32
        %get3A_130 = arith.index_cast %add3A_129 : i32 to index
        %get3A_131 = tpu.vector_load %arg6[%get3A_130] {strides = array<i32>} : memref<8192xi32, #tpu.memory_space<vmem>>, vector<16xi32>,
        %bitcast3A_132 = vector.bitcast %get3A_131 : vector<16xi32> to vector<16xi32>
        tpu.vector_store_idx %arg4[%bitcast3A_132], %broadcast_in_dim3A_5 {add = true} : memref<100352xi32, #tpu.memory_space<vmem>>[vector<16xi32>], vector<16xi32>,
        %add3A_133 = arith.constant 144 : i32
        %add3A_134 = arith.addi %mul3A_89, %add3A_133 : i32
        %get3A_135 = arith.index_cast %add3A_134 : i32 to index
        %get3A_136 = tpu.vector_load %arg6[%get3A_135] {strides = array<i32>} : memref<8192xi32, #tpu.memory_space<vmem>>, vector<16xi32>,
        %bitcast3A_137 = vector.bitcast %get3A_136 : vector<16xi32> to vector<16xi32>
        tpu.vector_store_idx %arg4[%bitcast3A_137], %broadcast_in_dim3A_5 {add = true} : memref<100352xi32, #tpu.memory_space<vmem>>[vector<16xi32>], vector<16xi32>,
        %add3A_138 = arith.constant 160 : i32
        %add3A_139 = arith.addi %mul3A_89, %add3A_138 : i32
        %get3A_140 = arith.index_cast %add3A_139 : i32 to index
        %get3A_141 = tpu.vector_load %arg6[%get3A_140] {strides = array<i32>} : memref<8192xi32, #tpu.memory_space<vmem>>, vector<16xi32>,
        %bitcast3A_142 = vector.bitcast %get3A_141 : vector<16xi32> to vector<16xi32>
        tpu.vector_store_idx %arg4[%bitcast3A_142], %broadcast_in_dim3A_5 {add = true} : memref<100352xi32, #tpu.memory_space<vmem>>[vector<16xi32>], vector<16xi32>,
        %add3A_143 = arith.constant 176 : i32
        %add3A_144 = arith.addi %mul3A_89, %add3A_143 : i32
        %get3A_145 = arith.index_cast %add3A_144 : i32 to index
        %get3A_146 = tpu.vector_load %arg6[%get3A_145] {strides = array<i32>} : memref<8192xi32, #tpu.memory_space<vmem>>, vector<16xi32>,
        %bitcast3A_147 = vector.bitcast %get3A_146 : vector<16xi32> to vector<16xi32>
        tpu.vector_store_idx %arg4[%bitcast3A_147], %broadcast_in_dim3A_5 {add = true} : memref<100352xi32, #tpu.memory_space<vmem>>[vector<16xi32>], vector<16xi32>,
        %add3A_148 = arith.constant 192 : i32
        %add3A_149 = arith.addi %mul3A_89, %add3A_148 : i32
        %get3A_150 = arith.index_cast %add3A_149 : i32 to index
        %get3A_151 = tpu.vector_load %arg6[%get3A_150] {strides = array<i32>} : memref<8192xi32, #tpu.memory_space<vmem>>, vector<16xi32>,
        %bitcast3A_152 = vector.bitcast %get3A_151 : vector<16xi32> to vector<16xi32>
        tpu.vector_store_idx %arg4[%bitcast3A_152], %broadcast_in_dim3A_5 {add = true} : memref<100352xi32, #tpu.memory_space<vmem>>[vector<16xi32>], vector<16xi32>,
        %add3A_153 = arith.constant 208 : i32
        %add3A_154 = arith.addi %mul3A_89, %add3A_153 : i32
        %get3A_155 = arith.index_cast %add3A_154 : i32 to index
        %get3A_156 = tpu.vector_load %arg6[%get3A_155] {strides = array<i32>} : memref<8192xi32, #tpu.memory_space<vmem>>, vector<16xi32>,
        %bitcast3A_157 = vector.bitcast %get3A_156 : vector<16xi32> to vector<16xi32>
        tpu.vector_store_idx %arg4[%bitcast3A_157], %broadcast_in_dim3A_5 {add = true} : memref<100352xi32, #tpu.memory_space<vmem>>[vector<16xi32>], vector<16xi32>,
        %add3A_158 = arith.constant 224 : i32
        %add3A_159 = arith.addi %mul3A_89, %add3A_158 : i32
        %get3A_160 = arith.index_cast %add3A_159 : i32 to index
        %get3A_161 = tpu.vector_load %arg6[%get3A_160] {strides = array<i32>} : memref<8192xi32, #tpu.memory_space<vmem>>, vector<16xi32>,
        %bitcast3A_162 = vector.bitcast %get3A_161 : vector<16xi32> to vector<16xi32>
        tpu.vector_store_idx %arg4[%bitcast3A_162], %broadcast_in_dim3A_5 {add = true} : memref<100352xi32, #tpu.memory_space<vmem>>[vector<16xi32>], vector<16xi32>,
        %add3A_163 = arith.constant 240 : i32
        %add3A_164 = arith.addi %mul3A_89, %add3A_163 : i32
        %get3A_165 = arith.index_cast %add3A_164 : i32 to index
        %get3A_166 = tpu.vector_load %arg6[%get3A_165] {strides = array<i32>} : memref<8192xi32, #tpu.memory_space<vmem>>, vector<16xi32>,
        %bitcast3A_167 = vector.bitcast %get3A_166 : vector<16xi32> to vector<16xi32>
        tpu.vector_store_idx %arg4[%bitcast3A_167], %broadcast_in_dim3A_5 {add = true} : memref<100352xi32, #tpu.memory_space<vmem>>[vector<16xi32>], vector<16xi32>,
      }
      %while3A_86 = arith.constant 1 : i32
      scf.for %while3A_87 = %while3A_84 to %while3A_80 step %while3A_86  : i32 {
        %mul3A_88 = arith.constant 256 : i32
        %mul3A_89 = arith.muli %while3A_87, %mul3A_88 : i32
        %add3A_90 = arith.constant 0 : i32
        %add3A_91 = arith.addi %mul3A_89, %add3A_90 : i32
        %get3A = arith.index_cast %add3A_91 : i32 to index
        %get3A_92 = tpu.vector_load %arg6[%get3A] {strides = array<i32>} : memref<8192xi32, #tpu.memory_space<vmem>>, vector<16xi32>,
        %bitcast3A = vector.bitcast %get3A_92 : vector<16xi32> to vector<16xi32>
        tpu.vector_store_idx %arg4[%bitcast3A], %broadcast_in_dim3A_5 {add = true} : memref<100352xi32, #tpu.memory_space<vmem>>[vector<16xi32>], vector<16xi32>,
        %add3A_93 = arith.constant 16 : i32
        %add3A_94 = arith.addi %mul3A_89, %add3A_93 : i32
        %get3A_95 = arith.index_cast %add3A_94 : i32 to index
        %get3A_96 = tpu.vector_load %arg6[%get3A_95] {strides = array<i32>} : memref<8192xi32, #tpu.memory_space<vmem>>, vector<16xi32>,
        %bitcast3A_97 = vector.bitcast %get3A_96 : vector<16xi32> to vector<16xi32>
        tpu.vector_store_idx %arg4[%bitcast3A_97], %broadcast_in_dim3A_5 {add = true} : memref<100352xi32, #tpu.memory_space<vmem>>[vector<16xi32>], vector<16xi32>,
        %add3A_98 = arith.constant 32 : i32
        %add3A_99 = arith.addi %mul3A_89, %add3A_98 : i32
        %get3A_100 = arith.index_cast %add3A_99 : i32 to index
        %get3A_101 = tpu.vector_load %arg6[%get3A_100] {strides = array<i32>} : memref<8192xi32, #tpu.memory_space<vmem>>, vector<16xi32>,
        %bitcast3A_102 = vector.bitcast %get3A_101 : vector<16xi32> to vector<16xi32>
        tpu.vector_store_idx %arg4[%bitcast3A_102], %broadcast_in_dim3A_5 {add = true} : memref<100352xi32, #tpu.memory_space<vmem>>[vector<16xi32>], vector<16xi32>,
        %add3A_103 = arith.constant 48 : i32
        %add3A_104 = arith.addi %mul3A_89, %add3A_103 : i32
        %get3A_105 = arith.index_cast %add3A_104 : i32 to index
        %get3A_106 = tpu.vector_load %arg6[%get3A_105] {strides = array<i32>} : memref<8192xi32, #tpu.memory_space<vmem>>, vector<16xi32>,
        %bitcast3A_107 = vector.bitcast %get3A_106 : vector<16xi32> to vector<16xi32>
        tpu.vector_store_idx %arg4[%bitcast3A_107], %broadcast_in_dim3A_5 {add = true} : memref<100352xi32, #tpu.memory_space<vmem>>[vector<16xi32>], vector<16xi32>,
        %add3A_108 = arith.constant 64 : i32
        %add3A_109 = arith.addi %mul3A_89, %add3A_108 : i32
        %get3A_110 = arith.index_cast %add3A_109 : i32 to index
        %get3A_111 = tpu.vector_load %arg6[%get3A_110] {strides = array<i32>} : memref<8192xi32, #tpu.memory_space<vmem>>, vector<16xi32>,
        %bitcast3A_112 = vector.bitcast %get3A_111 : vector<16xi32> to vector<16xi32>
        tpu.vector_store_idx %arg4[%bitcast3A_112], %broadcast_in_dim3A_5 {add = true} : memref<100352xi32, #tpu.memory_space<vmem>>[vector<16xi32>], vector<16xi32>,
        %add3A_113 = arith.constant 80 : i32
        %add3A_114 = arith.addi %mul3A_89, %add3A_113 : i32
        %get3A_115 = arith.index_cast %add3A_114 : i32 to index
        %get3A_116 = tpu.vector_load %arg6[%get3A_115] {strides = array<i32>} : memref<8192xi32, #tpu.memory_space<vmem>>, vector<16xi32>,
        %bitcast3A_117 = vector.bitcast %get3A_116 : vector<16xi32> to vector<16xi32>
        tpu.vector_store_idx %arg4[%bitcast3A_117], %broadcast_in_dim3A_5 {add = true} : memref<100352xi32, #tpu.memory_space<vmem>>[vector<16xi32>], vector<16xi32>,
        %add3A_118 = arith.constant 96 : i32
        %add3A_119 = arith.addi %mul3A_89, %add3A_118 : i32
        %get3A_120 = arith.index_cast %add3A_119 : i32 to index
        %get3A_121 = tpu.vector_load %arg6[%get3A_120] {strides = array<i32>} : memref<8192xi32, #tpu.memory_space<vmem>>, vector<16xi32>,
        %bitcast3A_122 = vector.bitcast %get3A_121 : vector<16xi32> to vector<16xi32>
        tpu.vector_store_idx %arg4[%bitcast3A_122], %broadcast_in_dim3A_5 {add = true} : memref<100352xi32, #tpu.memory_space<vmem>>[vector<16xi32>], vector<16xi32>,
        %add3A_123 = arith.constant 112 : i32
        %add3A_124 = arith.addi %mul3A_89, %add3A_123 : i32
        %get3A_125 = arith.index_cast %add3A_124 : i32 to index
        %get3A_126 = tpu.vector_load %arg6[%get3A_125] {strides = array<i32>} : memref<8192xi32, #tpu.memory_space<vmem>>, vector<16xi32>,
        %bitcast3A_127 = vector.bitcast %get3A_126 : vector<16xi32> to vector<16xi32>
        tpu.vector_store_idx %arg4[%bitcast3A_127], %broadcast_in_dim3A_5 {add = true} : memref<100352xi32, #tpu.memory_space<vmem>>[vector<16xi32>], vector<16xi32>,
        %add3A_128 = arith.constant 128 : i32
        %add3A_129 = arith.addi %mul3A_89, %add3A_128 : i32
        %get3A_130 = arith.index_cast %add3A_129 : i32 to index
        %get3A_131 = tpu.vector_load %arg6[%get3A_130] {strides = array<i32>} : memref<8192xi32, #tpu.memory_space<vmem>>, vector<16xi32>,
        %bitcast3A_132 = vector.bitcast %get3A_131 : vector<16xi32> to vector<16xi32>
        tpu.vector_store_idx %arg4[%bitcast3A_132], %broadcast_in_dim3A_5 {add = true} : memref<100352xi32, #tpu.memory_space<vmem>>[vector<16xi32>], vector<16xi32>,
        %add3A_133 = arith.constant 144 : i32
        %add3A_134 = arith.addi %mul3A_89, %add3A_133 : i32
        %get3A_135 = arith.index_cast %add3A_134 : i32 to index
        %get3A_136 = tpu.vector_load %arg6[%get3A_135] {strides = array<i32>} : memref<8192xi32, #tpu.memory_space<vmem>>, vector<16xi32>,
        %bitcast3A_137 = vector.bitcast %get3A_136 : vector<16xi32> to vector<16xi32>
        tpu.vector_store_idx %arg4[%bitcast3A_137], %broadcast_in_dim3A_5 {add = true} : memref<100352xi32, #tpu.memory_space<vmem>>[vector<16xi32>], vector<16xi32>,
        %add3A_138 = arith.constant 160 : i32
        %add3A_139 = arith.addi %mul3A_89, %add3A_138 : i32
        %get3A_140 = arith.index_cast %add3A_139 : i32 to index
        %get3A_141 = tpu.vector_load %arg6[%get3A_140] {strides = array<i32>} : memref<8192xi32, #tpu.memory_space<vmem>>, vector<16xi32>,
        %bitcast3A_142 = vector.bitcast %get3A_141 : vector<16xi32> to vector<16xi32>
        tpu.vector_store_idx %arg4[%bitcast3A_142], %broadcast_in_dim3A_5 {add = true} : memref<100352xi32, #tpu.memory_space<vmem>>[vector<16xi32>], vector<16xi32>,
        %add3A_143 = arith.constant 176 : i32
        %add3A_144 = arith.addi %mul3A_89, %add3A_143 : i32
        %get3A_145 = arith.index_cast %add3A_144 : i32 to index
        %get3A_146 = tpu.vector_load %arg6[%get3A_145] {strides = array<i32>} : memref<8192xi32, #tpu.memory_space<vmem>>, vector<16xi32>,
        %bitcast3A_147 = vector.bitcast %get3A_146 : vector<16xi32> to vector<16xi32>
        tpu.vector_store_idx %arg4[%bitcast3A_147], %broadcast_in_dim3A_5 {add = true} : memref<100352xi32, #tpu.memory_space<vmem>>[vector<16xi32>], vector<16xi32>,
        %add3A_148 = arith.constant 192 : i32
        %add3A_149 = arith.addi %mul3A_89, %add3A_148 : i32
        %get3A_150 = arith.index_cast %add3A_149 : i32 to index
        %get3A_151 = tpu.vector_load %arg6[%get3A_150] {strides = array<i32>} : memref<8192xi32, #tpu.memory_space<vmem>>, vector<16xi32>,
        %bitcast3A_152 = vector.bitcast %get3A_151 : vector<16xi32> to vector<16xi32>
        tpu.vector_store_idx %arg4[%bitcast3A_152], %broadcast_in_dim3A_5 {add = true} : memref<100352xi32, #tpu.memory_space<vmem>>[vector<16xi32>], vector<16xi32>,
        %add3A_153 = arith.constant 208 : i32
        %add3A_154 = arith.addi %mul3A_89, %add3A_153 : i32
        %get3A_155 = arith.index_cast %add3A_154 : i32 to index
        %get3A_156 = tpu.vector_load %arg6[%get3A_155] {strides = array<i32>} : memref<8192xi32, #tpu.memory_space<vmem>>, vector<16xi32>,
        %bitcast3A_157 = vector.bitcast %get3A_156 : vector<16xi32> to vector<16xi32>
        tpu.vector_store_idx %arg4[%bitcast3A_157], %broadcast_in_dim3A_5 {add = true} : memref<100352xi32, #tpu.memory_space<vmem>>[vector<16xi32>], vector<16xi32>,
        %add3A_158 = arith.constant 224 : i32
        %add3A_159 = arith.addi %mul3A_89, %add3A_158 : i32
        %get3A_160 = arith.index_cast %add3A_159 : i32 to index
        %get3A_161 = tpu.vector_load %arg6[%get3A_160] {strides = array<i32>} : memref<8192xi32, #tpu.memory_space<vmem>>, vector<16xi32>,
        %bitcast3A_162 = vector.bitcast %get3A_161 : vector<16xi32> to vector<16xi32>
        tpu.vector_store_idx %arg4[%bitcast3A_162], %broadcast_in_dim3A_5 {add = true} : memref<100352xi32, #tpu.memory_space<vmem>>[vector<16xi32>], vector<16xi32>,
        %add3A_163 = arith.constant 240 : i32
        %add3A_164 = arith.addi %mul3A_89, %add3A_163 : i32
        %get3A_165 = arith.index_cast %add3A_164 : i32 to index
        %get3A_166 = tpu.vector_load %arg6[%get3A_165] {strides = array<i32>} : memref<8192xi32, #tpu.memory_space<vmem>>, vector<16xi32>,
        %bitcast3A_167 = vector.bitcast %get3A_166 : vector<16xi32> to vector<16xi32>
        tpu.vector_store_idx %arg4[%bitcast3A_167], %broadcast_in_dim3A_5 {add = true} : memref<100352xi32, #tpu.memory_space<vmem>>[vector<16xi32>], vector<16xi32>,
      }
    }
    %while3A_31 = arith.constant 1 : i32
    scf.for %while3A_35 = %while3A_29 to %while3A_25 step %while3A_31  : i32 {
      %mul3A_36 = arith.constant 2 : i32
      %mul3A_37 = arith.muli %mul3A_36, %while3A_35 : i32
      %add3A_38 = arith.constant 1 : i32
      %add3A_39 = arith.addi %mul3A_37, %add3A_38 : i32
      %mul3A_40 = arith.constant 8192 : i32
      %mul3A_41 = arith.muli %add3A_39, %mul3A_40 : i32
      %add3A_42 = arith.addi %mul3A_2, %mul3A_41 : i32
      %multiple_of3A_43 = tpu.assume_multiple %add3A_42, 8 : i32
      %dma_start3A_44 = tpu.memref_slice %arg2[%multiple_of3A_43] : memref<16777216xi32, #tpu.memory_space<hbm>> -> memref<8192xi32, #tpu.memory_space<hbm>>
      %dma_start3A_45 = tpu.memref_slice %arg2[%multiple_of3A_43] : memref<16777216xi32, #tpu.memory_space<hbm>> -> memref<8192xi32, #tpu.memory_space<hbm>>
      tpu.enqueue_dma source(%dma_start3A_45 : memref<8192xi32, #tpu.memory_space<hbm>>) target(%arg6 : memref<8192xi32, #tpu.memory_space<vmem>>) target_semaphore(%arg8 : memref<!tpu.dma_semaphore, #tpu.memory_space<semaphore_mem>>)
      %mul3A_46 = arith.constant 2 : i32
      %mul3A_47 = arith.muli %mul3A_46, %while3A_35 : i32
      %mul3A_48 = arith.constant 8192 : i32
      %mul3A_49 = arith.muli %mul3A_47, %mul3A_48 : i32
      %add3A_50 = arith.addi %mul3A_2, %mul3A_49 : i32
      %multiple_of3A_51 = tpu.assume_multiple %add3A_50, 8 : i32
      %dma_wait3A = tpu.memref_slice %arg2[%multiple_of3A_51] : memref<16777216xi32, #tpu.memory_space<hbm>> -> memref<8192xi32, #tpu.memory_space<hbm>>
      %dma_wait3A_52 = tpu.memref_slice %arg2[%multiple_of3A_51] : memref<16777216xi32, #tpu.memory_space<hbm>> -> memref<8192xi32, #tpu.memory_space<hbm>>
      tpu.wait_dma2 semaphore(%arg7 : memref<!tpu.dma_semaphore, #tpu.memory_space<semaphore_mem>>) src(%dma_wait3A_52 : memref<8192xi32, #tpu.memory_space<hbm>>) dst(%arg5 : memref<8192xi32, #tpu.memory_space<vmem>>)
      %while3A_53 = arith.constant 0 : i32
      %while3A_54 = arith.constant 0 : i32
      %while3A_55 = arith.constant 32 : i32
      %while3A_56 = arith.subi %while3A_55, %while3A_54 : i32
      %while3A_57 = arith.addi %while3A_54, %while3A_56 : i32
      %while3A_58 = arith.constant 1 : i32
      %while3A_59 = arith.divsi %while3A_56, %while3A_58 : i32
      %while3A_60 = arith.muli %while3A_59, %while3A_58 : i32
      %while3A_61 = arith.addi %while3A_54, %while3A_60 : i32
      %while3A_62 = arith.constant 1 : i32
      scf.for %while3A_87 = %while3A_54 to %while3A_61 step %while3A_62  : i32 {
        %mul3A_88 = arith.constant 256 : i32
        %mul3A_89 = arith.muli %while3A_87, %mul3A_88 : i32
        %add3A_90 = arith.constant 0 : i32
        %add3A_91 = arith.addi %mul3A_89, %add3A_90 : i32
        %get3A = arith.index_cast %add3A_91 : i32 to index
        %get3A_92 = tpu.vector_load %arg5[%get3A] {strides = array<i32>} : memref<8192xi32, #tpu.memory_space<vmem>>, vector<16xi32>,
        %bitcast3A = vector.bitcast %get3A_92 : vector<16xi32> to vector<16xi32>
        tpu.vector_store_idx %arg4[%bitcast3A], %broadcast_in_dim3A_5 {add = true} : memref<100352xi32, #tpu.memory_space<vmem>>[vector<16xi32>], vector<16xi32>,
        %add3A_93 = arith.constant 16 : i32
        %add3A_94 = arith.addi %mul3A_89, %add3A_93 : i32
        %get3A_95 = arith.index_cast %add3A_94 : i32 to index
        %get3A_96 = tpu.vector_load %arg5[%get3A_95] {strides = array<i32>} : memref<8192xi32, #tpu.memory_space<vmem>>, vector<16xi32>,
        %bitcast3A_97 = vector.bitcast %get3A_96 : vector<16xi32> to vector<16xi32>
        tpu.vector_store_idx %arg4[%bitcast3A_97], %broadcast_in_dim3A_5 {add = true} : memref<100352xi32, #tpu.memory_space<vmem>>[vector<16xi32>], vector<16xi32>,
        %add3A_98 = arith.constant 32 : i32
        %add3A_99 = arith.addi %mul3A_89, %add3A_98 : i32
        %get3A_100 = arith.index_cast %add3A_99 : i32 to index
        %get3A_101 = tpu.vector_load %arg5[%get3A_100] {strides = array<i32>} : memref<8192xi32, #tpu.memory_space<vmem>>, vector<16xi32>,
        %bitcast3A_102 = vector.bitcast %get3A_101 : vector<16xi32> to vector<16xi32>
        tpu.vector_store_idx %arg4[%bitcast3A_102], %broadcast_in_dim3A_5 {add = true} : memref<100352xi32, #tpu.memory_space<vmem>>[vector<16xi32>], vector<16xi32>,
        %add3A_103 = arith.constant 48 : i32
        %add3A_104 = arith.addi %mul3A_89, %add3A_103 : i32
        %get3A_105 = arith.index_cast %add3A_104 : i32 to index
        %get3A_106 = tpu.vector_load %arg5[%get3A_105] {strides = array<i32>} : memref<8192xi32, #tpu.memory_space<vmem>>, vector<16xi32>,
        %bitcast3A_107 = vector.bitcast %get3A_106 : vector<16xi32> to vector<16xi32>
        tpu.vector_store_idx %arg4[%bitcast3A_107], %broadcast_in_dim3A_5 {add = true} : memref<100352xi32, #tpu.memory_space<vmem>>[vector<16xi32>], vector<16xi32>,
        %add3A_108 = arith.constant 64 : i32
        %add3A_109 = arith.addi %mul3A_89, %add3A_108 : i32
        %get3A_110 = arith.index_cast %add3A_109 : i32 to index
        %get3A_111 = tpu.vector_load %arg5[%get3A_110] {strides = array<i32>} : memref<8192xi32, #tpu.memory_space<vmem>>, vector<16xi32>,
        %bitcast3A_112 = vector.bitcast %get3A_111 : vector<16xi32> to vector<16xi32>
        tpu.vector_store_idx %arg4[%bitcast3A_112], %broadcast_in_dim3A_5 {add = true} : memref<100352xi32, #tpu.memory_space<vmem>>[vector<16xi32>], vector<16xi32>,
        %add3A_113 = arith.constant 80 : i32
        %add3A_114 = arith.addi %mul3A_89, %add3A_113 : i32
        %get3A_115 = arith.index_cast %add3A_114 : i32 to index
        %get3A_116 = tpu.vector_load %arg5[%get3A_115] {strides = array<i32>} : memref<8192xi32, #tpu.memory_space<vmem>>, vector<16xi32>,
        %bitcast3A_117 = vector.bitcast %get3A_116 : vector<16xi32> to vector<16xi32>
        tpu.vector_store_idx %arg4[%bitcast3A_117], %broadcast_in_dim3A_5 {add = true} : memref<100352xi32, #tpu.memory_space<vmem>>[vector<16xi32>], vector<16xi32>,
        %add3A_118 = arith.constant 96 : i32
        %add3A_119 = arith.addi %mul3A_89, %add3A_118 : i32
        %get3A_120 = arith.index_cast %add3A_119 : i32 to index
        %get3A_121 = tpu.vector_load %arg5[%get3A_120] {strides = array<i32>} : memref<8192xi32, #tpu.memory_space<vmem>>, vector<16xi32>,
        %bitcast3A_122 = vector.bitcast %get3A_121 : vector<16xi32> to vector<16xi32>
        tpu.vector_store_idx %arg4[%bitcast3A_122], %broadcast_in_dim3A_5 {add = true} : memref<100352xi32, #tpu.memory_space<vmem>>[vector<16xi32>], vector<16xi32>,
        %add3A_123 = arith.constant 112 : i32
        %add3A_124 = arith.addi %mul3A_89, %add3A_123 : i32
        %get3A_125 = arith.index_cast %add3A_124 : i32 to index
        %get3A_126 = tpu.vector_load %arg5[%get3A_125] {strides = array<i32>} : memref<8192xi32, #tpu.memory_space<vmem>>, vector<16xi32>,
        %bitcast3A_127 = vector.bitcast %get3A_126 : vector<16xi32> to vector<16xi32>
        tpu.vector_store_idx %arg4[%bitcast3A_127], %broadcast_in_dim3A_5 {add = true} : memref<100352xi32, #tpu.memory_space<vmem>>[vector<16xi32>], vector<16xi32>,
        %add3A_128 = arith.constant 128 : i32
        %add3A_129 = arith.addi %mul3A_89, %add3A_128 : i32
        %get3A_130 = arith.index_cast %add3A_129 : i32 to index
        %get3A_131 = tpu.vector_load %arg5[%get3A_130] {strides = array<i32>} : memref<8192xi32, #tpu.memory_space<vmem>>, vector<16xi32>,
        %bitcast3A_132 = vector.bitcast %get3A_131 : vector<16xi32> to vector<16xi32>
        tpu.vector_store_idx %arg4[%bitcast3A_132], %broadcast_in_dim3A_5 {add = true} : memref<100352xi32, #tpu.memory_space<vmem>>[vector<16xi32>], vector<16xi32>,
        %add3A_133 = arith.constant 144 : i32
        %add3A_134 = arith.addi %mul3A_89, %add3A_133 : i32
        %get3A_135 = arith.index_cast %add3A_134 : i32 to index
        %get3A_136 = tpu.vector_load %arg5[%get3A_135] {strides = array<i32>} : memref<8192xi32, #tpu.memory_space<vmem>>, vector<16xi32>,
        %bitcast3A_137 = vector.bitcast %get3A_136 : vector<16xi32> to vector<16xi32>
        tpu.vector_store_idx %arg4[%bitcast3A_137], %broadcast_in_dim3A_5 {add = true} : memref<100352xi32, #tpu.memory_space<vmem>>[vector<16xi32>], vector<16xi32>,
        %add3A_138 = arith.constant 160 : i32
        %add3A_139 = arith.addi %mul3A_89, %add3A_138 : i32
        %get3A_140 = arith.index_cast %add3A_139 : i32 to index
        %get3A_141 = tpu.vector_load %arg5[%get3A_140] {strides = array<i32>} : memref<8192xi32, #tpu.memory_space<vmem>>, vector<16xi32>,
        %bitcast3A_142 = vector.bitcast %get3A_141 : vector<16xi32> to vector<16xi32>
        tpu.vector_store_idx %arg4[%bitcast3A_142], %broadcast_in_dim3A_5 {add = true} : memref<100352xi32, #tpu.memory_space<vmem>>[vector<16xi32>], vector<16xi32>,
        %add3A_143 = arith.constant 176 : i32
        %add3A_144 = arith.addi %mul3A_89, %add3A_143 : i32
        %get3A_145 = arith.index_cast %add3A_144 : i32 to index
        %get3A_146 = tpu.vector_load %arg5[%get3A_145] {strides = array<i32>} : memref<8192xi32, #tpu.memory_space<vmem>>, vector<16xi32>,
        %bitcast3A_147 = vector.bitcast %get3A_146 : vector<16xi32> to vector<16xi32>
        tpu.vector_store_idx %arg4[%bitcast3A_147], %broadcast_in_dim3A_5 {add = true} : memref<100352xi32, #tpu.memory_space<vmem>>[vector<16xi32>], vector<16xi32>,
        %add3A_148 = arith.constant 192 : i32
        %add3A_149 = arith.addi %mul3A_89, %add3A_148 : i32
        %get3A_150 = arith.index_cast %add3A_149 : i32 to index
        %get3A_151 = tpu.vector_load %arg5[%get3A_150] {strides = array<i32>} : memref<8192xi32, #tpu.memory_space<vmem>>, vector<16xi32>,
        %bitcast3A_152 = vector.bitcast %get3A_151 : vector<16xi32> to vector<16xi32>
        tpu.vector_store_idx %arg4[%bitcast3A_152], %broadcast_in_dim3A_5 {add = true} : memref<100352xi32, #tpu.memory_space<vmem>>[vector<16xi32>], vector<16xi32>,
        %add3A_153 = arith.constant 208 : i32
        %add3A_154 = arith.addi %mul3A_89, %add3A_153 : i32
        %get3A_155 = arith.index_cast %add3A_154 : i32 to index
        %get3A_156 = tpu.vector_load %arg5[%get3A_155] {strides = array<i32>} : memref<8192xi32, #tpu.memory_space<vmem>>, vector<16xi32>,
        %bitcast3A_157 = vector.bitcast %get3A_156 : vector<16xi32> to vector<16xi32>
        tpu.vector_store_idx %arg4[%bitcast3A_157], %broadcast_in_dim3A_5 {add = true} : memref<100352xi32, #tpu.memory_space<vmem>>[vector<16xi32>], vector<16xi32>,
        %add3A_158 = arith.constant 224 : i32
        %add3A_159 = arith.addi %mul3A_89, %add3A_158 : i32
        %get3A_160 = arith.index_cast %add3A_159 : i32 to index
        %get3A_161 = tpu.vector_load %arg5[%get3A_160] {strides = array<i32>} : memref<8192xi32, #tpu.memory_space<vmem>>, vector<16xi32>,
        %bitcast3A_162 = vector.bitcast %get3A_161 : vector<16xi32> to vector<16xi32>
        tpu.vector_store_idx %arg4[%bitcast3A_162], %broadcast_in_dim3A_5 {add = true} : memref<100352xi32, #tpu.memory_space<vmem>>[vector<16xi32>], vector<16xi32>,
        %add3A_163 = arith.constant 240 : i32
        %add3A_164 = arith.addi %mul3A_89, %add3A_163 : i32
        %get3A_165 = arith.index_cast %add3A_164 : i32 to index
        %get3A_166 = tpu.vector_load %arg5[%get3A_165] {strides = array<i32>} : memref<8192xi32, #tpu.memory_space<vmem>>, vector<16xi32>,
        %bitcast3A_167 = vector.bitcast %get3A_166 : vector<16xi32> to vector<16xi32>
        tpu.vector_store_idx %arg4[%bitcast3A_167], %broadcast_in_dim3A_5 {add = true} : memref<100352xi32, #tpu.memory_space<vmem>>[vector<16xi32>], vector<16xi32>,
      }
      %while3A_63 = arith.constant 1 : i32
      scf.for %while3A_87 = %while3A_61 to %while3A_57 step %while3A_63  : i32 {
        %mul3A_88 = arith.constant 256 : i32
        %mul3A_89 = arith.muli %while3A_87, %mul3A_88 : i32
        %add3A_90 = arith.constant 0 : i32
        %add3A_91 = arith.addi %mul3A_89, %add3A_90 : i32
        %get3A = arith.index_cast %add3A_91 : i32 to index
        %get3A_92 = tpu.vector_load %arg5[%get3A] {strides = array<i32>} : memref<8192xi32, #tpu.memory_space<vmem>>, vector<16xi32>,
        %bitcast3A = vector.bitcast %get3A_92 : vector<16xi32> to vector<16xi32>
        tpu.vector_store_idx %arg4[%bitcast3A], %broadcast_in_dim3A_5 {add = true} : memref<100352xi32, #tpu.memory_space<vmem>>[vector<16xi32>], vector<16xi32>,
        %add3A_93 = arith.constant 16 : i32
        %add3A_94 = arith.addi %mul3A_89, %add3A_93 : i32
        %get3A_95 = arith.index_cast %add3A_94 : i32 to index
        %get3A_96 = tpu.vector_load %arg5[%get3A_95] {strides = array<i32>} : memref<8192xi32, #tpu.memory_space<vmem>>, vector<16xi32>,
        %bitcast3A_97 = vector.bitcast %get3A_96 : vector<16xi32> to vector<16xi32>
        tpu.vector_store_idx %arg4[%bitcast3A_97], %broadcast_in_dim3A_5 {add = true} : memref<100352xi32, #tpu.memory_space<vmem>>[vector<16xi32>], vector<16xi32>,
        %add3A_98 = arith.constant 32 : i32
        %add3A_99 = arith.addi %mul3A_89, %add3A_98 : i32
        %get3A_100 = arith.index_cast %add3A_99 : i32 to index
        %get3A_101 = tpu.vector_load %arg5[%get3A_100] {strides = array<i32>} : memref<8192xi32, #tpu.memory_space<vmem>>, vector<16xi32>,
        %bitcast3A_102 = vector.bitcast %get3A_101 : vector<16xi32> to vector<16xi32>
        tpu.vector_store_idx %arg4[%bitcast3A_102], %broadcast_in_dim3A_5 {add = true} : memref<100352xi32, #tpu.memory_space<vmem>>[vector<16xi32>], vector<16xi32>,
        %add3A_103 = arith.constant 48 : i32
        %add3A_104 = arith.addi %mul3A_89, %add3A_103 : i32
        %get3A_105 = arith.index_cast %add3A_104 : i32 to index
        %get3A_106 = tpu.vector_load %arg5[%get3A_105] {strides = array<i32>} : memref<8192xi32, #tpu.memory_space<vmem>>, vector<16xi32>,
        %bitcast3A_107 = vector.bitcast %get3A_106 : vector<16xi32> to vector<16xi32>
        tpu.vector_store_idx %arg4[%bitcast3A_107], %broadcast_in_dim3A_5 {add = true} : memref<100352xi32, #tpu.memory_space<vmem>>[vector<16xi32>], vector<16xi32>,
        %add3A_108 = arith.constant 64 : i32
        %add3A_109 = arith.addi %mul3A_89, %add3A_108 : i32
        %get3A_110 = arith.index_cast %add3A_109 : i32 to index
        %get3A_111 = tpu.vector_load %arg5[%get3A_110] {strides = array<i32>} : memref<8192xi32, #tpu.memory_space<vmem>>, vector<16xi32>,
        %bitcast3A_112 = vector.bitcast %get3A_111 : vector<16xi32> to vector<16xi32>
        tpu.vector_store_idx %arg4[%bitcast3A_112], %broadcast_in_dim3A_5 {add = true} : memref<100352xi32, #tpu.memory_space<vmem>>[vector<16xi32>], vector<16xi32>,
        %add3A_113 = arith.constant 80 : i32
        %add3A_114 = arith.addi %mul3A_89, %add3A_113 : i32
        %get3A_115 = arith.index_cast %add3A_114 : i32 to index
        %get3A_116 = tpu.vector_load %arg5[%get3A_115] {strides = array<i32>} : memref<8192xi32, #tpu.memory_space<vmem>>, vector<16xi32>,
        %bitcast3A_117 = vector.bitcast %get3A_116 : vector<16xi32> to vector<16xi32>
        tpu.vector_store_idx %arg4[%bitcast3A_117], %broadcast_in_dim3A_5 {add = true} : memref<100352xi32, #tpu.memory_space<vmem>>[vector<16xi32>], vector<16xi32>,
        %add3A_118 = arith.constant 96 : i32
        %add3A_119 = arith.addi %mul3A_89, %add3A_118 : i32
        %get3A_120 = arith.index_cast %add3A_119 : i32 to index
        %get3A_121 = tpu.vector_load %arg5[%get3A_120] {strides = array<i32>} : memref<8192xi32, #tpu.memory_space<vmem>>, vector<16xi32>,
        %bitcast3A_122 = vector.bitcast %get3A_121 : vector<16xi32> to vector<16xi32>
        tpu.vector_store_idx %arg4[%bitcast3A_122], %broadcast_in_dim3A_5 {add = true} : memref<100352xi32, #tpu.memory_space<vmem>>[vector<16xi32>], vector<16xi32>,
        %add3A_123 = arith.constant 112 : i32
        %add3A_124 = arith.addi %mul3A_89, %add3A_123 : i32
        %get3A_125 = arith.index_cast %add3A_124 : i32 to index
        %get3A_126 = tpu.vector_load %arg5[%get3A_125] {strides = array<i32>} : memref<8192xi32, #tpu.memory_space<vmem>>, vector<16xi32>,
        %bitcast3A_127 = vector.bitcast %get3A_126 : vector<16xi32> to vector<16xi32>
        tpu.vector_store_idx %arg4[%bitcast3A_127], %broadcast_in_dim3A_5 {add = true} : memref<100352xi32, #tpu.memory_space<vmem>>[vector<16xi32>], vector<16xi32>,
        %add3A_128 = arith.constant 128 : i32
        %add3A_129 = arith.addi %mul3A_89, %add3A_128 : i32
        %get3A_130 = arith.index_cast %add3A_129 : i32 to index
        %get3A_131 = tpu.vector_load %arg5[%get3A_130] {strides = array<i32>} : memref<8192xi32, #tpu.memory_space<vmem>>, vector<16xi32>,
        %bitcast3A_132 = vector.bitcast %get3A_131 : vector<16xi32> to vector<16xi32>
        tpu.vector_store_idx %arg4[%bitcast3A_132], %broadcast_in_dim3A_5 {add = true} : memref<100352xi32, #tpu.memory_space<vmem>>[vector<16xi32>], vector<16xi32>,
        %add3A_133 = arith.constant 144 : i32
        %add3A_134 = arith.addi %mul3A_89, %add3A_133 : i32
        %get3A_135 = arith.index_cast %add3A_134 : i32 to index
        %get3A_136 = tpu.vector_load %arg5[%get3A_135] {strides = array<i32>} : memref<8192xi32, #tpu.memory_space<vmem>>, vector<16xi32>,
        %bitcast3A_137 = vector.bitcast %get3A_136 : vector<16xi32> to vector<16xi32>
        tpu.vector_store_idx %arg4[%bitcast3A_137], %broadcast_in_dim3A_5 {add = true} : memref<100352xi32, #tpu.memory_space<vmem>>[vector<16xi32>], vector<16xi32>,
        %add3A_138 = arith.constant 160 : i32
        %add3A_139 = arith.addi %mul3A_89, %add3A_138 : i32
        %get3A_140 = arith.index_cast %add3A_139 : i32 to index
        %get3A_141 = tpu.vector_load %arg5[%get3A_140] {strides = array<i32>} : memref<8192xi32, #tpu.memory_space<vmem>>, vector<16xi32>,
        %bitcast3A_142 = vector.bitcast %get3A_141 : vector<16xi32> to vector<16xi32>
        tpu.vector_store_idx %arg4[%bitcast3A_142], %broadcast_in_dim3A_5 {add = true} : memref<100352xi32, #tpu.memory_space<vmem>>[vector<16xi32>], vector<16xi32>,
        %add3A_143 = arith.constant 176 : i32
        %add3A_144 = arith.addi %mul3A_89, %add3A_143 : i32
        %get3A_145 = arith.index_cast %add3A_144 : i32 to index
        %get3A_146 = tpu.vector_load %arg5[%get3A_145] {strides = array<i32>} : memref<8192xi32, #tpu.memory_space<vmem>>, vector<16xi32>,
        %bitcast3A_147 = vector.bitcast %get3A_146 : vector<16xi32> to vector<16xi32>
        tpu.vector_store_idx %arg4[%bitcast3A_147], %broadcast_in_dim3A_5 {add = true} : memref<100352xi32, #tpu.memory_space<vmem>>[vector<16xi32>], vector<16xi32>,
        %add3A_148 = arith.constant 192 : i32
        %add3A_149 = arith.addi %mul3A_89, %add3A_148 : i32
        %get3A_150 = arith.index_cast %add3A_149 : i32 to index
        %get3A_151 = tpu.vector_load %arg5[%get3A_150] {strides = array<i32>} : memref<8192xi32, #tpu.memory_space<vmem>>, vector<16xi32>,
        %bitcast3A_152 = vector.bitcast %get3A_151 : vector<16xi32> to vector<16xi32>
        tpu.vector_store_idx %arg4[%bitcast3A_152], %broadcast_in_dim3A_5 {add = true} : memref<100352xi32, #tpu.memory_space<vmem>>[vector<16xi32>], vector<16xi32>,
        %add3A_153 = arith.constant 208 : i32
        %add3A_154 = arith.addi %mul3A_89, %add3A_153 : i32
        %get3A_155 = arith.index_cast %add3A_154 : i32 to index
        %get3A_156 = tpu.vector_load %arg5[%get3A_155] {strides = array<i32>} : memref<8192xi32, #tpu.memory_space<vmem>>, vector<16xi32>,
        %bitcast3A_157 = vector.bitcast %get3A_156 : vector<16xi32> to vector<16xi32>
        tpu.vector_store_idx %arg4[%bitcast3A_157], %broadcast_in_dim3A_5 {add = true} : memref<100352xi32, #tpu.memory_space<vmem>>[vector<16xi32>], vector<16xi32>,
        %add3A_158 = arith.constant 224 : i32
        %add3A_159 = arith.addi %mul3A_89, %add3A_158 : i32
        %get3A_160 = arith.index_cast %add3A_159 : i32 to index
        %get3A_161 = tpu.vector_load %arg5[%get3A_160] {strides = array<i32>} : memref<8192xi32, #tpu.memory_space<vmem>>, vector<16xi32>,
        %bitcast3A_162 = vector.bitcast %get3A_161 : vector<16xi32> to vector<16xi32>
        tpu.vector_store_idx %arg4[%bitcast3A_162], %broadcast_in_dim3A_5 {add = true} : memref<100352xi32, #tpu.memory_space<vmem>>[vector<16xi32>], vector<16xi32>,
        %add3A_163 = arith.constant 240 : i32
        %add3A_164 = arith.addi %mul3A_89, %add3A_163 : i32
        %get3A_165 = arith.index_cast %add3A_164 : i32 to index
        %get3A_166 = tpu.vector_load %arg5[%get3A_165] {strides = array<i32>} : memref<8192xi32, #tpu.memory_space<vmem>>, vector<16xi32>,
        %bitcast3A_167 = vector.bitcast %get3A_166 : vector<16xi32> to vector<16xi32>
        tpu.vector_store_idx %arg4[%bitcast3A_167], %broadcast_in_dim3A_5 {add = true} : memref<100352xi32, #tpu.memory_space<vmem>>[vector<16xi32>], vector<16xi32>,
      }
      %lt3A = arith.constant 31 : i32
      %lt3A_64 = arith.cmpi slt, %while3A_35, %lt3A : i32
      %convert_element_type3A = arith.extui %lt3A_64 : i1 to i32
      %cond3A = arith.constant 0 : i32
      %cond3A_65 = arith.cmpi ne, %convert_element_type3A, %cond3A : i32
      scf.if %cond3A_65 {
        %mul3A_87 = arith.constant 2 : i32
        %mul3A_88 = arith.muli %mul3A_87, %while3A_35 : i32
        %add3A_89 = arith.constant 2 : i32
        %add3A_90 = arith.addi %mul3A_88, %add3A_89 : i32
        %mul3A_91 = arith.constant 8192 : i32
        %mul3A_92 = arith.muli %add3A_90, %mul3A_91 : i32
        %add3A_93 = arith.addi %mul3A_2, %mul3A_92 : i32
        %multiple_of3A_94 = tpu.assume_multiple %add3A_93, 8 : i32
        %dma_start3A_95 = tpu.memref_slice %arg2[%multiple_of3A_94] : memref<16777216xi32, #tpu.memory_space<hbm>> -> memref<8192xi32, #tpu.memory_space<hbm>>
        %dma_start3A_96 = tpu.memref_slice %arg2[%multiple_of3A_94] : memref<16777216xi32, #tpu.memory_space<hbm>> -> memref<8192xi32, #tpu.memory_space<hbm>>
        tpu.enqueue_dma source(%dma_start3A_96 : memref<8192xi32, #tpu.memory_space<hbm>>) target(%arg5 : memref<8192xi32, #tpu.memory_space<vmem>>) target_semaphore(%arg7 : memref<!tpu.dma_semaphore, #tpu.memory_space<semaphore_mem>>)
      } else {
      }
      %mul3A_66 = arith.constant 2 : i32
      %mul3A_67 = arith.muli %mul3A_66, %while3A_35 : i32
      %add3A_68 = arith.constant 1 : i32
      %add3A_69 = arith.addi %mul3A_67, %add3A_68 : i32
      %mul3A_70 = arith.constant 8192 : i32
      %mul3A_71 = arith.muli %add3A_69, %mul3A_70 : i32
      %add3A_72 = arith.addi %mul3A_2, %mul3A_71 : i32
      %multiple_of3A_73 = tpu.assume_multiple %add3A_72, 8 : i32
      %dma_wait3A_74 = tpu.memref_slice %arg2[%multiple_of3A_73] : memref<16777216xi32, #tpu.memory_space<hbm>> -> memref<8192xi32, #tpu.memory_space<hbm>>
      %dma_wait3A_75 = tpu.memref_slice %arg2[%multiple_of3A_73] : memref<16777216xi32, #tpu.memory_space<hbm>> -> memref<8192xi32, #tpu.memory_space<hbm>>
      tpu.wait_dma2 semaphore(%arg8 : memref<!tpu.dma_semaphore, #tpu.memory_space<semaphore_mem>>) src(%dma_wait3A_75 : memref<8192xi32, #tpu.memory_space<hbm>>) dst(%arg6 : memref<8192xi32, #tpu.memory_space<vmem>>)
      %while3A_76 = arith.constant 0 : i32
      %while3A_77 = arith.constant 0 : i32
      %while3A_78 = arith.constant 32 : i32
      %while3A_79 = arith.subi %while3A_78, %while3A_77 : i32
      %while3A_80 = arith.addi %while3A_77, %while3A_79 : i32
      %while3A_81 = arith.constant 1 : i32
      %while3A_82 = arith.divsi %while3A_79, %while3A_81 : i32
      %while3A_83 = arith.muli %while3A_82, %while3A_81 : i32
      %while3A_84 = arith.addi %while3A_77, %while3A_83 : i32
      %while3A_85 = arith.constant 1 : i32
      scf.for %while3A_87 = %while3A_77 to %while3A_84 step %while3A_85  : i32 {
        %mul3A_88 = arith.constant 256 : i32
        %mul3A_89 = arith.muli %while3A_87, %mul3A_88 : i32
        %add3A_90 = arith.constant 0 : i32
        %add3A_91 = arith.addi %mul3A_89, %add3A_90 : i32
        %get3A = arith.index_cast %add3A_91 : i32 to index
        %get3A_92 = tpu.vector_load %arg6[%get3A] {strides = array<i32>} : memref<8192xi32, #tpu.memory_space<vmem>>, vector<16xi32>,
        %bitcast3A = vector.bitcast %get3A_92 : vector<16xi32> to vector<16xi32>
        tpu.vector_store_idx %arg4[%bitcast3A], %broadcast_in_dim3A_5 {add = true} : memref<100352xi32, #tpu.memory_space<vmem>>[vector<16xi32>], vector<16xi32>,
        %add3A_93 = arith.constant 16 : i32
        %add3A_94 = arith.addi %mul3A_89, %add3A_93 : i32
        %get3A_95 = arith.index_cast %add3A_94 : i32 to index
        %get3A_96 = tpu.vector_load %arg6[%get3A_95] {strides = array<i32>} : memref<8192xi32, #tpu.memory_space<vmem>>, vector<16xi32>,
        %bitcast3A_97 = vector.bitcast %get3A_96 : vector<16xi32> to vector<16xi32>
        tpu.vector_store_idx %arg4[%bitcast3A_97], %broadcast_in_dim3A_5 {add = true} : memref<100352xi32, #tpu.memory_space<vmem>>[vector<16xi32>], vector<16xi32>,
        %add3A_98 = arith.constant 32 : i32
        %add3A_99 = arith.addi %mul3A_89, %add3A_98 : i32
        %get3A_100 = arith.index_cast %add3A_99 : i32 to index
        %get3A_101 = tpu.vector_load %arg6[%get3A_100] {strides = array<i32>} : memref<8192xi32, #tpu.memory_space<vmem>>, vector<16xi32>,
        %bitcast3A_102 = vector.bitcast %get3A_101 : vector<16xi32> to vector<16xi32>
        tpu.vector_store_idx %arg4[%bitcast3A_102], %broadcast_in_dim3A_5 {add = true} : memref<100352xi32, #tpu.memory_space<vmem>>[vector<16xi32>], vector<16xi32>,
        %add3A_103 = arith.constant 48 : i32
        %add3A_104 = arith.addi %mul3A_89, %add3A_103 : i32
        %get3A_105 = arith.index_cast %add3A_104 : i32 to index
        %get3A_106 = tpu.vector_load %arg6[%get3A_105] {strides = array<i32>} : memref<8192xi32, #tpu.memory_space<vmem>>, vector<16xi32>,
        %bitcast3A_107 = vector.bitcast %get3A_106 : vector<16xi32> to vector<16xi32>
        tpu.vector_store_idx %arg4[%bitcast3A_107], %broadcast_in_dim3A_5 {add = true} : memref<100352xi32, #tpu.memory_space<vmem>>[vector<16xi32>], vector<16xi32>,
        %add3A_108 = arith.constant 64 : i32
        %add3A_109 = arith.addi %mul3A_89, %add3A_108 : i32
        %get3A_110 = arith.index_cast %add3A_109 : i32 to index
        %get3A_111 = tpu.vector_load %arg6[%get3A_110] {strides = array<i32>} : memref<8192xi32, #tpu.memory_space<vmem>>, vector<16xi32>,
        %bitcast3A_112 = vector.bitcast %get3A_111 : vector<16xi32> to vector<16xi32>
        tpu.vector_store_idx %arg4[%bitcast3A_112], %broadcast_in_dim3A_5 {add = true} : memref<100352xi32, #tpu.memory_space<vmem>>[vector<16xi32>], vector<16xi32>,
        %add3A_113 = arith.constant 80 : i32
        %add3A_114 = arith.addi %mul3A_89, %add3A_113 : i32
        %get3A_115 = arith.index_cast %add3A_114 : i32 to index
        %get3A_116 = tpu.vector_load %arg6[%get3A_115] {strides = array<i32>} : memref<8192xi32, #tpu.memory_space<vmem>>, vector<16xi32>,
        %bitcast3A_117 = vector.bitcast %get3A_116 : vector<16xi32> to vector<16xi32>
        tpu.vector_store_idx %arg4[%bitcast3A_117], %broadcast_in_dim3A_5 {add = true} : memref<100352xi32, #tpu.memory_space<vmem>>[vector<16xi32>], vector<16xi32>,
        %add3A_118 = arith.constant 96 : i32
        %add3A_119 = arith.addi %mul3A_89, %add3A_118 : i32
        %get3A_120 = arith.index_cast %add3A_119 : i32 to index
        %get3A_121 = tpu.vector_load %arg6[%get3A_120] {strides = array<i32>} : memref<8192xi32, #tpu.memory_space<vmem>>, vector<16xi32>,
        %bitcast3A_122 = vector.bitcast %get3A_121 : vector<16xi32> to vector<16xi32>
        tpu.vector_store_idx %arg4[%bitcast3A_122], %broadcast_in_dim3A_5 {add = true} : memref<100352xi32, #tpu.memory_space<vmem>>[vector<16xi32>], vector<16xi32>,
        %add3A_123 = arith.constant 112 : i32
        %add3A_124 = arith.addi %mul3A_89, %add3A_123 : i32
        %get3A_125 = arith.index_cast %add3A_124 : i32 to index
        %get3A_126 = tpu.vector_load %arg6[%get3A_125] {strides = array<i32>} : memref<8192xi32, #tpu.memory_space<vmem>>, vector<16xi32>,
        %bitcast3A_127 = vector.bitcast %get3A_126 : vector<16xi32> to vector<16xi32>
        tpu.vector_store_idx %arg4[%bitcast3A_127], %broadcast_in_dim3A_5 {add = true} : memref<100352xi32, #tpu.memory_space<vmem>>[vector<16xi32>], vector<16xi32>,
        %add3A_128 = arith.constant 128 : i32
        %add3A_129 = arith.addi %mul3A_89, %add3A_128 : i32
        %get3A_130 = arith.index_cast %add3A_129 : i32 to index
        %get3A_131 = tpu.vector_load %arg6[%get3A_130] {strides = array<i32>} : memref<8192xi32, #tpu.memory_space<vmem>>, vector<16xi32>,
        %bitcast3A_132 = vector.bitcast %get3A_131 : vector<16xi32> to vector<16xi32>
        tpu.vector_store_idx %arg4[%bitcast3A_132], %broadcast_in_dim3A_5 {add = true} : memref<100352xi32, #tpu.memory_space<vmem>>[vector<16xi32>], vector<16xi32>,
        %add3A_133 = arith.constant 144 : i32
        %add3A_134 = arith.addi %mul3A_89, %add3A_133 : i32
        %get3A_135 = arith.index_cast %add3A_134 : i32 to index
        %get3A_136 = tpu.vector_load %arg6[%get3A_135] {strides = array<i32>} : memref<8192xi32, #tpu.memory_space<vmem>>, vector<16xi32>,
        %bitcast3A_137 = vector.bitcast %get3A_136 : vector<16xi32> to vector<16xi32>
        tpu.vector_store_idx %arg4[%bitcast3A_137], %broadcast_in_dim3A_5 {add = true} : memref<100352xi32, #tpu.memory_space<vmem>>[vector<16xi32>], vector<16xi32>,
        %add3A_138 = arith.constant 160 : i32
        %add3A_139 = arith.addi %mul3A_89, %add3A_138 : i32
        %get3A_140 = arith.index_cast %add3A_139 : i32 to index
        %get3A_141 = tpu.vector_load %arg6[%get3A_140] {strides = array<i32>} : memref<8192xi32, #tpu.memory_space<vmem>>, vector<16xi32>,
        %bitcast3A_142 = vector.bitcast %get3A_141 : vector<16xi32> to vector<16xi32>
        tpu.vector_store_idx %arg4[%bitcast3A_142], %broadcast_in_dim3A_5 {add = true} : memref<100352xi32, #tpu.memory_space<vmem>>[vector<16xi32>], vector<16xi32>,
        %add3A_143 = arith.constant 176 : i32
        %add3A_144 = arith.addi %mul3A_89, %add3A_143 : i32
        %get3A_145 = arith.index_cast %add3A_144 : i32 to index
        %get3A_146 = tpu.vector_load %arg6[%get3A_145] {strides = array<i32>} : memref<8192xi32, #tpu.memory_space<vmem>>, vector<16xi32>,
        %bitcast3A_147 = vector.bitcast %get3A_146 : vector<16xi32> to vector<16xi32>
        tpu.vector_store_idx %arg4[%bitcast3A_147], %broadcast_in_dim3A_5 {add = true} : memref<100352xi32, #tpu.memory_space<vmem>>[vector<16xi32>], vector<16xi32>,
        %add3A_148 = arith.constant 192 : i32
        %add3A_149 = arith.addi %mul3A_89, %add3A_148 : i32
        %get3A_150 = arith.index_cast %add3A_149 : i32 to index
        %get3A_151 = tpu.vector_load %arg6[%get3A_150] {strides = array<i32>} : memref<8192xi32, #tpu.memory_space<vmem>>, vector<16xi32>,
        %bitcast3A_152 = vector.bitcast %get3A_151 : vector<16xi32> to vector<16xi32>
        tpu.vector_store_idx %arg4[%bitcast3A_152], %broadcast_in_dim3A_5 {add = true} : memref<100352xi32, #tpu.memory_space<vmem>>[vector<16xi32>], vector<16xi32>,
        %add3A_153 = arith.constant 208 : i32
        %add3A_154 = arith.addi %mul3A_89, %add3A_153 : i32
        %get3A_155 = arith.index_cast %add3A_154 : i32 to index
        %get3A_156 = tpu.vector_load %arg6[%get3A_155] {strides = array<i32>} : memref<8192xi32, #tpu.memory_space<vmem>>, vector<16xi32>,
        %bitcast3A_157 = vector.bitcast %get3A_156 : vector<16xi32> to vector<16xi32>
        tpu.vector_store_idx %arg4[%bitcast3A_157], %broadcast_in_dim3A_5 {add = true} : memref<100352xi32, #tpu.memory_space<vmem>>[vector<16xi32>], vector<16xi32>,
        %add3A_158 = arith.constant 224 : i32
        %add3A_159 = arith.addi %mul3A_89, %add3A_158 : i32
        %get3A_160 = arith.index_cast %add3A_159 : i32 to index
        %get3A_161 = tpu.vector_load %arg6[%get3A_160] {strides = array<i32>} : memref<8192xi32, #tpu.memory_space<vmem>>, vector<16xi32>,
        %bitcast3A_162 = vector.bitcast %get3A_161 : vector<16xi32> to vector<16xi32>
        tpu.vector_store_idx %arg4[%bitcast3A_162], %broadcast_in_dim3A_5 {add = true} : memref<100352xi32, #tpu.memory_space<vmem>>[vector<16xi32>], vector<16xi32>,
        %add3A_163 = arith.constant 240 : i32
        %add3A_164 = arith.addi %mul3A_89, %add3A_163 : i32
        %get3A_165 = arith.index_cast %add3A_164 : i32 to index
        %get3A_166 = tpu.vector_load %arg6[%get3A_165] {strides = array<i32>} : memref<8192xi32, #tpu.memory_space<vmem>>, vector<16xi32>,
        %bitcast3A_167 = vector.bitcast %get3A_166 : vector<16xi32> to vector<16xi32>
        tpu.vector_store_idx %arg4[%bitcast3A_167], %broadcast_in_dim3A_5 {add = true} : memref<100352xi32, #tpu.memory_space<vmem>>[vector<16xi32>], vector<16xi32>,
      }
      %while3A_86 = arith.constant 1 : i32
      scf.for %while3A_87 = %while3A_84 to %while3A_80 step %while3A_86  : i32 {
        %mul3A_88 = arith.constant 256 : i32
        %mul3A_89 = arith.muli %while3A_87, %mul3A_88 : i32
        %add3A_90 = arith.constant 0 : i32
        %add3A_91 = arith.addi %mul3A_89, %add3A_90 : i32
        %get3A = arith.index_cast %add3A_91 : i32 to index
        %get3A_92 = tpu.vector_load %arg6[%get3A] {strides = array<i32>} : memref<8192xi32, #tpu.memory_space<vmem>>, vector<16xi32>,
        %bitcast3A = vector.bitcast %get3A_92 : vector<16xi32> to vector<16xi32>
        tpu.vector_store_idx %arg4[%bitcast3A], %broadcast_in_dim3A_5 {add = true} : memref<100352xi32, #tpu.memory_space<vmem>>[vector<16xi32>], vector<16xi32>,
        %add3A_93 = arith.constant 16 : i32
        %add3A_94 = arith.addi %mul3A_89, %add3A_93 : i32
        %get3A_95 = arith.index_cast %add3A_94 : i32 to index
        %get3A_96 = tpu.vector_load %arg6[%get3A_95] {strides = array<i32>} : memref<8192xi32, #tpu.memory_space<vmem>>, vector<16xi32>,
        %bitcast3A_97 = vector.bitcast %get3A_96 : vector<16xi32> to vector<16xi32>
        tpu.vector_store_idx %arg4[%bitcast3A_97], %broadcast_in_dim3A_5 {add = true} : memref<100352xi32, #tpu.memory_space<vmem>>[vector<16xi32>], vector<16xi32>,
        %add3A_98 = arith.constant 32 : i32
        %add3A_99 = arith.addi %mul3A_89, %add3A_98 : i32
        %get3A_100 = arith.index_cast %add3A_99 : i32 to index
        %get3A_101 = tpu.vector_load %arg6[%get3A_100] {strides = array<i32>} : memref<8192xi32, #tpu.memory_space<vmem>>, vector<16xi32>,
        %bitcast3A_102 = vector.bitcast %get3A_101 : vector<16xi32> to vector<16xi32>
        tpu.vector_store_idx %arg4[%bitcast3A_102], %broadcast_in_dim3A_5 {add = true} : memref<100352xi32, #tpu.memory_space<vmem>>[vector<16xi32>], vector<16xi32>,
        %add3A_103 = arith.constant 48 : i32
        %add3A_104 = arith.addi %mul3A_89, %add3A_103 : i32
        %get3A_105 = arith.index_cast %add3A_104 : i32 to index
        %get3A_106 = tpu.vector_load %arg6[%get3A_105] {strides = array<i32>} : memref<8192xi32, #tpu.memory_space<vmem>>, vector<16xi32>,
        %bitcast3A_107 = vector.bitcast %get3A_106 : vector<16xi32> to vector<16xi32>
        tpu.vector_store_idx %arg4[%bitcast3A_107], %broadcast_in_dim3A_5 {add = true} : memref<100352xi32, #tpu.memory_space<vmem>>[vector<16xi32>], vector<16xi32>,
        %add3A_108 = arith.constant 64 : i32
        %add3A_109 = arith.addi %mul3A_89, %add3A_108 : i32
        %get3A_110 = arith.index_cast %add3A_109 : i32 to index
        %get3A_111 = tpu.vector_load %arg6[%get3A_110] {strides = array<i32>} : memref<8192xi32, #tpu.memory_space<vmem>>, vector<16xi32>,
        %bitcast3A_112 = vector.bitcast %get3A_111 : vector<16xi32> to vector<16xi32>
        tpu.vector_store_idx %arg4[%bitcast3A_112], %broadcast_in_dim3A_5 {add = true} : memref<100352xi32, #tpu.memory_space<vmem>>[vector<16xi32>], vector<16xi32>,
        %add3A_113 = arith.constant 80 : i32
        %add3A_114 = arith.addi %mul3A_89, %add3A_113 : i32
        %get3A_115 = arith.index_cast %add3A_114 : i32 to index
        %get3A_116 = tpu.vector_load %arg6[%get3A_115] {strides = array<i32>} : memref<8192xi32, #tpu.memory_space<vmem>>, vector<16xi32>,
        %bitcast3A_117 = vector.bitcast %get3A_116 : vector<16xi32> to vector<16xi32>
        tpu.vector_store_idx %arg4[%bitcast3A_117], %broadcast_in_dim3A_5 {add = true} : memref<100352xi32, #tpu.memory_space<vmem>>[vector<16xi32>], vector<16xi32>,
        %add3A_118 = arith.constant 96 : i32
        %add3A_119 = arith.addi %mul3A_89, %add3A_118 : i32
        %get3A_120 = arith.index_cast %add3A_119 : i32 to index
        %get3A_121 = tpu.vector_load %arg6[%get3A_120] {strides = array<i32>} : memref<8192xi32, #tpu.memory_space<vmem>>, vector<16xi32>,
        %bitcast3A_122 = vector.bitcast %get3A_121 : vector<16xi32> to vector<16xi32>
        tpu.vector_store_idx %arg4[%bitcast3A_122], %broadcast_in_dim3A_5 {add = true} : memref<100352xi32, #tpu.memory_space<vmem>>[vector<16xi32>], vector<16xi32>,
        %add3A_123 = arith.constant 112 : i32
        %add3A_124 = arith.addi %mul3A_89, %add3A_123 : i32
        %get3A_125 = arith.index_cast %add3A_124 : i32 to index
        %get3A_126 = tpu.vector_load %arg6[%get3A_125] {strides = array<i32>} : memref<8192xi32, #tpu.memory_space<vmem>>, vector<16xi32>,
        %bitcast3A_127 = vector.bitcast %get3A_126 : vector<16xi32> to vector<16xi32>
        tpu.vector_store_idx %arg4[%bitcast3A_127], %broadcast_in_dim3A_5 {add = true} : memref<100352xi32, #tpu.memory_space<vmem>>[vector<16xi32>], vector<16xi32>,
        %add3A_128 = arith.constant 128 : i32
        %add3A_129 = arith.addi %mul3A_89, %add3A_128 : i32
        %get3A_130 = arith.index_cast %add3A_129 : i32 to index
        %get3A_131 = tpu.vector_load %arg6[%get3A_130] {strides = array<i32>} : memref<8192xi32, #tpu.memory_space<vmem>>, vector<16xi32>,
        %bitcast3A_132 = vector.bitcast %get3A_131 : vector<16xi32> to vector<16xi32>
        tpu.vector_store_idx %arg4[%bitcast3A_132], %broadcast_in_dim3A_5 {add = true} : memref<100352xi32, #tpu.memory_space<vmem>>[vector<16xi32>], vector<16xi32>,
        %add3A_133 = arith.constant 144 : i32
        %add3A_134 = arith.addi %mul3A_89, %add3A_133 : i32
        %get3A_135 = arith.index_cast %add3A_134 : i32 to index
        %get3A_136 = tpu.vector_load %arg6[%get3A_135] {strides = array<i32>} : memref<8192xi32, #tpu.memory_space<vmem>>, vector<16xi32>,
        %bitcast3A_137 = vector.bitcast %get3A_136 : vector<16xi32> to vector<16xi32>
        tpu.vector_store_idx %arg4[%bitcast3A_137], %broadcast_in_dim3A_5 {add = true} : memref<100352xi32, #tpu.memory_space<vmem>>[vector<16xi32>], vector<16xi32>,
        %add3A_138 = arith.constant 160 : i32
        %add3A_139 = arith.addi %mul3A_89, %add3A_138 : i32
        %get3A_140 = arith.index_cast %add3A_139 : i32 to index
        %get3A_141 = tpu.vector_load %arg6[%get3A_140] {strides = array<i32>} : memref<8192xi32, #tpu.memory_space<vmem>>, vector<16xi32>,
        %bitcast3A_142 = vector.bitcast %get3A_141 : vector<16xi32> to vector<16xi32>
        tpu.vector_store_idx %arg4[%bitcast3A_142], %broadcast_in_dim3A_5 {add = true} : memref<100352xi32, #tpu.memory_space<vmem>>[vector<16xi32>], vector<16xi32>,
        %add3A_143 = arith.constant 176 : i32
        %add3A_144 = arith.addi %mul3A_89, %add3A_143 : i32
        %get3A_145 = arith.index_cast %add3A_144 : i32 to index
        %get3A_146 = tpu.vector_load %arg6[%get3A_145] {strides = array<i32>} : memref<8192xi32, #tpu.memory_space<vmem>>, vector<16xi32>,
        %bitcast3A_147 = vector.bitcast %get3A_146 : vector<16xi32> to vector<16xi32>
        tpu.vector_store_idx %arg4[%bitcast3A_147], %broadcast_in_dim3A_5 {add = true} : memref<100352xi32, #tpu.memory_space<vmem>>[vector<16xi32>], vector<16xi32>,
        %add3A_148 = arith.constant 192 : i32
        %add3A_149 = arith.addi %mul3A_89, %add3A_148 : i32
        %get3A_150 = arith.index_cast %add3A_149 : i32 to index
        %get3A_151 = tpu.vector_load %arg6[%get3A_150] {strides = array<i32>} : memref<8192xi32, #tpu.memory_space<vmem>>, vector<16xi32>,
        %bitcast3A_152 = vector.bitcast %get3A_151 : vector<16xi32> to vector<16xi32>
        tpu.vector_store_idx %arg4[%bitcast3A_152], %broadcast_in_dim3A_5 {add = true} : memref<100352xi32, #tpu.memory_space<vmem>>[vector<16xi32>], vector<16xi32>,
        %add3A_153 = arith.constant 208 : i32
        %add3A_154 = arith.addi %mul3A_89, %add3A_153 : i32
        %get3A_155 = arith.index_cast %add3A_154 : i32 to index
        %get3A_156 = tpu.vector_load %arg6[%get3A_155] {strides = array<i32>} : memref<8192xi32, #tpu.memory_space<vmem>>, vector<16xi32>,
        %bitcast3A_157 = vector.bitcast %get3A_156 : vector<16xi32> to vector<16xi32>
        tpu.vector_store_idx %arg4[%bitcast3A_157], %broadcast_in_dim3A_5 {add = true} : memref<100352xi32, #tpu.memory_space<vmem>>[vector<16xi32>], vector<16xi32>,
        %add3A_158 = arith.constant 224 : i32
        %add3A_159 = arith.addi %mul3A_89, %add3A_158 : i32
        %get3A_160 = arith.index_cast %add3A_159 : i32 to index
        %get3A_161 = tpu.vector_load %arg6[%get3A_160] {strides = array<i32>} : memref<8192xi32, #tpu.memory_space<vmem>>, vector<16xi32>,
        %bitcast3A_162 = vector.bitcast %get3A_161 : vector<16xi32> to vector<16xi32>
        tpu.vector_store_idx %arg4[%bitcast3A_162], %broadcast_in_dim3A_5 {add = true} : memref<100352xi32, #tpu.memory_space<vmem>>[vector<16xi32>], vector<16xi32>,
        %add3A_163 = arith.constant 240 : i32
        %add3A_164 = arith.addi %mul3A_89, %add3A_163 : i32
        %get3A_165 = arith.index_cast %add3A_164 : i32 to index
        %get3A_166 = tpu.vector_load %arg6[%get3A_165] {strides = array<i32>} : memref<8192xi32, #tpu.memory_space<vmem>>, vector<16xi32>,
        %bitcast3A_167 = vector.bitcast %get3A_166 : vector<16xi32> to vector<16xi32>
        tpu.vector_store_idx %arg4[%bitcast3A_167], %broadcast_in_dim3A_5 {add = true} : memref<100352xi32, #tpu.memory_space<vmem>>[vector<16xi32>], vector<16xi32>,
      }
    }
    %mul3A_32 = arith.constant 100352 : i32
    %mul3A_33 = arith.muli %add3A, %mul3A_32 : i32
    %multiple_of3A_34 = tpu.assume_multiple %mul3A_33, 8 : i32
    "tpu.region"() ({
      %run_scoped3A = tpu.sem_alloc : memref<!tpu.dma_semaphore, #tpu.memory_space<semaphore_mem>>
      %dma_start3A_35 = tpu.memref_slice %arg3[%multiple_of3A_34] : memref<3211264xi32, #tpu.memory_space<hbm>> -> memref<100352xi32, #tpu.memory_space<hbm>>
      %dma_start3A_36 = tpu.memref_slice %arg3[%multiple_of3A_34] : memref<3211264xi32, #tpu.memory_space<hbm>> -> memref<100352xi32, #tpu.memory_space<hbm>>
      tpu.enqueue_dma source(%arg4 : memref<100352xi32, #tpu.memory_space<vmem>>) target(%dma_start3A_36 : memref<100352xi32, #tpu.memory_space<hbm>>) target_semaphore(%run_scoped3A : memref<!tpu.dma_semaphore, #tpu.memory_space<semaphore_mem>>)
      %dma_wait3A = tpu.memref_slice %arg3[%multiple_of3A_34] : memref<3211264xi32, #tpu.memory_space<hbm>> -> memref<100352xi32, #tpu.memory_space<hbm>>
      %dma_wait3A_37 = tpu.memref_slice %arg3[%multiple_of3A_34] : memref<3211264xi32, #tpu.memory_space<hbm>> -> memref<100352xi32, #tpu.memory_space<hbm>>
      tpu.wait_dma2 semaphore(%run_scoped3A : memref<!tpu.dma_semaphore, #tpu.memory_space<semaphore_mem>>) src(%arg4 : memref<100352xi32, #tpu.memory_space<vmem>>) dst(%dma_wait3A_37 : memref<100352xi32, #tpu.memory_space<hbm>>)
      tpu.yield
    }) : () -> ()
    return
  }
}

#map = affine_map<(d0, d1) -> (0)>
module attributes {stable_mosaic.version = 14 : i64} {
  func.func @_merge_kernel(%arg0: i32, %arg1: i32, %arg2: memref<3211264xi32, #tpu.memory_space<hbm>>, %arg3: memref<100352xi32, #tpu.memory_space<hbm>>, %arg4: memref<3136xi32, #tpu.memory_space<vmem>>, %arg5: memref<3136xi32, #tpu.memory_space<vmem>>) attributes {dimension_semantics = [#tpu.dimension_semantics<core_parallel>, #tpu.dimension_semantics<subcore_parallel>], iteration_bounds = array<i64: 2, 16>, scalar_prefetch = 0 : i64, scratch_operands = 2 : i64, tpu.core_type = #tpu.core_type<sc_vector_subcore>, window_params = [{transform_indices = #map}, {transform_indices = #map}]} {
    %mul3A = arith.constant 2 : i32
    %mul3A_0 = arith.muli %arg1, %mul3A : i32
    %add3A = arith.addi %mul3A_0, %arg0 : i32
    %mul3A_1 = arith.constant 3136 : i32
    %mul3A_2 = arith.muli %add3A, %mul3A_1 : i32
    %multiple_of3A = tpu.assume_multiple %mul3A_2, 8 : i32
    "tpu.region"() ({
      %run_scoped3A = tpu.sem_alloc : memref<!tpu.dma_semaphore, #tpu.memory_space<semaphore_mem>>
      %dma_start3A = tpu.memref_slice %arg2[%multiple_of3A] : memref<3211264xi32, #tpu.memory_space<hbm>> -> memref<3136xi32, #tpu.memory_space<hbm>>
      %dma_start3A_13 = tpu.memref_slice %arg2[%multiple_of3A] : memref<3211264xi32, #tpu.memory_space<hbm>> -> memref<3136xi32, #tpu.memory_space<hbm>>
      tpu.enqueue_dma source(%dma_start3A_13 : memref<3136xi32, #tpu.memory_space<hbm>>) target(%arg4 : memref<3136xi32, #tpu.memory_space<vmem>>) target_semaphore(%run_scoped3A : memref<!tpu.dma_semaphore, #tpu.memory_space<semaphore_mem>>)
      %dma_wait3A = tpu.memref_slice %arg2[%multiple_of3A] : memref<3211264xi32, #tpu.memory_space<hbm>> -> memref<3136xi32, #tpu.memory_space<hbm>>
      %dma_wait3A_14 = tpu.memref_slice %arg2[%multiple_of3A] : memref<3211264xi32, #tpu.memory_space<hbm>> -> memref<3136xi32, #tpu.memory_space<hbm>>
      tpu.wait_dma2 semaphore(%run_scoped3A : memref<!tpu.dma_semaphore, #tpu.memory_space<semaphore_mem>>) src(%dma_wait3A_14 : memref<3136xi32, #tpu.memory_space<hbm>>) dst(%arg4 : memref<3136xi32, #tpu.memory_space<vmem>>)
      tpu.yield
    }) : () -> ()
    %while3A = arith.constant 0 : i32
    %while3A_3 = arith.constant 1 : i32
    %while3A_4 = arith.constant 32 : i32
    %while3A_5 = arith.subi %while3A_4, %while3A_3 : i32
    %while3A_6 = arith.addi %while3A_3, %while3A_5 : i32
    %while3A_7 = arith.constant 1 : i32
    %while3A_8 = arith.divsi %while3A_5, %while3A_7 : i32
    %while3A_9 = arith.muli %while3A_8, %while3A_7 : i32
    %while3A_10 = arith.addi %while3A_3, %while3A_9 : i32
    %while3A_11 = arith.constant 1 : i32
    scf.for %while3A_13 = %while3A_3 to %while3A_10 step %while3A_11  : i32 {
      %mul3A_14 = arith.constant 100352 : i32
      %mul3A_15 = arith.muli %while3A_13, %mul3A_14 : i32
      %add3A_16 = arith.addi %mul3A_15, %multiple_of3A : i32
      %multiple_of3A_17 = tpu.assume_multiple %add3A_16, 8 : i32
      "tpu.region"() ({
        %run_scoped3A = tpu.sem_alloc : memref<!tpu.dma_semaphore, #tpu.memory_space<semaphore_mem>>
        %dma_start3A = tpu.memref_slice %arg2[%multiple_of3A_17] : memref<3211264xi32, #tpu.memory_space<hbm>> -> memref<3136xi32, #tpu.memory_space<hbm>>
        %dma_start3A_29 = tpu.memref_slice %arg2[%multiple_of3A_17] : memref<3211264xi32, #tpu.memory_space<hbm>> -> memref<3136xi32, #tpu.memory_space<hbm>>
        tpu.enqueue_dma source(%dma_start3A_29 : memref<3136xi32, #tpu.memory_space<hbm>>) target(%arg5 : memref<3136xi32, #tpu.memory_space<vmem>>) target_semaphore(%run_scoped3A : memref<!tpu.dma_semaphore, #tpu.memory_space<semaphore_mem>>)
        %dma_wait3A = tpu.memref_slice %arg2[%multiple_of3A_17] : memref<3211264xi32, #tpu.memory_space<hbm>> -> memref<3136xi32, #tpu.memory_space<hbm>>
        %dma_wait3A_30 = tpu.memref_slice %arg2[%multiple_of3A_17] : memref<3211264xi32, #tpu.memory_space<hbm>> -> memref<3136xi32, #tpu.memory_space<hbm>>
        tpu.wait_dma2 semaphore(%run_scoped3A : memref<!tpu.dma_semaphore, #tpu.memory_space<semaphore_mem>>) src(%dma_wait3A_30 : memref<3136xi32, #tpu.memory_space<hbm>>) dst(%arg5 : memref<3136xi32, #tpu.memory_space<vmem>>)
        tpu.yield
      }) : () -> ()
      %while3A_18 = arith.constant 0 : i32
      %while3A_19 = arith.constant 0 : i32
      %while3A_20 = arith.constant 49 : i32
      %while3A_21 = arith.subi %while3A_20, %while3A_19 : i32
      %while3A_22 = arith.addi %while3A_19, %while3A_21 : i32
      %while3A_23 = arith.constant 1 : i32
      %while3A_24 = arith.divsi %while3A_21, %while3A_23 : i32
      %while3A_25 = arith.muli %while3A_24, %while3A_23 : i32
      %while3A_26 = arith.addi %while3A_19, %while3A_25 : i32
      %while3A_27 = arith.constant 1 : i32
      scf.for %while3A_29 = %while3A_19 to %while3A_26 step %while3A_27  : i32 {
        %mul3A_30 = arith.constant 64 : i32
        %mul3A_31 = arith.muli %while3A_29, %mul3A_30 : i32
        %add3A_32 = arith.constant 0 : i32
        %add3A_33 = arith.addi %mul3A_31, %add3A_32 : i32
        %get3A = arith.index_cast %add3A_33 : i32 to index
        %get3A_34 = tpu.vector_load %arg4[%get3A] {strides = array<i32>} : memref<3136xi32, #tpu.memory_space<vmem>>, vector<16xi32>,
        %get3A_35 = arith.index_cast %add3A_33 : i32 to index
        %get3A_36 = tpu.vector_load %arg5[%get3A_35] {strides = array<i32>} : memref<3136xi32, #tpu.memory_space<vmem>>, vector<16xi32>,
        %add3A_37 = arith.addi %get3A_34, %get3A_36 : vector<16xi32>
        %swap3A = arith.index_cast %add3A_33 : i32 to index
        %swap3A_38 = tpu.vector_load %arg4[%swap3A] {strides = array<i32>} : memref<3136xi32, #tpu.memory_space<vmem>>, vector<16xi32>,
        tpu.vector_store %arg4[%swap3A], %add3A_37 {strides = array<i32>} : memref<3136xi32, #tpu.memory_space<vmem>>, vector<16xi32>,
        %add3A_39 = arith.constant 16 : i32
        %add3A_40 = arith.addi %mul3A_31, %add3A_39 : i32
        %get3A_41 = arith.index_cast %add3A_40 : i32 to index
        %get3A_42 = tpu.vector_load %arg4[%get3A_41] {strides = array<i32>} : memref<3136xi32, #tpu.memory_space<vmem>>, vector<16xi32>,
        %get3A_43 = arith.index_cast %add3A_40 : i32 to index
        %get3A_44 = tpu.vector_load %arg5[%get3A_43] {strides = array<i32>} : memref<3136xi32, #tpu.memory_space<vmem>>, vector<16xi32>,
        %add3A_45 = arith.addi %get3A_42, %get3A_44 : vector<16xi32>
        %swap3A_46 = arith.index_cast %add3A_40 : i32 to index
        %swap3A_47 = tpu.vector_load %arg4[%swap3A_46] {strides = array<i32>} : memref<3136xi32, #tpu.memory_space<vmem>>, vector<16xi32>,
        tpu.vector_store %arg4[%swap3A_46], %add3A_45 {strides = array<i32>} : memref<3136xi32, #tpu.memory_space<vmem>>, vector<16xi32>,
        %add3A_48 = arith.constant 32 : i32
        %add3A_49 = arith.addi %mul3A_31, %add3A_48 : i32
        %get3A_50 = arith.index_cast %add3A_49 : i32 to index
        %get3A_51 = tpu.vector_load %arg4[%get3A_50] {strides = array<i32>} : memref<3136xi32, #tpu.memory_space<vmem>>, vector<16xi32>,
        %get3A_52 = arith.index_cast %add3A_49 : i32 to index
        %get3A_53 = tpu.vector_load %arg5[%get3A_52] {strides = array<i32>} : memref<3136xi32, #tpu.memory_space<vmem>>, vector<16xi32>,
        %add3A_54 = arith.addi %get3A_51, %get3A_53 : vector<16xi32>
        %swap3A_55 = arith.index_cast %add3A_49 : i32 to index
        %swap3A_56 = tpu.vector_load %arg4[%swap3A_55] {strides = array<i32>} : memref<3136xi32, #tpu.memory_space<vmem>>, vector<16xi32>,
        tpu.vector_store %arg4[%swap3A_55], %add3A_54 {strides = array<i32>} : memref<3136xi32, #tpu.memory_space<vmem>>, vector<16xi32>,
        %add3A_57 = arith.constant 48 : i32
        %add3A_58 = arith.addi %mul3A_31, %add3A_57 : i32
        %get3A_59 = arith.index_cast %add3A_58 : i32 to index
        %get3A_60 = tpu.vector_load %arg4[%get3A_59] {strides = array<i32>} : memref<3136xi32, #tpu.memory_space<vmem>>, vector<16xi32>,
        %get3A_61 = arith.index_cast %add3A_58 : i32 to index
        %get3A_62 = tpu.vector_load %arg5[%get3A_61] {strides = array<i32>} : memref<3136xi32, #tpu.memory_space<vmem>>, vector<16xi32>,
        %add3A_63 = arith.addi %get3A_60, %get3A_62 : vector<16xi32>
        %swap3A_64 = arith.index_cast %add3A_58 : i32 to index
        %swap3A_65 = tpu.vector_load %arg4[%swap3A_64] {strides = array<i32>} : memref<3136xi32, #tpu.memory_space<vmem>>, vector<16xi32>,
        tpu.vector_store %arg4[%swap3A_64], %add3A_63 {strides = array<i32>} : memref<3136xi32, #tpu.memory_space<vmem>>, vector<16xi32>,
      }
      %while3A_28 = arith.constant 1 : i32
      scf.for %while3A_29 = %while3A_26 to %while3A_22 step %while3A_28  : i32 {
        %mul3A_30 = arith.constant 64 : i32
        %mul3A_31 = arith.muli %while3A_29, %mul3A_30 : i32
        %add3A_32 = arith.constant 0 : i32
        %add3A_33 = arith.addi %mul3A_31, %add3A_32 : i32
        %get3A = arith.index_cast %add3A_33 : i32 to index
        %get3A_34 = tpu.vector_load %arg4[%get3A] {strides = array<i32>} : memref<3136xi32, #tpu.memory_space<vmem>>, vector<16xi32>,
        %get3A_35 = arith.index_cast %add3A_33 : i32 to index
        %get3A_36 = tpu.vector_load %arg5[%get3A_35] {strides = array<i32>} : memref<3136xi32, #tpu.memory_space<vmem>>, vector<16xi32>,
        %add3A_37 = arith.addi %get3A_34, %get3A_36 : vector<16xi32>
        %swap3A = arith.index_cast %add3A_33 : i32 to index
        %swap3A_38 = tpu.vector_load %arg4[%swap3A] {strides = array<i32>} : memref<3136xi32, #tpu.memory_space<vmem>>, vector<16xi32>,
        tpu.vector_store %arg4[%swap3A], %add3A_37 {strides = array<i32>} : memref<3136xi32, #tpu.memory_space<vmem>>, vector<16xi32>,
        %add3A_39 = arith.constant 16 : i32
        %add3A_40 = arith.addi %mul3A_31, %add3A_39 : i32
        %get3A_41 = arith.index_cast %add3A_40 : i32 to index
        %get3A_42 = tpu.vector_load %arg4[%get3A_41] {strides = array<i32>} : memref<3136xi32, #tpu.memory_space<vmem>>, vector<16xi32>,
        %get3A_43 = arith.index_cast %add3A_40 : i32 to index
        %get3A_44 = tpu.vector_load %arg5[%get3A_43] {strides = array<i32>} : memref<3136xi32, #tpu.memory_space<vmem>>, vector<16xi32>,
        %add3A_45 = arith.addi %get3A_42, %get3A_44 : vector<16xi32>
        %swap3A_46 = arith.index_cast %add3A_40 : i32 to index
        %swap3A_47 = tpu.vector_load %arg4[%swap3A_46] {strides = array<i32>} : memref<3136xi32, #tpu.memory_space<vmem>>, vector<16xi32>,
        tpu.vector_store %arg4[%swap3A_46], %add3A_45 {strides = array<i32>} : memref<3136xi32, #tpu.memory_space<vmem>>, vector<16xi32>,
        %add3A_48 = arith.constant 32 : i32
        %add3A_49 = arith.addi %mul3A_31, %add3A_48 : i32
        %get3A_50 = arith.index_cast %add3A_49 : i32 to index
        %get3A_51 = tpu.vector_load %arg4[%get3A_50] {strides = array<i32>} : memref<3136xi32, #tpu.memory_space<vmem>>, vector<16xi32>,
        %get3A_52 = arith.index_cast %add3A_49 : i32 to index
        %get3A_53 = tpu.vector_load %arg5[%get3A_52] {strides = array<i32>} : memref<3136xi32, #tpu.memory_space<vmem>>, vector<16xi32>,
        %add3A_54 = arith.addi %get3A_51, %get3A_53 : vector<16xi32>
        %swap3A_55 = arith.index_cast %add3A_49 : i32 to index
        %swap3A_56 = tpu.vector_load %arg4[%swap3A_55] {strides = array<i32>} : memref<3136xi32, #tpu.memory_space<vmem>>, vector<16xi32>,
        tpu.vector_store %arg4[%swap3A_55], %add3A_54 {strides = array<i32>} : memref<3136xi32, #tpu.memory_space<vmem>>, vector<16xi32>,
        %add3A_57 = arith.constant 48 : i32
        %add3A_58 = arith.addi %mul3A_31, %add3A_57 : i32
        %get3A_59 = arith.index_cast %add3A_58 : i32 to index
        %get3A_60 = tpu.vector_load %arg4[%get3A_59] {strides = array<i32>} : memref<3136xi32, #tpu.memory_space<vmem>>, vector<16xi32>,
        %get3A_61 = arith.index_cast %add3A_58 : i32 to index
        %get3A_62 = tpu.vector_load %arg5[%get3A_61] {strides = array<i32>} : memref<3136xi32, #tpu.memory_space<vmem>>, vector<16xi32>,
        %add3A_63 = arith.addi %get3A_60, %get3A_62 : vector<16xi32>
        %swap3A_64 = arith.index_cast %add3A_58 : i32 to index
        %swap3A_65 = tpu.vector_load %arg4[%swap3A_64] {strides = array<i32>} : memref<3136xi32, #tpu.memory_space<vmem>>, vector<16xi32>,
        tpu.vector_store %arg4[%swap3A_64], %add3A_63 {strides = array<i32>} : memref<3136xi32, #tpu.memory_space<vmem>>, vector<16xi32>,
      }
    }
    %while3A_12 = arith.constant 1 : i32
    scf.for %while3A_13 = %while3A_10 to %while3A_6 step %while3A_12  : i32 {
      %mul3A_14 = arith.constant 100352 : i32
      %mul3A_15 = arith.muli %while3A_13, %mul3A_14 : i32
      %add3A_16 = arith.addi %mul3A_15, %multiple_of3A : i32
      %multiple_of3A_17 = tpu.assume_multiple %add3A_16, 8 : i32
      "tpu.region"() ({
        %run_scoped3A = tpu.sem_alloc : memref<!tpu.dma_semaphore, #tpu.memory_space<semaphore_mem>>
        %dma_start3A = tpu.memref_slice %arg2[%multiple_of3A_17] : memref<3211264xi32, #tpu.memory_space<hbm>> -> memref<3136xi32, #tpu.memory_space<hbm>>
        %dma_start3A_29 = tpu.memref_slice %arg2[%multiple_of3A_17] : memref<3211264xi32, #tpu.memory_space<hbm>> -> memref<3136xi32, #tpu.memory_space<hbm>>
        tpu.enqueue_dma source(%dma_start3A_29 : memref<3136xi32, #tpu.memory_space<hbm>>) target(%arg5 : memref<3136xi32, #tpu.memory_space<vmem>>) target_semaphore(%run_scoped3A : memref<!tpu.dma_semaphore, #tpu.memory_space<semaphore_mem>>)
        %dma_wait3A = tpu.memref_slice %arg2[%multiple_of3A_17] : memref<3211264xi32, #tpu.memory_space<hbm>> -> memref<3136xi32, #tpu.memory_space<hbm>>
        %dma_wait3A_30 = tpu.memref_slice %arg2[%multiple_of3A_17] : memref<3211264xi32, #tpu.memory_space<hbm>> -> memref<3136xi32, #tpu.memory_space<hbm>>
        tpu.wait_dma2 semaphore(%run_scoped3A : memref<!tpu.dma_semaphore, #tpu.memory_space<semaphore_mem>>) src(%dma_wait3A_30 : memref<3136xi32, #tpu.memory_space<hbm>>) dst(%arg5 : memref<3136xi32, #tpu.memory_space<vmem>>)
        tpu.yield
      }) : () -> ()
      %while3A_18 = arith.constant 0 : i32
      %while3A_19 = arith.constant 0 : i32
      %while3A_20 = arith.constant 49 : i32
      %while3A_21 = arith.subi %while3A_20, %while3A_19 : i32
      %while3A_22 = arith.addi %while3A_19, %while3A_21 : i32
      %while3A_23 = arith.constant 1 : i32
      %while3A_24 = arith.divsi %while3A_21, %while3A_23 : i32
      %while3A_25 = arith.muli %while3A_24, %while3A_23 : i32
      %while3A_26 = arith.addi %while3A_19, %while3A_25 : i32
      %while3A_27 = arith.constant 1 : i32
      scf.for %while3A_29 = %while3A_19 to %while3A_26 step %while3A_27  : i32 {
        %mul3A_30 = arith.constant 64 : i32
        %mul3A_31 = arith.muli %while3A_29, %mul3A_30 : i32
        %add3A_32 = arith.constant 0 : i32
        %add3A_33 = arith.addi %mul3A_31, %add3A_32 : i32
        %get3A = arith.index_cast %add3A_33 : i32 to index
        %get3A_34 = tpu.vector_load %arg4[%get3A] {strides = array<i32>} : memref<3136xi32, #tpu.memory_space<vmem>>, vector<16xi32>,
        %get3A_35 = arith.index_cast %add3A_33 : i32 to index
        %get3A_36 = tpu.vector_load %arg5[%get3A_35] {strides = array<i32>} : memref<3136xi32, #tpu.memory_space<vmem>>, vector<16xi32>,
        %add3A_37 = arith.addi %get3A_34, %get3A_36 : vector<16xi32>
        %swap3A = arith.index_cast %add3A_33 : i32 to index
        %swap3A_38 = tpu.vector_load %arg4[%swap3A] {strides = array<i32>} : memref<3136xi32, #tpu.memory_space<vmem>>, vector<16xi32>,
        tpu.vector_store %arg4[%swap3A], %add3A_37 {strides = array<i32>} : memref<3136xi32, #tpu.memory_space<vmem>>, vector<16xi32>,
        %add3A_39 = arith.constant 16 : i32
        %add3A_40 = arith.addi %mul3A_31, %add3A_39 : i32
        %get3A_41 = arith.index_cast %add3A_40 : i32 to index
        %get3A_42 = tpu.vector_load %arg4[%get3A_41] {strides = array<i32>} : memref<3136xi32, #tpu.memory_space<vmem>>, vector<16xi32>,
        %get3A_43 = arith.index_cast %add3A_40 : i32 to index
        %get3A_44 = tpu.vector_load %arg5[%get3A_43] {strides = array<i32>} : memref<3136xi32, #tpu.memory_space<vmem>>, vector<16xi32>,
        %add3A_45 = arith.addi %get3A_42, %get3A_44 : vector<16xi32>
        %swap3A_46 = arith.index_cast %add3A_40 : i32 to index
        %swap3A_47 = tpu.vector_load %arg4[%swap3A_46] {strides = array<i32>} : memref<3136xi32, #tpu.memory_space<vmem>>, vector<16xi32>,
        tpu.vector_store %arg4[%swap3A_46], %add3A_45 {strides = array<i32>} : memref<3136xi32, #tpu.memory_space<vmem>>, vector<16xi32>,
        %add3A_48 = arith.constant 32 : i32
        %add3A_49 = arith.addi %mul3A_31, %add3A_48 : i32
        %get3A_50 = arith.index_cast %add3A_49 : i32 to index
        %get3A_51 = tpu.vector_load %arg4[%get3A_50] {strides = array<i32>} : memref<3136xi32, #tpu.memory_space<vmem>>, vector<16xi32>,
        %get3A_52 = arith.index_cast %add3A_49 : i32 to index
        %get3A_53 = tpu.vector_load %arg5[%get3A_52] {strides = array<i32>} : memref<3136xi32, #tpu.memory_space<vmem>>, vector<16xi32>,
        %add3A_54 = arith.addi %get3A_51, %get3A_53 : vector<16xi32>
        %swap3A_55 = arith.index_cast %add3A_49 : i32 to index
        %swap3A_56 = tpu.vector_load %arg4[%swap3A_55] {strides = array<i32>} : memref<3136xi32, #tpu.memory_space<vmem>>, vector<16xi32>,
        tpu.vector_store %arg4[%swap3A_55], %add3A_54 {strides = array<i32>} : memref<3136xi32, #tpu.memory_space<vmem>>, vector<16xi32>,
        %add3A_57 = arith.constant 48 : i32
        %add3A_58 = arith.addi %mul3A_31, %add3A_57 : i32
        %get3A_59 = arith.index_cast %add3A_58 : i32 to index
        %get3A_60 = tpu.vector_load %arg4[%get3A_59] {strides = array<i32>} : memref<3136xi32, #tpu.memory_space<vmem>>, vector<16xi32>,
        %get3A_61 = arith.index_cast %add3A_58 : i32 to index
        %get3A_62 = tpu.vector_load %arg5[%get3A_61] {strides = array<i32>} : memref<3136xi32, #tpu.memory_space<vmem>>, vector<16xi32>,
        %add3A_63 = arith.addi %get3A_60, %get3A_62 : vector<16xi32>
        %swap3A_64 = arith.index_cast %add3A_58 : i32 to index
        %swap3A_65 = tpu.vector_load %arg4[%swap3A_64] {strides = array<i32>} : memref<3136xi32, #tpu.memory_space<vmem>>, vector<16xi32>,
        tpu.vector_store %arg4[%swap3A_64], %add3A_63 {strides = array<i32>} : memref<3136xi32, #tpu.memory_space<vmem>>, vector<16xi32>,
      }
      %while3A_28 = arith.constant 1 : i32
      scf.for %while3A_29 = %while3A_26 to %while3A_22 step %while3A_28  : i32 {
        %mul3A_30 = arith.constant 64 : i32
        %mul3A_31 = arith.muli %while3A_29, %mul3A_30 : i32
        %add3A_32 = arith.constant 0 : i32
        %add3A_33 = arith.addi %mul3A_31, %add3A_32 : i32
        %get3A = arith.index_cast %add3A_33 : i32 to index
        %get3A_34 = tpu.vector_load %arg4[%get3A] {strides = array<i32>} : memref<3136xi32, #tpu.memory_space<vmem>>, vector<16xi32>,
        %get3A_35 = arith.index_cast %add3A_33 : i32 to index
        %get3A_36 = tpu.vector_load %arg5[%get3A_35] {strides = array<i32>} : memref<3136xi32, #tpu.memory_space<vmem>>, vector<16xi32>,
        %add3A_37 = arith.addi %get3A_34, %get3A_36 : vector<16xi32>
        %swap3A = arith.index_cast %add3A_33 : i32 to index
        %swap3A_38 = tpu.vector_load %arg4[%swap3A] {strides = array<i32>} : memref<3136xi32, #tpu.memory_space<vmem>>, vector<16xi32>,
        tpu.vector_store %arg4[%swap3A], %add3A_37 {strides = array<i32>} : memref<3136xi32, #tpu.memory_space<vmem>>, vector<16xi32>,
        %add3A_39 = arith.constant 16 : i32
        %add3A_40 = arith.addi %mul3A_31, %add3A_39 : i32
        %get3A_41 = arith.index_cast %add3A_40 : i32 to index
        %get3A_42 = tpu.vector_load %arg4[%get3A_41] {strides = array<i32>} : memref<3136xi32, #tpu.memory_space<vmem>>, vector<16xi32>,
        %get3A_43 = arith.index_cast %add3A_40 : i32 to index
        %get3A_44 = tpu.vector_load %arg5[%get3A_43] {strides = array<i32>} : memref<3136xi32, #tpu.memory_space<vmem>>, vector<16xi32>,
        %add3A_45 = arith.addi %get3A_42, %get3A_44 : vector<16xi32>
        %swap3A_46 = arith.index_cast %add3A_40 : i32 to index
        %swap3A_47 = tpu.vector_load %arg4[%swap3A_46] {strides = array<i32>} : memref<3136xi32, #tpu.memory_space<vmem>>, vector<16xi32>,
        tpu.vector_store %arg4[%swap3A_46], %add3A_45 {strides = array<i32>} : memref<3136xi32, #tpu.memory_space<vmem>>, vector<16xi32>,
        %add3A_48 = arith.constant 32 : i32
        %add3A_49 = arith.addi %mul3A_31, %add3A_48 : i32
        %get3A_50 = arith.index_cast %add3A_49 : i32 to index
        %get3A_51 = tpu.vector_load %arg4[%get3A_50] {strides = array<i32>} : memref<3136xi32, #tpu.memory_space<vmem>>, vector<16xi32>,
        %get3A_52 = arith.index_cast %add3A_49 : i32 to index
        %get3A_53 = tpu.vector_load %arg5[%get3A_52] {strides = array<i32>} : memref<3136xi32, #tpu.memory_space<vmem>>, vector<16xi32>,
        %add3A_54 = arith.addi %get3A_51, %get3A_53 : vector<16xi32>
        %swap3A_55 = arith.index_cast %add3A_49 : i32 to index
        %swap3A_56 = tpu.vector_load %arg4[%swap3A_55] {strides = array<i32>} : memref<3136xi32, #tpu.memory_space<vmem>>, vector<16xi32>,
        tpu.vector_store %arg4[%swap3A_55], %add3A_54 {strides = array<i32>} : memref<3136xi32, #tpu.memory_space<vmem>>, vector<16xi32>,
        %add3A_57 = arith.constant 48 : i32
        %add3A_58 = arith.addi %mul3A_31, %add3A_57 : i32
        %get3A_59 = arith.index_cast %add3A_58 : i32 to index
        %get3A_60 = tpu.vector_load %arg4[%get3A_59] {strides = array<i32>} : memref<3136xi32, #tpu.memory_space<vmem>>, vector<16xi32>,
        %get3A_61 = arith.index_cast %add3A_58 : i32 to index
        %get3A_62 = tpu.vector_load %arg5[%get3A_61] {strides = array<i32>} : memref<3136xi32, #tpu.memory_space<vmem>>, vector<16xi32>,
        %add3A_63 = arith.addi %get3A_60, %get3A_62 : vector<16xi32>
        %swap3A_64 = arith.index_cast %add3A_58 : i32 to index
        %swap3A_65 = tpu.vector_load %arg4[%swap3A_64] {strides = array<i32>} : memref<3136xi32, #tpu.memory_space<vmem>>, vector<16xi32>,
        tpu.vector_store %arg4[%swap3A_64], %add3A_63 {strides = array<i32>} : memref<3136xi32, #tpu.memory_space<vmem>>, vector<16xi32>,
      }
    }
    "tpu.region"() ({
      %run_scoped3A = tpu.sem_alloc : memref<!tpu.dma_semaphore, #tpu.memory_space<semaphore_mem>>
      %dma_start3A = tpu.memref_slice %arg3[%multiple_of3A] : memref<100352xi32, #tpu.memory_space<hbm>> -> memref<3136xi32, #tpu.memory_space<hbm>>
      %dma_start3A_13 = tpu.memref_slice %arg3[%multiple_of3A] : memref<100352xi32, #tpu.memory_space<hbm>> -> memref<3136xi32, #tpu.memory_space<hbm>>
      tpu.enqueue_dma source(%arg4 : memref<3136xi32, #tpu.memory_space<vmem>>) target(%dma_start3A_13 : memref<3136xi32, #tpu.memory_space<hbm>>) target_semaphore(%run_scoped3A : memref<!tpu.dma_semaphore, #tpu.memory_space<semaphore_mem>>)
      %dma_wait3A = tpu.memref_slice %arg3[%multiple_of3A] : memref<100352xi32, #tpu.memory_space<hbm>> -> memref<3136xi32, #tpu.memory_space<hbm>>
      %dma_wait3A_14 = tpu.memref_slice %arg3[%multiple_of3A] : memref<100352xi32, #tpu.memory_space<hbm>> -> memref<3136xi32, #tpu.memory_space<hbm>>
      tpu.wait_dma2 semaphore(%run_scoped3A : memref<!tpu.dma_semaphore, #tpu.memory_space<semaphore_mem>>) src(%arg4 : memref<3136xi32, #tpu.memory_space<vmem>>) dst(%dma_wait3A_14 : memref<3136xi32, #tpu.memory_space<hbm>>)
      tpu.yield
    }) : () -> ()
    return
  }
}

</mosaic_0001>

<sc_bundles>
// kernel: kernel.11.cloned.1.call-start
scs
__scs_entry_jumppad:
0x0: {  	(pc) =	sbr.rel $0x88, $3  }
0x1: {  	(tag) =	ssettag $0x0;
	lr =	simm.s32 $0x1  }
0x2: {  	[smem:$0x3FA0] =	sst lr;
	_ =	strace $0xD0000000  }
0x3: {  	_ = 	snop  }
0x4: {  	_ = 	snop  }
0x5: {  	_ = 	snop  }
0x6: {  	_ = 	snop  }
0x7: {  	_ = 	snop  }
__scs_overlays_trampoline_lowered:
0x8: {  	[smem:$0x3FAF] =	sst s0  }
0x9: {  	[smem:$0x3FB0] =	sst s1  }
0xa: {  	[smem:$0x3FB1] =	sst s2  }
0xb: {  	[smem:$0x3FB2] =	sst s3  }
0xc: {  	[smem:$0x3FB3] =	sst s4  }
0xd: {  	[smem:$0x3FB4] =	sst s5  }
0xe: {  	[smem:$0x3FB5] =	sst s6  }
0xf: {  	[smem:$0x3FB6] =	sst s7  }
0x10: {  	[smem:$0x3FB7] =	sst s8  }
0x11: {  	[smem:$0x3FB8] =	sst s9;
	s0 =	simm.s32 @!p0 $0x0  }
0x12: {  	s1 =	sld [smem:$0x3F9E];
	s0 =	simm.s32 @p0 $0x1  }
0x13: {  	[smem:$0x3FB9] =	sst s0;
	s0 =	simm.s32 @!p1 $0x0  }
0x14: {  	s2 =	sld [smem:$0x3F9D];
	s0 =	simm.s32 @p1 $0x1  }
0x15: {  	[smem:$0x3FBA] =	sst s0;
	s0 =	simm.s32 @!p2 $0x0  }
0x16: {  	s3 =	sld [smem:$0x3FDB];
	s0 =	simm.s32 @p2 $0x1  }
0x17: {  	s4 =	simm.s32 $0x1BF5;
	[smem:$0x3FBC] =	sst s0  }
0x18: {  	s0 =	sld [smem:$0x3F9F];
	_ =	swait.ge [sflag:s4], $0x0  }
0x19: {  	s7 =	sld [smem:$0x3FA0]  }
0x1a: {  	s8 =	sadd.s32 $0xFFFFE003, lr  }
0x1b: {  	s9 =	sadd.s32 $0xFFFFFEF7, lr;
	s5 =	simm.s32 $0xFFFFFFFF;
	p2 =	slt.u32 s8, $0xFFFFF086  }
0x1c: {  	p1 =	slt.u32 s9, $0xF7A;
	s5 =	simm.s32 @!p2 $0x0  }
0x1d: {  	s5 =	simm.s32 @p1 $0x1;
	p0 =	seq.s32 s7, s2  }
0x1e: {  	s7 =	smul.u32 @!p0 $0xF7A, s2;
	p2 =	seq.s32 @!p0 s5, $0x0  }
0x1f: {  	s9 =	smul.u32 $0xF7A, s1;
	s8 =	simm.s32 @!p0 $0x1BF5;
	p2 =	por !p2, p0  }
0x20: {  	[sflag:s8] =	ssyncset.s32 @!p0 $0xFFFFF086;
	s6 =	sadd.s32 @!p0 s3, s7;
	s7 =	simm.s32 @!p0 $0x108  }
0x21: {  	s3 =	sadd.s32 s3, s9;
	s6 =	sadd.s32 @!p0 $0x88, s6;
	s7 =	simm.s32 @p2 $0x1082  }
0x22: {  	[simem:s7], [sflag:s8] =	dma.local @!p0 [hbm:s6], $0xF7A  }
0x23: {  	s9 =	sor.u32 $0xD0000000, s2;
	s6 =	simm.s32 $0x108;
	_ =	swait.ge @!p0 [sflag:s8], $0x0  }
0x24: {  	s3 =	sadd.s32 $0x88, s3;
	s6 =	simm.s32 @!p1 $0x1082;
	[sflag:s4] =	ssyncset.s32 $0xFFFFF086  }
0x25: {  	[simem:s6], [sflag:s4] =	dma.local [hbm:s3], $0xF7A  }
0x26: {  	[smem:$0x3FA0] =	sst s1;
	(tag) =	ssettag s2;
	_ =	strace s9  }
0x27: {  	s1 =	sld [smem:$0x3FB0]  }
0x28: {  	s2 =	sld [smem:$0x3FB1]  }
0x29: {  	s4 =	sld [smem:$0x3FB3]  }
0x2a: {  	p0 =	seq.s32 s5, $0x0;
	s5 =	sld [smem:$0x3FB4]  }
0x2b: {  	s6 =	sld [smem:$0x3FB5]  }
0x2c: {  	s7 =	sld [smem:$0x3FB6]  }
0x2d: {  	s3 =	simm.s32 $0x108;
	s8 =	sld [smem:$0x3FB7]  }
0x2e: {  	s3 =	simm.s32 @!p0 $0x1082;
	s9 =	sld [smem:$0x3FB8]  }
0x2f: {  	lr =	sadd.s32 s0, s3;
	s0 =	sld [smem:$0x3FAF]  }
0x30: {  	s3 =	sld [smem:$0x3FB2]  }
0x31: {  	[smem:$0x3FBB] =	sst s10  }
0x32: {  	s10 =	sld [smem:$0x3FB9];
	_ =	sdelay $0x3  }
0x33: {  	p0 =	seq.s32 s10, $0x1;
	s10 =	sld [smem:$0x3FBB];
	_ =	sdelay $0x3  }
0x34: {  	[smem:$0x3FBB] =	sst s10  }
0x35: {  	s10 =	sld [smem:$0x3FBA];
	_ =	sdelay $0x3  }
0x36: {  	p1 =	seq.s32 s10, $0x1;
	s10 =	sld [smem:$0x3FBB];
	_ =	sdelay $0x3  }
0x37: {  	[smem:$0x3FBB] =	sst s10  }
0x38: {  	s10 =	sld [smem:$0x3FBC]  }
0x39: {  	_ = 	snop;
	(pc) =	sbr.ind lr, $3  }
0x3a: {  	_ = 	snop  }
0x3b: {  	_ = 	snop  }
0x3c: {  	p2 =	seq.s32 s10, $0x1;
	s10 =	sld [smem:$0x3FBB]  }
0x3d: {  	_ =	shalt  }
0x3e: {  	_ =	shalt  }
0x3f: {  	_ =	shalt  }
0x40: {  	_ =	shalt  }
0x41: {  	_ =	shalt  }
0x42: {  	_ =	shalt  }
0x43: {  	_ =	shalt  }
0x44: {  	_ =	shalt  }
0x45: {  	_ =	shalt  }
0x46: {  	_ =	shalt  }
0x47: {  	_ =	shalt  }
0x48: {  	_ =	shalt  }
0x49: {  	_ =	shalt  }
0x4a: {  	_ =	shalt  }
0x4b: {  	_ =	shalt  }
0x4c: {  	_ =	shalt  }
0x4d: {  	_ =	shalt  }
0x4e: {  	_ =	shalt  }
0x4f: {  	_ =	shalt  }
0x50: {  	_ =	shalt  }
0x51: {  	_ =	shalt  }
0x52: {  	_ =	shalt  }
0x53: {  	_ =	shalt  }
0x54: {  	_ =	shalt  }
0x55: {  	_ =	shalt  }
0x56: {  	_ =	shalt  }
0x57: {  	_ =	shalt  }
0x58: {  	_ =	shalt  }
0x59: {  	_ =	shalt  }
0x5a: {  	_ =	shalt  }
0x5b: {  	_ =	shalt  }
0x5c: {  	_ =	shalt  }
0x5d: {  	_ =	shalt  }
0x5e: {  	_ =	shalt  }
0x5f: {  	_ =	shalt  }
0x60: {  	_ =	shalt  }
0x61: {  	_ =	shalt  }
0x62: {  	_ =	shalt  }
0x63: {  	_ =	shalt  }
0x64: {  	_ =	shalt  }
0x65: {  	_ =	shalt  }
0x66: {  	_ =	shalt  }
0x67: {  	_ =	shalt  }
0x68: {  	_ =	shalt  }
0x69: {  	_ =	shalt  }
0x6a: {  	_ =	shalt  }
0x6b: {  	_ =	shalt  }
0x6c: {  	_ =	shalt  }
0x6d: {  	_ =	shalt  }
0x6e: {  	_ =	shalt  }
0x6f: {  	_ =	shalt  }
0x70: {  	_ =	shalt  }
0x71: {  	_ =	shalt  }
0x72: {  	_ =	shalt  }
0x73: {  	_ =	shalt  }
0x74: {  	_ =	shalt  }
0x75: {  	_ =	shalt  }
0x76: {  	_ =	shalt  }
0x77: {  	_ =	shalt  }
0x78: {  	_ =	shalt  }
0x79: {  	_ =	shalt  }
0x7a: {  	_ =	shalt  }
0x7b: {  	_ =	shalt  }
0x7c: {  	_ =	shalt  }
0x7d: {  	_ =	shalt  }
0x7e: {  	_ =	shalt  }
0x7f: {  	_ =	shalt  }
0x80: {  	_ =	shalt  }
0x81: {  	_ =	shalt  }
0x82: {  	_ =	shalt  }
0x83: {  	_ =	shalt  }
0x84: {  	_ =	shalt  }
0x85: {  	_ =	shalt  }
0x86: {  	_ =	shalt  }
0x87: {  	_ =	shalt  }
.Lfunc_end0:
.L_simem_size_0:
called_computation.2_lowered:
.L_overlay_start_0:
0x88: {  	s2 =	sld [smem:$0x3FD9]  }
0x89: {  	s3 =	sld [smem:$0x3FFE];
	_ =	sdelay $0x1  }
0x8a: {  	s1 =	srdreg.scid  }
0x8b: {  	s0 =	sand.u32 $0x1, s1  }
0x8c: {  	s14 =	sshll.u32 s0, $0xA;
	s2 =	sadd.s32 s3, s2  }
0x8d: {  	s2 =	sadd.s32 s2, s14  }
0x8e: {  	[smem:$0x3FC7] =	sst s2  }
0x8f: {  	_ = 	snop  }
0x90: {  	s2 =	sld [smem:$0x3FD0];
	_ =	sdelay $0x2  }
0x91: {  	s15 =	simm.s32 $0xA;
	s4 =	simm.s32 $0x10  }
0x92: {  	[smem:s4], [sflag:s15] =	dma.local [hbm:s2], $0x1  }
0x93: {  	_ =	swait.eq [sflag:s15], $0x1  }
0x94: {  	[sflag:s15] =	ssyncset.done $0x0  }
0x95: {  	s16 =	sld [smem:$0x10];
	[sflag:s15] =	ssyncadd.s32 $0xFFFFFFFF  }
0x96: {  	s17 =	sld [smem:$0x11];
	(tm) =	ssettm $0x1  }
0x97: {  	s18 =	sld [smem:$0x3FFB];
	_ =	sdelay $0x3  }
0x98: {  	_ =	strace s18  }
0x99: {  	s4 =	sld [smem:$0x3FFC];
	_ =	sdelay $0x3  }
0x9a: {  	_ =	strace s4  }
0x9b: {  	s4 =	sld [smem:$0x3FFD];
	_ =	sdelay $0x3  }
0x9c: {  	_ =	strace s4  }
0x9d: {  	_ =	strace $0x8FFFFFFF  }
0x9e: {  	s19 =	sld [smem:$0x3FDB];
	_ =	sdelay $0x1  }
0x9f: {  	s5 =	simm.s32 $_scs_section_size  }
0xa0: {  	s6 =	simm.s32 $_size__tile_overlayer_lowered;
	s7 =	simm.s32 $_tile_overlayer_lowered  }
0xa1: {  	s22 =	simm.s32 $0x1BFF;
	s21 =	sshll.u32 s7, $0x1;
	s4 =	sadd.s32 s5, s19  }
0xa2: {  	s8 =	simm.s32 $0x0;
	s20 =	sshll.u32 s6, $0x1;
	s6 =	sadd.s32 s21, s4  }
0xa3: {  	[timem:s8], [sflag:s22] =	dma.local [hbm:s6], s20  }
0xa4: {  	_ =	swait.ge [sflag:s22], s20  }
0xa5: {  	s5 =	ssub.s32 $0x0, s20;
	[sflag:s22] =	ssyncset.done $0x0  }
0xa6: {  	[sflag:s22] =	ssyncadd.s32 s5;
	_ =	sdelay $0x1  }
0xa7: {  	s23 =	simm.s32 $0x1B8B  }
0xa8: {  	_ =	swait.ge [sflag:s23], $0x1  }
0xa9: {  	[sflag:s23] =	ssyncset.done $0x0  }
0xaa: {  	s25 =	simm.s32 $0x1B8E;
	s24 =	sld [smem:$0x3FFE];
	[sflag:s23] =	ssyncadd.s32 $0xFFFFFFFF  }
0xab: {  	s26 =	simm.s32 $execute0_lowered;
	[smem:$0x3FD2] =	sst s25  }
0xac: {  	s6 =	sshll.u32 s26, $0x1;
	_ =	strace $0x8000004C;
	[dreg:$0x1] =	wrdreg $0xFFFFFFFF  }
0xad: {  	s28 =	simm.s32 $_size_execute0_lowered;
	s4 =	sadd.s32 s4, s6;
	[dreg:$0x0] =	wrdreg $0x0  }
0xae: {  	s6 =	sshll.u32 s28, $0x1;
	[dreg:$0x2] =	wrdreg s4  }
0xaf: {  	[dreg:$0x3] =	wrdreg s6  }
0xb0: {  	[dreg:$0x4] =	wrdreg $0xC0  }
0xb1: {  	_ =	task [dreg:s8], $0x5FFFF  }
0xb2: {  	[dreg:$0x1] =	wrdreg $0xFFFFFFFF  }
0xb3: {  	[dreg:$0x0] =	wrdreg $0x60  }
0xb4: {  	[dreg:$0x2] =	wrdreg s24  }
0xb5: {  	[dreg:$0x3] =	wrdreg s17  }
0xb6: {  	[dreg:$0x4] =	wrdreg s16  }
0xb7: {  	[dreg:$0x5] =	wrdreg $0x9  }
0xb8: {  	_ =	task.clear_ibuf [dreg:s8], $0x6FFFF;
	_ =	strace $0x9000004C  }
0xb9: {  	s29 =	simm.s32 $0x9;
	_ =	strace $0x8000004E  }
0xba: {  	_ =	swait.ge [sflag:s29], $0x1  }
0xbb: {  	[sflag:s29] =	ssyncadd.s32 $0xFFFFFFFF  }
0xbc: {  	_ =	strace $0x9000004E  }
0xbd: {  	_ =	sfence  }
0xbe: {  	s30 =	sld [smem:$0x0];
	_ =	sdelay $0x2  }
0xbf: {  	s31 =	sshll.u32 s1, $0xD;
	s1 =	sshrl.u32 s1, $0x2  }
0xc0: {  	s3 =	sand.u32 $0x4000, s31;
	s1 =	sadd.s32 s1, s30  }
0xc1: {  	s0 =	sor.u32 s3, s0;
	s1 =	sshll.u32 s1, $0x11  }
0xc2: {  	s0 =	sor.u32 s1, s0  }
0xc3: {  	s0 =	sadd.s32 $0x8F2B, s0  }
0xc4: {  	[sflag:s0] =	ssyncadd.remote.s32 $0x1  }
0xc5: {  	_ =	sfence.sel $0xFFFF  }
0xc6: {  	[dreg:$0x0] =	wrdreg $0xFFFFFFFF;
	(pc) =	sbr.abs _section_cstart, $3  }
0xc7: {  	[dreg:$0x1] =	wrdreg $0xFFFFFFFF  }
0xc8: {  	_ =	task.clear_ibuf [dreg:s8], $0x2FFFF;
	_ =	strace $0x9FFFFFFF  }
0xc9: {  	(tm) =	ssettm $0x7FFFFFFF  }
tec
execute0_lowered:
.L_overlay_start_1:
0x0: {  	(tag) =	ssettag $0x1  }
0x1: {  	s0 =	srdreg.scid  }
0x2: {  	s1 =	stileid.u32;
	s6 =	sand.u32 $0x1, s0  }
0x3: {  	s7 =	sor.u32 s1, s6  }
0x4: {  	p0 =	sne.s32 s7, $0x0  }
.Ltmp0:
0x5: {  	s5 =	rddreg [dreg:$0x0];
	(pc) =	sbr.rel @p0 .LBB2_15-.Ltmp0, $4  }
0x6: {  	s2 =	rddreg [dreg:$0x1]  }
0x7: {  	s3 =	rddreg [dreg:$0x2];
	s4 =	simm.s32 $0x0  }
0x8: {  	[smem:$0x7FF] =	sst s4  }
0x9: {  	s0 =	rddreg [dreg:$0x3];
	_ =	strace $0x8000004D  }
0xa: {  	s6 =	ssub.s32 $0x2, s6;
	s5 =	sadd.s32 $0x1200, s5  }
0xb: {  	s8 =	simm.s32 $0x1880;
	s9 =	simm.s32 $0x3180;
	s7 =	sshrl.u32 s6, $0x1  }
0xc: {  	v0 =	vimm.s32 $0x0;
	v1 =	vlaneseq.u32;
	s10 =	simm.s32 $0x0;
	s6 =	ssub.s32 s6, s7;
	s7 =	simm.s32 $0x1  }
.LBB2_2:
0xd: {  	s16 =	simm.s32 $0x0;
	s12 =	simm.s32 $0x80;
	s11 =	simm.s32 $0x0  }
.LBB2_3:
0xe: {  	p0 =	sne.s32 s12, $0x6200;
	[tilespmem:s11+$0x3190] =	vst v0;
	s13 =	smov.u32 s12;
	s12 =	sadd.s32 $0x80, s12  }
.Ltmp1:
0xf: {  	[tilespmem:s11+$0x1890] =	vst v0;
	(pc) =	sbr.rel @p0 .LBB2_3-.Ltmp1, $3  }
0x10: {  	[tilespmem:s11+$0x1880] =	vst v0  }
0x11: {  	[tilespmem:s11+$0x3180] =	vst v0;
	_ =	sdelay $0x1  }
0x12: {  	s11 =	sshra.s32 s13, $0x2  }
0x13: {  	[tilespmem:s11+$0x3190] =	vst v0  }
0x14: {  	[tilespmem:s11+$0x1890] =	vst v0  }
0x15: {  	[tilespmem:s11+$0x1880] =	vst v0  }
0x16: {  	[tilespmem:s11+$0x3180] =	vst v0;
	s17 =	simm.s32 $0x0;
	s12 =	simm.s32 $0x0  }
.LBB2_5:
0x17: {  	s11 =	smul.u32 $0x1880, s12;
	_ =	sdelay $0x1  }
0x18: {  	s13 =	sshrl.u32 s11, $0x3  }
0x19: {  	s14 =	simm.s32 $0x0;
	s13 =	sadd.s32 s5, s13  }
0x1a: {  	[tilespmem:s14], [sflag:$0x1] =	stream.linear.gather [hbm4b:s13+s14], $0x1880, $0x38;
	[tilespmem:$0x4A80] =	vst v63  }
0x1b: {  	_ =	swait.ge [sflag:s7], $0x1880  }
0x1c: {  	[sflag:s7] =	ssyncset.done $0x0  }
0x1d: {  	s30 =	simm.s32 $0x0;
	[sflag:s7] =	ssyncadd.s32 $0xFFFFE780  }
0x1e: {  	v3 =	vld [tilespmem:s30+$0x0];
	_ =	sdelay $0x4  }
0x1f: {  	v2 =	vor.u32 s11, v1;
	vm0 =	vgt.s32 v3, $0x0  }
0x20: {  	[tilespmem:s17+$0x1880] =	vst.msk vm0, v2  }
0x21: {  	v4 =	vmpcnt.ones.xlane vm0;
	[tilespmem:s17+$0x3180] =	vst.msk vm0, v3  }
0x22: {  	v3 =	vld [tilespmem:s30+$0x10]  }
0x23: {  	(v2sf) =	vpush v4, $0x0;
	_ =	sdelay $0x3  }
0x24: {  	vm15 =	vgt.s32 v3, $0x0  }
0x25: {  	v4 =	vmpcnt.ones.xlane vm15;
	_ =	sdelay $0x1  }
0x26: {  	(v2sf) =	vpush v4, $0x0;
	_ =	sdelay $0x7  }
0x27: {  	s31 =	spop (v2sf)  }
0x28: {  	v4 =	vadd.s32 $0x10, v2;
	s15 =	sadd.s32 s17, s31  }
0x29: {  	[tilespmem:s15+$0x1880] =	vst.msk vm15, v4  }
0x2a: {  	s14 =	simm.s32 $0x20;
	[tilespmem:s15+$0x3180] =	vst.msk vm15, v3  }
0x2b: {  	v3 =	vld [tilespmem:s14+$0x0];
	_ =	sdelay $0x2  }
0x2c: {  	s11 =	smov.u32 s16;
	s13 =	simm.s32 $0x100;
	s16 =	spop (v2sf)  }
.LBB2_6:
0x2d: {  	p0 =	sne.s32 s13, $0x6180  }
0x2e: {  	vm0 =	vgt.s32 v3, $0x0;
	s15 =	sadd.s32 s15, s16;
	v2 =	vadd.s32 $0x20, v2;
	s16 =	smov.u32 s13;
	s13 =	sadd.s32 $0x80, s13  }
0x2f: {  	[tilespmem:s15+$0x1880] =	vst.msk vm0, v2;
	v4 =	vmpcnt.ones.xlane vm0  }
0x30: {  	[tilespmem:s15+$0x3180] =	vst.msk vm0, v3  }
0x31: {  	v3 =	vld [tilespmem:s14+$0x10];
	(v2sf) =	vpush v4, $0x0;
	_ =	sdelay $0x4  }
0x32: {  	vm0 =	vgt.s32 v3, $0x0  }
0x33: {  	v4 =	vmpcnt.ones.xlane vm0;
	_ =	sdelay $0x1  }
0x34: {  	(v2sf) =	vpush v4, $0x0;
	_ =	sdelay $0x6  }
0x35: {  	s14 =	spop (v2sf)  }
0x36: {  	v4 =	vadd.s32 $0x10, v2;
	s15 =	sadd.s32 s15, s14  }
0x37: {  	[tilespmem:s15+$0x1880] =	vst.msk vm0, v4  }
0x38: {  	s14 =	sshra.s32 s16, $0x2;
	[tilespmem:s15+$0x3180] =	vst.msk vm0, v3  }
.Ltmp2:
0x39: {  	v3 =	vld [tilespmem:s14+$0x0];
	(pc) =	sbr.rel @p0 .LBB2_6-.Ltmp2, $2  }
0x3a: {  	_ =	sdelay $0x2  }
0x3b: {  	s16 =	spop (v2sf)  }
0x3c: {  	vm0 =	vgt.s32 v3, $0x0;
	s13 =	sadd.s32 s15, s16;
	v2 =	vadd.s32 $0x20, v2  }
0x3d: {  	[tilespmem:s13+$0x1880] =	vst.msk vm0, v2  }
0x3e: {  	[tilespmem:s13+$0x3180] =	vst.msk vm0, v3  }
0x3f: {  	v3 =	vld [tilespmem:s14+$0x10];
	_ =	sdelay $0x4  }
0x40: {  	v4 =	vmpcnt.ones.xlane vm0;
	vm15 =	vgt.s32 v3, $0x0  }
0x41: {  	v5 =	vmpcnt.ones.xlane vm15  }
0x42: {  	(v2sf) =	vpush v4, $0x0  }
0x43: {  	(v2sf) =	vpush v5, $0x0;
	_ =	sdelay $0xd  }
0x44: {  	s14 =	spop (v2sf)  }
0x45: {  	v2 =	vadd.s32 $0x10, v2;
	s16 =	sadd.s32 s13, s14;
	s15 =	spop (v2sf)  }
0x46: {  	[tilespmem:s16+$0x1880] =	vst.msk vm15, v2;
	s17 =	sadd.s32 s16, s15  }
0x47: {  	s18 =	sshrl.u32 s11, $0x3;
	[tilespmem:s16+$0x3180] =	vst.msk vm15, v3;
	s16 =	sand.u32 $0xFFFFFFF8, s17  }
0x48: {  	s20 =	simm.s32 $0x0;
	s19 =	sadd.s32 s2, s18;
	v2 =	vld [tilespmem:s16+$0x1880]  }
0x49: {  	v3 =	vld [tilespmem:s16+$0x3180];
	[hbm4b:s19+s20] =	stream.linear.scatter [tilespmem:s8], [sflag:$0x1], $0x1888, $0x38  }
0x4a: {  	_ =	swait.ge [sflag:s7], $0x1888  }
0x4b: {  	[sflag:s7] =	ssyncset.done $0x0  }
0x4c: {  	s18 =	sadd.s32 s3, s18;
	[sflag:s7] =	ssyncadd.s32 $0xFFFFE778  }
0x4d: {  	[hbm4b:s18+s20] =	stream.linear.scatter [tilespmem:s9], [sflag:$0x1], $0x1888, $0x38;
	[tilespmem:$0x4A80] =	vst v63  }
0x4e: {  	_ =	swait.ge [sflag:s7], $0x1888  }
0x4f: {  	[sflag:s7] =	ssyncset.done $0x0  }
0x50: {  	s19 =	simm.s32 $0x80;
	s18 =	simm.s32 $0x0;
	[sflag:s7] =	ssyncadd.s32 $0xFFFFE778  }
.LBB2_8:
0x51: {  	p0 =	sne.s32 s19, $0x6200;
	[tilespmem:s18+$0x3190] =	vst v0;
	s20 =	smov.u32 s19;
	s19 =	sadd.s32 $0x80, s19  }
.Ltmp3:
0x52: {  	[tilespmem:s18+$0x1890] =	vst v0;
	(pc) =	sbr.rel @p0 .LBB2_8-.Ltmp3, $3  }
0x53: {  	[tilespmem:s18+$0x1880] =	vst v0  }
0x54: {  	[tilespmem:s18+$0x3180] =	vst v0;
	_ =	sdelay $0x1  }
0x55: {  	s18 =	sshra.s32 s20, $0x2  }
0x56: {  	s12 =	sadd.s32 $0x1, s12  }
0x57: {  	[tilespmem:s18+$0x3190] =	vst v0;
	s17 =	sand.u32 $0x7, s17;
	p0 =	sne.s32 s12, $0x10  }
.Ltmp4:
0x58: {  	[tilespmem:s18+$0x1890] =	vst v0;
	v4 =	vmov s17;
	(pc) =	sbr.rel @p0 .LBB2_5-.Ltmp4, $4  }
0x59: {  	[tilespmem:s18+$0x1880] =	vst v0;
	vm0 =	vgt.u32 v4, v1  }
0x5a: {  	[tilespmem:s18+$0x3180] =	vst v0;
	v2 =	vnsel vm0, $0x0, v2  }
0x5b: {  	v3 =	vnsel vm0, $0x0, v3;
	[tilespmem:$0x1880] =	vst v2  }
0x5c: {  	s16 =	sadd.s32 s11, s16;
	[tilespmem:$0x3180] =	vst v3  }
0x5d: {  	s12 =	sshrl.u32 s16, $0x3  }
0x5e: {  	s17 =	simm.s32 $0x0;
	s16 =	sadd.s32 s2, s12  }
0x5f: {  	[hbm4b:s16+s17] =	stream.linear.scatter [tilespmem:s8], [sflag:$0x1], $0x1888, $0x38;
	[tilespmem:$0x4A80] =	vst v63  }
0x60: {  	_ =	swait.ge [sflag:s7], $0x1888  }
0x61: {  	[sflag:s7] =	ssyncset.done $0x0  }
0x62: {  	s12 =	sadd.s32 s3, s12;
	[sflag:s7] =	ssyncadd.s32 $0xFFFFE778  }
0x63: {  	[hbm4b:s12+s17] =	stream.linear.scatter [tilespmem:s9], [sflag:$0x1], $0x1888, $0x38;
	[tilespmem:$0x4A80] =	vst v63  }
0x64: {  	_ =	swait.ge [sflag:s7], $0x1888  }
0x65: {  	[sflag:s7] =	ssyncset.done $0x0  }
0x66: {  	s16 =	simm.s32 $0x80;
	s12 =	simm.s32 $0x0;
	[sflag:s7] =	ssyncadd.s32 $0xFFFFE778  }
.LBB2_11:
0x67: {  	p0 =	seq.s32 s16, $0x6200;
	[tilespmem:s12+$0x3190] =	vst v0;
	s17 =	smov.u32 s16;
	s16 =	sadd.s32 $0x80, s16  }
.Ltmp5:
0x68: {  	[tilespmem:s12+$0x1890] =	vst v0;
	(pc) =	sbr.rel @!p0 .LBB2_11-.Ltmp5, $3  }
0x69: {  	[tilespmem:s12+$0x1880] =	vst v0  }
0x6a: {  	[tilespmem:s12+$0x3180] =	vst v0;
	_ =	sdelay $0x1  }
0x6b: {  	s12 =	sshra.s32 s17, $0x2  }
0x6c: {  	[tilespmem:s12+$0x3190] =	vst v0  }
0x6d: {  	[tilespmem:s12+$0x1890] =	vst v0  }
0x6e: {  	[tilespmem:s12+$0x1880] =	vst v0;
	s30 =	sadd.s32 s15, s14  }
0x6f: {  	[tilespmem:s12+$0x3180] =	vst v0;
	s12 =	sadd.s32 s13, s30  }
0x70: {  	s12 =	sand.u32 $0xFFFFFFF8, s12  }
0x71: {  	s11 =	sadd.s32 s12, s11  }
0x72: {  	s12 =	sadd.s32 $0x1888, s11  }
0x73: {  	p0 =	slt.s32 s12, $0x18778  }
0x74: {  	s12 =	simm.s32 @!p0 $0x18778  }
0x75: {  	s31 =	sshrl.u32 s12, $0x3  }
0x76: {  	s12 =	sadd.s32 s2, s31  }
0x77: {  	[hbm4b:s12+s4] =	stream.linear.scatter [tilespmem:s8], [sflag:$0x1], $0x1888, $0x38;
	[tilespmem:$0x4A80] =	vst v63  }
0x78: {  	_ =	swait.ge [sflag:s7], $0x1888  }
0x79: {  	[sflag:s7] =	ssyncset.done $0x0  }
0x7a: {  	s13 =	sadd.s32 s3, s31;
	s12 =	sadd.s32 $0x3110, s11;
	[sflag:s7] =	ssyncadd.s32 $0xFFFFE778  }
0x7b: {  	[hbm4b:s13+s4] =	stream.linear.scatter [tilespmem:s9], [sflag:$0x1], $0x1888, $0x38;
	[tilespmem:$0x4A80] =	vst v63  }
0x7c: {  	p0 =	slt.s32 s12, $0x18778;
	_ =	swait.ge [sflag:s7], $0x1888  }
0x7d: {  	s12 =	simm.s32 @!p0 $0x18778;
	s13 =	simm.s32 $0x4998;
	[sflag:s7] =	ssyncset.done $0x0  }
.LBB2_13:
0x7e: {  	s14 =	sshrl.u32 s12, $0x3  }
0x7f: {  	[sflag:s7] =	ssyncadd.s32 $0xFFFFE778;
	s12 =	smov.u32 s13;
	s15 =	sadd.s32 $0x1888, s13  }
0x80: {  	p0 =	sne.s32 s13, $0x1A108;
	s13 =	sadd.s32 s2, s14  }
0x81: {  	[hbm4b:s13+s4] =	stream.linear.scatter [tilespmem:s8], [sflag:$0x1], $0x1888, $0x38;
	[tilespmem:$0x4A80] =	vst v63  }
0x82: {  	_ =	swait.ge [sflag:s7], $0x1888  }
.Ltmp6:
0x83: {  	[sflag:s7] =	ssyncset.done $0x0;
	(pc) =	sbr.rel @p0 .LBB2_13-.Ltmp6, $4  }
0x84: {  	s12 =	sadd.s32 s12, s11;
	s13 =	sadd.s32 s3, s14;
	[sflag:s7] =	ssyncadd.s32 $0xFFFFE778  }
0x85: {  	[hbm4b:s13+s4] =	stream.linear.scatter [tilespmem:s9], [sflag:$0x1], $0x1888, $0x38;
	[tilespmem:$0x4A80] =	vst v63  }
0x86: {  	p1 =	slt.s32 s12, $0x18778;
	_ =	swait.ge [sflag:s7], $0x1888  }
0x87: {  	s12 =	simm.s32 @!p1 $0x18778;
	s13 =	smov.u32 s15;
	[sflag:s7] =	ssyncset.done $0x0  }
0x88: {  	s11 =	sshrl.u32 s12, $0x3  }
0x89: {  	[sflag:s7] =	ssyncadd.s32 $0xFFFFE778;
	s12 =	sadd.s32 s2, s11  }
0x8a: {  	[hbm4b:s12+s4] =	stream.linear.scatter [tilespmem:s8], [sflag:$0x1], $0x1888, $0x38;
	[tilespmem:$0x4A80] =	vst v63  }
0x8b: {  	s10 =	sadd.s32 $0x1, s10;
	_ =	swait.ge [sflag:s7], $0x1888  }
0x8c: {  	p0 =	sne.s32 s10, s6;
	[sflag:s7] =	ssyncset.done $0x0  }
.Ltmp7:
0x8d: {  	s11 =	sadd.s32 s3, s11;
	[sflag:s7] =	ssyncadd.s32 $0xFFFFE778;
	(pc) =	sbr.rel @p0 .LBB2_2-.Ltmp7, $4  }
0x8e: {  	[hbm4b:s11+s4] =	stream.linear.scatter [tilespmem:s9], [sflag:$0x1], $0x1888, $0x38;
	[tilespmem:$0x4A80] =	vst v63  }
0x8f: {  	_ =	swait.ge [sflag:s7], $0x1888  }
0x90: {  	[sflag:s7] =	ssyncset.done $0x0  }
0x91: {  	[sflag:s7] =	ssyncadd.s32 $0xFFFFE778  }
.LBB2_15:
0x92: {  	_ =	sfence.sel $0x180000  }
0x93: {  	[bflag:$0x0] =	sbarrier.arrive $0xFFFF  }
0x94: {  	p0 =	sne.s32 s1, $0x0;
	_ =	strace $0x9000004D  }
0x95: {  	s0 =	sadd.s32 @!p0 $0x100000, s0;
	[bflag:$0x2] =	sbarrier.arrive $0xFFFF  }
0x96: {  	[sflag:s0] =	ssyncadd.tile.s32 @!p0 $0x1;
	_ =	shalt  }
.Lfunc_end2:
_tile_overlayer_lowered:
.L_overlay_start_2:
0x97: {  	(tag) =	ssettag $0x2  }
0x98: {  	s0 =	rddreg [dreg:$0x0];
	s2 =	stileid.u32  }
0x99: {  	s1 =	rddreg [dreg:$0x1];
	p0 =	sne.s32 s2, $0x0  }
0x9a: {  	s3 =	rddreg [dreg:$0x2];
	[bflag:$0x3] =	sbarrier.arrive $0xFFFF;
	s2 =	simm.s32 @!p0 $0x1C01  }
0x9b: {  	[timem:s3], [sflag:s2] =	dma.local @!p0 [hbm:s0], s1  }
0x9c: {  	s0 =	simm.s32 @!p0 $0x1  }
0x9d: {  	_ =	swait.ge @!p0 [sflag:s0], s1  }
0x9e: {  	s1 =	ssub.s32 @!p0 $0x0, s1;
	[sflag:s0] =	ssyncset.done @!p0 $0x0  }
0x9f: {  	[sflag:s0] =	ssyncadd.s32 @!p0 s1  }
0xa0: {  	[bflag:$0x3] =	sbarrier.arrive $0xFFFF  }
0xa1: {  	_ =	shalt  }

// kernel: kernel.5.cloned.1.call-start
scs
__scs_entry_jumppad:
0x0: {  	(pc) =	sbr.rel $0x88, $3  }
0x1: {  	(tag) =	ssettag $0x0;
	lr =	simm.s32 $0x1  }
0x2: {  	[smem:$0x3FA0] =	sst lr;
	_ =	strace $0xD0000000  }
0x3: {  	_ = 	snop  }
0x4: {  	_ = 	snop  }
0x5: {  	_ = 	snop  }
0x6: {  	_ = 	snop  }
0x7: {  	_ = 	snop  }
__scs_overlays_trampoline_lowered:
0x8: {  	[smem:$0x3FAF] =	sst s0  }
0x9: {  	[smem:$0x3FB0] =	sst s1  }
0xa: {  	[smem:$0x3FB1] =	sst s2  }
0xb: {  	[smem:$0x3FB2] =	sst s3  }
0xc: {  	[smem:$0x3FB3] =	sst s4  }
0xd: {  	[smem:$0x3FB4] =	sst s5  }
0xe: {  	[smem:$0x3FB5] =	sst s6  }
0xf: {  	[smem:$0x3FB6] =	sst s7  }
0x10: {  	[smem:$0x3FB7] =	sst s8  }
0x11: {  	[smem:$0x3FB8] =	sst s9;
	s0 =	simm.s32 @!p0 $0x0  }
0x12: {  	s1 =	sld [smem:$0x3F9E];
	s0 =	simm.s32 @p0 $0x1  }
0x13: {  	[smem:$0x3FB9] =	sst s0;
	s0 =	simm.s32 @!p1 $0x0  }
0x14: {  	s2 =	sld [smem:$0x3F9D];
	s0 =	simm.s32 @p1 $0x1  }
0x15: {  	[smem:$0x3FBA] =	sst s0;
	s0 =	simm.s32 @!p2 $0x0  }
0x16: {  	s3 =	sld [smem:$0x3FDB];
	s0 =	simm.s32 @p2 $0x1  }
0x17: {  	s4 =	simm.s32 $0x1BF5;
	[smem:$0x3FBC] =	sst s0  }
0x18: {  	s0 =	sld [smem:$0x3F9F];
	_ =	swait.ge [sflag:s4], $0x0  }
0x19: {  	s7 =	sld [smem:$0x3FA0]  }
0x1a: {  	s8 =	sadd.s32 $0xFFFFE003, lr  }
0x1b: {  	s9 =	sadd.s32 $0xFFFFFEF7, lr;
	s5 =	simm.s32 $0xFFFFFFFF;
	p2 =	slt.u32 s8, $0xFFFFF086  }
0x1c: {  	p1 =	slt.u32 s9, $0xF7A;
	s5 =	simm.s32 @!p2 $0x0  }
0x1d: {  	s5 =	simm.s32 @p1 $0x1;
	p0 =	seq.s32 s7, s2  }
0x1e: {  	s7 =	smul.u32 @!p0 $0xF7A, s2;
	p2 =	seq.s32 @!p0 s5, $0x0  }
0x1f: {  	s9 =	smul.u32 $0xF7A, s1;
	s8 =	simm.s32 @!p0 $0x1BF5;
	p2 =	por !p2, p0  }
0x20: {  	[sflag:s8] =	ssyncset.s32 @!p0 $0xFFFFF086;
	s6 =	sadd.s32 @!p0 s3, s7;
	s7 =	simm.s32 @!p0 $0x108  }
0x21: {  	s3 =	sadd.s32 s3, s9;
	s6 =	sadd.s32 @!p0 $0x88, s6;
	s7 =	simm.s32 @p2 $0x1082  }
0x22: {  	[simem:s7], [sflag:s8] =	dma.local @!p0 [hbm:s6], $0xF7A  }
0x23: {  	s9 =	sor.u32 $0xD0000000, s2;
	s6 =	simm.s32 $0x108;
	_ =	swait.ge @!p0 [sflag:s8], $0x0  }
0x24: {  	s3 =	sadd.s32 $0x88, s3;
	s6 =	simm.s32 @!p1 $0x1082;
	[sflag:s4] =	ssyncset.s32 $0xFFFFF086  }
0x25: {  	[simem:s6], [sflag:s4] =	dma.local [hbm:s3], $0xF7A  }
0x26: {  	[smem:$0x3FA0] =	sst s1;
	(tag) =	ssettag s2;
	_ =	strace s9  }
0x27: {  	s1 =	sld [smem:$0x3FB0]  }
0x28: {  	s2 =	sld [smem:$0x3FB1]  }
0x29: {  	s4 =	sld [smem:$0x3FB3]  }
0x2a: {  	p0 =	seq.s32 s5, $0x0;
	s5 =	sld [smem:$0x3FB4]  }
0x2b: {  	s6 =	sld [smem:$0x3FB5]  }
0x2c: {  	s7 =	sld [smem:$0x3FB6]  }
0x2d: {  	s3 =	simm.s32 $0x108;
	s8 =	sld [smem:$0x3FB7]  }
0x2e: {  	s3 =	simm.s32 @!p0 $0x1082;
	s9 =	sld [smem:$0x3FB8]  }
0x2f: {  	lr =	sadd.s32 s0, s3;
	s0 =	sld [smem:$0x3FAF]  }
0x30: {  	s3 =	sld [smem:$0x3FB2]  }
0x31: {  	[smem:$0x3FBB] =	sst s10  }
0x32: {  	s10 =	sld [smem:$0x3FB9];
	_ =	sdelay $0x3  }
0x33: {  	p0 =	seq.s32 s10, $0x1;
	s10 =	sld [smem:$0x3FBB];
	_ =	sdelay $0x3  }
0x34: {  	[smem:$0x3FBB] =	sst s10  }
0x35: {  	s10 =	sld [smem:$0x3FBA];
	_ =	sdelay $0x3  }
0x36: {  	p1 =	seq.s32 s10, $0x1;
	s10 =	sld [smem:$0x3FBB];
	_ =	sdelay $0x3  }
0x37: {  	[smem:$0x3FBB] =	sst s10  }
0x38: {  	s10 =	sld [smem:$0x3FBC]  }
0x39: {  	_ = 	snop;
	(pc) =	sbr.ind lr, $3  }
0x3a: {  	_ = 	snop  }
0x3b: {  	_ = 	snop  }
0x3c: {  	p2 =	seq.s32 s10, $0x1;
	s10 =	sld [smem:$0x3FBB]  }
0x3d: {  	_ =	shalt  }
0x3e: {  	_ =	shalt  }
0x3f: {  	_ =	shalt  }
0x40: {  	_ =	shalt  }
0x41: {  	_ =	shalt  }
0x42: {  	_ =	shalt  }
0x43: {  	_ =	shalt  }
0x44: {  	_ =	shalt  }
0x45: {  	_ =	shalt  }
0x46: {  	_ =	shalt  }
0x47: {  	_ =	shalt  }
0x48: {  	_ =	shalt  }
0x49: {  	_ =	shalt  }
0x4a: {  	_ =	shalt  }
0x4b: {  	_ =	shalt  }
0x4c: {  	_ =	shalt  }
0x4d: {  	_ =	shalt  }
0x4e: {  	_ =	shalt  }
0x4f: {  	_ =	shalt  }
0x50: {  	_ =	shalt  }
0x51: {  	_ =	shalt  }
0x52: {  	_ =	shalt  }
0x53: {  	_ =	shalt  }
0x54: {  	_ =	shalt  }
0x55: {  	_ =	shalt  }
0x56: {  	_ =	shalt  }
0x57: {  	_ =	shalt  }
0x58: {  	_ =	shalt  }
0x59: {  	_ =	shalt  }
0x5a: {  	_ =	shalt  }
0x5b: {  	_ =	shalt  }
0x5c: {  	_ =	shalt  }
0x5d: {  	_ =	shalt  }
0x5e: {  	_ =	shalt  }
0x5f: {  	_ =	shalt  }
0x60: {  	_ =	shalt  }
0x61: {  	_ =	shalt  }
0x62: {  	_ =	shalt  }
0x63: {  	_ =	shalt  }
0x64: {  	_ =	shalt  }
0x65: {  	_ =	shalt  }
0x66: {  	_ =	shalt  }
0x67: {  	_ =	shalt  }
0x68: {  	_ =	shalt  }
0x69: {  	_ =	shalt  }
0x6a: {  	_ =	shalt  }
0x6b: {  	_ =	shalt  }
0x6c: {  	_ =	shalt  }
0x6d: {  	_ =	shalt  }
0x6e: {  	_ =	shalt  }
0x6f: {  	_ =	shalt  }
0x70: {  	_ =	shalt  }
0x71: {  	_ =	shalt  }
0x72: {  	_ =	shalt  }
0x73: {  	_ =	shalt  }
0x74: {  	_ =	shalt  }
0x75: {  	_ =	shalt  }
0x76: {  	_ =	shalt  }
0x77: {  	_ =	shalt  }
0x78: {  	_ =	shalt  }
0x79: {  	_ =	shalt  }
0x7a: {  	_ =	shalt  }
0x7b: {  	_ =	shalt  }
0x7c: {  	_ =	shalt  }
0x7d: {  	_ =	shalt  }
0x7e: {  	_ =	shalt  }
0x7f: {  	_ =	shalt  }
0x80: {  	_ =	shalt  }
0x81: {  	_ =	shalt  }
0x82: {  	_ =	shalt  }
0x83: {  	_ =	shalt  }
0x84: {  	_ =	shalt  }
0x85: {  	_ =	shalt  }
0x86: {  	_ =	shalt  }
0x87: {  	_ =	shalt  }
.Lfunc_end0:
.L_simem_size_0:
called_computation_lowered:
.L_overlay_start_0:
0x88: {  	s2 =	sld [smem:$0x3FD9]  }
0x89: {  	s3 =	sld [smem:$0x3FFE];
	_ =	sdelay $0x1  }
0x8a: {  	s1 =	srdreg.scid  }
0x8b: {  	s0 =	sand.u32 $0x1, s1  }
0x8c: {  	s16 =	sshll.u32 s0, $0xA;
	s2 =	sadd.s32 s3, s2  }
0x8d: {  	s2 =	sadd.s32 s2, s16  }
0x8e: {  	[smem:$0x3FC7] =	sst s2  }
0x8f: {  	_ = 	snop  }
0x90: {  	(tm) =	ssettm $0x1  }
0x91: {  	s17 =	sld [smem:$0x3FFB];
	_ =	sdelay $0x3  }
0x92: {  	_ =	strace s17  }
0x93: {  	s2 =	sld [smem:$0x3FFC];
	_ =	sdelay $0x3  }
0x94: {  	_ =	strace s2  }
0x95: {  	s2 =	sld [smem:$0x3FFD];
	_ =	sdelay $0x3  }
0x96: {  	_ =	strace s2  }
0x97: {  	_ =	strace $0x8FFFFFFF  }
0x98: {  	s18 =	sld [smem:$0x3FDB];
	_ =	sdelay $0x1  }
0x99: {  	s19 =	simm.s32 $_scs_section_size  }
0x9a: {  	s4 =	simm.s32 $_size__tile_overlayer_lowered;
	s5 =	simm.s32 $_tile_overlayer_lowered  }
0x9b: {  	s22 =	simm.s32 $0x1BFF;
	s21 =	sshll.u32 s5, $0x1;
	s2 =	sadd.s32 s19, s18  }
0x9c: {  	s6 =	simm.s32 $0x0;
	s20 =	sshll.u32 s4, $0x1;
	s4 =	sadd.s32 s21, s2  }
0x9d: {  	[timem:s6], [sflag:s22] =	dma.local [hbm:s4], s20  }
0x9e: {  	_ =	swait.ge [sflag:s22], s20  }
0x9f: {  	s3 =	ssub.s32 $0x0, s20;
	[sflag:s22] =	ssyncset.done $0x0  }
0xa0: {  	[sflag:s22] =	ssyncadd.s32 s3;
	_ =	sdelay $0x1  }
0xa1: {  	s23 =	simm.s32 $0x1B8B  }
0xa2: {  	_ =	swait.ge [sflag:s23], $0x1  }
0xa3: {  	[sflag:s23] =	ssyncset.done $0x0  }
0xa4: {  	s25 =	simm.s32 $0x1B8E;
	s24 =	sld [smem:$0x3FFE];
	[sflag:s23] =	ssyncadd.s32 $0xFFFFFFFF  }
0xa5: {  	s26 =	simm.s32 $execute0_lowered;
	[smem:$0x3FD2] =	sst s25  }
0xa6: {  	s4 =	sshll.u32 s26, $0x1;
	_ =	strace $0x80000046;
	[dreg:$0x1] =	wrdreg $0xFFFFFFFF  }
0xa7: {  	s28 =	simm.s32 $_size_execute0_lowered;
	s2 =	sadd.s32 s2, s4;
	[dreg:$0x0] =	wrdreg $0x0  }
0xa8: {  	s4 =	sshll.u32 s28, $0x1;
	[dreg:$0x2] =	wrdreg s2  }
0xa9: {  	[dreg:$0x3] =	wrdreg s4  }
0xaa: {  	[dreg:$0x4] =	wrdreg $0xC0  }
0xab: {  	_ =	task [dreg:s6], $0x5FFFF  }
0xac: {  	[dreg:$0x1] =	wrdreg $0xFFFFFFFF  }
0xad: {  	[dreg:$0x0] =	wrdreg $0x60  }
0xae: {  	[dreg:$0x2] =	wrdreg s24  }
0xaf: {  	[dreg:$0x3] =	wrdreg $0x9  }
0xb0: {  	_ =	task.clear_ibuf [dreg:s6], $0x4FFFF;
	_ =	strace $0x90000046  }
0xb1: {  	s29 =	simm.s32 $0x9;
	_ =	strace $0x80000048  }
0xb2: {  	_ =	swait.ge [sflag:s29], $0x1  }
0xb3: {  	[sflag:s29] =	ssyncadd.s32 $0xFFFFFFFF  }
0xb4: {  	_ =	strace $0x90000048  }
0xb5: {  	_ =	sfence  }
0xb6: {  	s30 =	sld [smem:$0x0];
	_ =	sdelay $0x2  }
0xb7: {  	s31 =	sshll.u32 s1, $0xD;
	s1 =	sshrl.u32 s1, $0x2  }
0xb8: {  	s3 =	sand.u32 $0x4000, s31;
	s1 =	sadd.s32 s1, s30  }
0xb9: {  	s0 =	sor.u32 s3, s0;
	s1 =	sshll.u32 s1, $0x11  }
0xba: {  	s0 =	sor.u32 s1, s0  }
0xbb: {  	s0 =	sadd.s32 $0x8F2B, s0  }
0xbc: {  	[sflag:s0] =	ssyncadd.remote.s32 $0x1  }
0xbd: {  	_ =	sfence.sel $0xFFFF  }
0xbe: {  	[dreg:$0x0] =	wrdreg $0xFFFFFFFF;
	(pc) =	sbr.abs _section_cstart, $3  }
0xbf: {  	[dreg:$0x1] =	wrdreg $0xFFFFFFFF  }
0xc0: {  	_ =	task.clear_ibuf [dreg:s6], $0x2FFFF;
	_ =	strace $0x9FFFFFFF  }
0xc1: {  	(tm) =	ssettm $0x7FFFFFFF  }
tec
execute0_lowered:
.L_overlay_start_1:
0x0: {  	(tag) =	ssettag $0x1  }
0x1: {  	s1 =	srdreg.scid  }
0x2: {  	s0 =	stileid.u32;
	s4 =	rddreg [dreg:$0x0];
	s2 =	simm.s32 $0x0  }
0x3: {  	s10 =	simm.s32 $0x1A800;
	s11 =	simm.s32 $0x1;
	s12 =	simm.s32 $0x2  }
0x4: {  	s13 =	simm.s32 $0x3;
	s5 =	sand.u32 $0x1, s1;
	s1 =	rddreg [dreg:$0x1]  }
0x5: {  	s14 =	simm.s32 $0x0;
	s3 =	sshll.u32 s0, $0x1;
	[smem:$0x7FF] =	sst s2  }
0x6: {  	s6 =	sor.u32 s5, s3;
	s3 =	sadd.s32 $0x1200, s4;
	s5 =	ssub.s32 $0x2, s5  }
0x7: {  	s7 =	smul.u32 $0x3100, s6;
	s31 =	sshrl.u32 s5, $0x1;
	s8 =	sshll.u32 s6, $0x10  }
0x8: {  	_ =	strace $0x80000047;
	s9 =	ssub.s32 s5, s31;
	s5 =	sadd.s32 s3, s8  }
0x9: {  	s7 =	sadd.s32 s7, s4;
	s4 =	sshll.u32 s6, $0x13;
	s8 =	smax.u32 s9, $0x1  }
0xa: {  	v0 =	vimm.s32 $0x0;
	v1 =	vimm.s32 $0x1;
	s9 =	simm.s32 $0x18800;
	s6 =	sor.u32 $0x4000, s4;
	s7 =	sadd.s32 $0x201200, s7  }
.LBB2_1:
0xb: {  	s15 =	simm.s32 $0x0;
	s16 =	simm.s32 $0x200  }
.LBB2_2:
0xc: {  	p0 =	sne.s32 s16, $0x61E00;
	[tilespmem:s15+$0x70] =	vst v0  }
0xd: {  	[tilespmem:s15+$0x0] =	vst v0  }
0xe: {  	[tilespmem:s15+$0x10] =	vst v0  }
.Ltmp0:
0xf: {  	[tilespmem:s15+$0x20] =	vst v0;
	(pc) =	sbr.rel @p0 .LBB2_2-.Ltmp0, $4  }
0x10: {  	[tilespmem:s15+$0x30] =	vst v0  }
0x11: {  	[tilespmem:s15+$0x40] =	vst v0  }
0x12: {  	[tilespmem:s15+$0x50] =	vst v0  }
0x13: {  	[tilespmem:s15+$0x60] =	vst v0;
	s15 =	sshra.s32 s16, $0x2;
	s16 =	sadd.s32 $0x200, s16  }
0x14: {  	[tilespmem:s15+$0x70] =	vst v0  }
0x15: {  	[tilespmem:s15+$0x0] =	vst v0  }
0x16: {  	[tilespmem:s15+$0x10] =	vst v0  }
0x17: {  	[tilespmem:s15+$0x20] =	vst v0  }
0x18: {  	[tilespmem:s15+$0x30] =	vst v0  }
0x19: {  	[tilespmem:s15+$0x40] =	vst v0  }
0x1a: {  	[tilespmem:s15+$0x50] =	vst v0  }
0x1b: {  	[tilespmem:s15+$0x60] =	vst v0;
	s15 =	simm.s32 $0x0;
	s16 =	simm.s32 $0x0  }
0x1c: {  	[tilespmem:s9], [sflag:$0x1] =	stream.linear.gather [hbm4b:s5+s15], $0x2000, $0x38;
	[tilespmem:$0x1C800] =	vst v63  }
.LBB2_4:
0x1d: {  	s17 =	sshll.u32 s16, $0xE  }
0x1e: {  	s18 =	sor.u32 s17, s4  }
0x1f: {  	s18 =	sshrl.u32 s18, $0x3  }
0x20: {  	s18 =	sadd.s32 s18, s3  }
0x21: {  	s18 =	sadd.s32 $0x400, s18  }
0x22: {  	[tilespmem:s10], [sflag:$0x2] =	stream.linear.gather [hbm4b:s18+s15], $0x2000, $0x38;
	[tilespmem:$0x1C800] =	vst v63  }
0x23: {  	_ =	swait.ge [sflag:s11], $0x2000  }
0x24: {  	[sflag:s11] =	ssyncset.done $0x0  }
0x25: {  	s18 =	simm.s32 $0x0;
	[sflag:s11] =	ssyncadd.s32 $0xFFFFE000  }
.LBB2_5:
0x26: {  	s19 =	sshra.s32 s18, $0x2  }
0x27: {  	v2 =	vld [tilespmem:s19+$0x18800];
	_ =	sdelay $0x7  }
0x28: {  	[tilespmem:v2+s2+$0x0] =	vst.idx.add.s32.msk $0xffff, v1  }
0x29: {  	v2 =	vld [tilespmem:s19+$0x18810];
	_ =	sdelay $0x7  }
0x2a: {  	[tilespmem:v2+s2+$0x0] =	vst.idx.add.s32.msk $0xffff, v1  }
0x2b: {  	v2 =	vld [tilespmem:s19+$0x18820];
	_ =	sdelay $0x7  }
0x2c: {  	[tilespmem:v2+s2+$0x0] =	vst.idx.add.s32.msk $0xffff, v1  }
0x2d: {  	v2 =	vld [tilespmem:s19+$0x18830];
	_ =	sdelay $0x7  }
0x2e: {  	[tilespmem:v2+s2+$0x0] =	vst.idx.add.s32.msk $0xffff, v1  }
0x2f: {  	v2 =	vld [tilespmem:s19+$0x18840];
	_ =	sdelay $0x7  }
0x30: {  	[tilespmem:v2+s2+$0x0] =	vst.idx.add.s32.msk $0xffff, v1  }
0x31: {  	v2 =	vld [tilespmem:s19+$0x18850];
	_ =	sdelay $0x7  }
0x32: {  	[tilespmem:v2+s2+$0x0] =	vst.idx.add.s32.msk $0xffff, v1  }
0x33: {  	v2 =	vld [tilespmem:s19+$0x18860];
	_ =	sdelay $0x7  }
0x34: {  	[tilespmem:v2+s2+$0x0] =	vst.idx.add.s32.msk $0xffff, v1  }
0x35: {  	v2 =	vld [tilespmem:s19+$0x18870];
	_ =	sdelay $0x7  }
0x36: {  	[tilespmem:v2+s2+$0x0] =	vst.idx.add.s32.msk $0xffff, v1  }
0x37: {  	v2 =	vld [tilespmem:s19+$0x18880];
	_ =	sdelay $0x7  }
0x38: {  	[tilespmem:v2+s2+$0x0] =	vst.idx.add.s32.msk $0xffff, v1  }
0x39: {  	v2 =	vld [tilespmem:s19+$0x18890];
	_ =	sdelay $0x7  }
0x3a: {  	[tilespmem:v2+s2+$0x0] =	vst.idx.add.s32.msk $0xffff, v1  }
0x3b: {  	v2 =	vld [tilespmem:s19+$0x188A0];
	_ =	sdelay $0x7  }
0x3c: {  	[tilespmem:v2+s2+$0x0] =	vst.idx.add.s32.msk $0xffff, v1  }
0x3d: {  	v2 =	vld [tilespmem:s19+$0x188B0];
	_ =	sdelay $0x7  }
0x3e: {  	[tilespmem:v2+s2+$0x0] =	vst.idx.add.s32.msk $0xffff, v1  }
0x3f: {  	v2 =	vld [tilespmem:s19+$0x188C0];
	_ =	sdelay $0x7  }
0x40: {  	[tilespmem:v2+s2+$0x0] =	vst.idx.add.s32.msk $0xffff, v1  }
0x41: {  	v2 =	vld [tilespmem:s19+$0x188D0];
	_ =	sdelay $0x7  }
0x42: {  	[tilespmem:v2+s2+$0x0] =	vst.idx.add.s32.msk $0xffff, v1  }
0x43: {  	v2 =	vld [tilespmem:s19+$0x188E0];
	_ =	sdelay $0x7  }
0x44: {  	[tilespmem:v2+s2+$0x0] =	vst.idx.add.s32.msk $0xffff, v1  }
0x45: {  	v2 =	vld [tilespmem:s19+$0x188F0];
	_ =	sdelay $0x2  }
0x46: {  	p0 =	sne.s32 s18, $0x7C00  }
.Ltmp1:
0x47: {  	_ = 	snop;
	(pc) =	sbr.rel @p0 .LBB2_5-.Ltmp1, $2  }
0x48: {  	_ =	sdelay $0x2  }
0x49: {  	s18 =	sadd.s32 $0x400, s18;
	[tilespmem:v2+s2+$0x0] =	vst.idx.add.s32.msk $0xffff, v1  }
0x4a: {  	p0 =	seq.s32 s16, $0x1F  }
0x4b: {  	s17 =	sadd.s32 @!p0 s17, s6  }
0x4c: {  	s17 =	sshrl.u32 @!p0 s17, $0x3  }
0x4d: {  	s18 =	simm.s32 @!p0 $0x0;
	s19 =	simm.s32 @!p0 $0x18800;
	s17 =	sadd.s32 @!p0 s3, s17  }
0x4e: {  	[tilespmem:s19], [sflag:$0x1] =	stream.linear.gather @!p0 [hbm4b:s17+s18], $0x2000, $0x38;
	[tilespmem:$0x1C800] =	vst v63  }
0x4f: {  	_ =	swait.ge [sflag:s12], $0x2000  }
0x50: {  	[sflag:s12] =	ssyncset.done $0x0  }
0x51: {  	s17 =	simm.s32 $0x0;
	[sflag:s12] =	ssyncadd.s32 $0xFFFFE000  }
.LBB2_7:
0x52: {  	s18 =	sshra.s32 s17, $0x2  }
0x53: {  	v2 =	vld [tilespmem:s18+$0x1A800];
	_ =	sdelay $0x7  }
0x54: {  	[tilespmem:v2+s2+$0x0] =	vst.idx.add.s32.msk $0xffff, v1  }
0x55: {  	v2 =	vld [tilespmem:s18+$0x1A810];
	_ =	sdelay $0x7  }
0x56: {  	[tilespmem:v2+s2+$0x0] =	vst.idx.add.s32.msk $0xffff, v1  }
0x57: {  	v2 =	vld [tilespmem:s18+$0x1A820];
	_ =	sdelay $0x7  }
0x58: {  	[tilespmem:v2+s2+$0x0] =	vst.idx.add.s32.msk $0xffff, v1  }
0x59: {  	v2 =	vld [tilespmem:s18+$0x1A830];
	_ =	sdelay $0x7  }
0x5a: {  	[tilespmem:v2+s2+$0x0] =	vst.idx.add.s32.msk $0xffff, v1  }
0x5b: {  	v2 =	vld [tilespmem:s18+$0x1A840];
	_ =	sdelay $0x7  }
0x5c: {  	[tilespmem:v2+s2+$0x0] =	vst.idx.add.s32.msk $0xffff, v1  }
0x5d: {  	v2 =	vld [tilespmem:s18+$0x1A850];
	_ =	sdelay $0x7  }
0x5e: {  	[tilespmem:v2+s2+$0x0] =	vst.idx.add.s32.msk $0xffff, v1  }
0x5f: {  	v2 =	vld [tilespmem:s18+$0x1A860];
	_ =	sdelay $0x7  }
0x60: {  	[tilespmem:v2+s2+$0x0] =	vst.idx.add.s32.msk $0xffff, v1  }
0x61: {  	v2 =	vld [tilespmem:s18+$0x1A870];
	_ =	sdelay $0x7  }
0x62: {  	[tilespmem:v2+s2+$0x0] =	vst.idx.add.s32.msk $0xffff, v1  }
0x63: {  	v2 =	vld [tilespmem:s18+$0x1A880];
	_ =	sdelay $0x7  }
0x64: {  	[tilespmem:v2+s2+$0x0] =	vst.idx.add.s32.msk $0xffff, v1  }
0x65: {  	v2 =	vld [tilespmem:s18+$0x1A890];
	_ =	sdelay $0x7  }
0x66: {  	[tilespmem:v2+s2+$0x0] =	vst.idx.add.s32.msk $0xffff, v1  }
0x67: {  	v2 =	vld [tilespmem:s18+$0x1A8A0];
	_ =	sdelay $0x7  }
0x68: {  	[tilespmem:v2+s2+$0x0] =	vst.idx.add.s32.msk $0xffff, v1  }
0x69: {  	v2 =	vld [tilespmem:s18+$0x1A8B0];
	_ =	sdelay $0x7  }
0x6a: {  	[tilespmem:v2+s2+$0x0] =	vst.idx.add.s32.msk $0xffff, v1  }
0x6b: {  	v2 =	vld [tilespmem:s18+$0x1A8C0];
	_ =	sdelay $0x7  }
0x6c: {  	[tilespmem:v2+s2+$0x0] =	vst.idx.add.s32.msk $0xffff, v1  }
0x6d: {  	v2 =	vld [tilespmem:s18+$0x1A8D0];
	_ =	sdelay $0x7  }
0x6e: {  	[tilespmem:v2+s2+$0x0] =	vst.idx.add.s32.msk $0xffff, v1  }
0x6f: {  	v2 =	vld [tilespmem:s18+$0x1A8E0];
	_ =	sdelay $0x7  }
0x70: {  	[tilespmem:v2+s2+$0x0] =	vst.idx.add.s32.msk $0xffff, v1  }
0x71: {  	v2 =	vld [tilespmem:s18+$0x1A8F0];
	_ =	sdelay $0x2  }
0x72: {  	p0 =	sne.s32 s17, $0x7C00  }
.Ltmp2:
0x73: {  	_ = 	snop;
	(pc) =	sbr.rel @p0 .LBB2_7-.Ltmp2, $2  }
0x74: {  	_ =	sdelay $0x2  }
0x75: {  	s17 =	sadd.s32 $0x400, s17;
	[tilespmem:v2+s2+$0x0] =	vst.idx.add.s32.msk $0xffff, v1  }
0x76: {  	s16 =	sadd.s32 $0x1, s16  }
0x77: {  	p0 =	sne.s32 s16, $0x20  }
.Ltmp3:
0x78: {  	_ = 	snop;
	(pc) =	sbr.rel @p0 .LBB2_4-.Ltmp3, $1  }
0x79: {  	_ =	sdelay $0x3  }
0x7a: {  	s14 =	sadd.s32 $0x1, s14  }
0x7b: {  	p0 =	sne.s32 s14, s8  }
.Ltmp4:
0x7c: {  	_ = 	snop;
	(pc) =	sbr.rel @p0 .LBB2_1-.Ltmp4, $4  }
0x7d: {  	[hbm4b:s7+s2] =	stream.linear.scatter [tilespmem:s2], [sflag:$0x3], $0x18800, $0x38;
	[tilespmem:$0x1C800] =	vst v63  }
0x7e: {  	_ =	swait.ge [sflag:s13], $0x18800  }
0x7f: {  	[sflag:s13] =	ssyncset.done $0x0  }
0x80: {  	[sflag:s13] =	ssyncadd.s32 $0xFFFE7800  }
0x81: {  	_ =	sfence.sel $0x180000  }
0x82: {  	[bflag:$0x0] =	sbarrier.arrive $0xFFFF  }
0x83: {  	p0 =	sne.s32 s0, $0x0;
	_ =	strace $0x90000047  }
0x84: {  	s0 =	sadd.s32 @!p0 $0x100000, s1;
	[bflag:$0x2] =	sbarrier.arrive $0xFFFF  }
0x85: {  	[sflag:s0] =	ssyncadd.tile.s32 @!p0 $0x1;
	_ =	shalt  }
.Lfunc_end2:
_tile_overlayer_lowered:
.L_overlay_start_2:
0x86: {  	(tag) =	ssettag $0x2  }
0x87: {  	s0 =	rddreg [dreg:$0x0];
	s2 =	stileid.u32  }
0x88: {  	s1 =	rddreg [dreg:$0x1];
	p0 =	sne.s32 s2, $0x0  }
0x89: {  	s3 =	rddreg [dreg:$0x2];
	[bflag:$0x3] =	sbarrier.arrive $0xFFFF;
	s2 =	simm.s32 @!p0 $0x1C03  }
0x8a: {  	[timem:s3], [sflag:s2] =	dma.local @!p0 [hbm:s0], s1  }
0x8b: {  	s0 =	simm.s32 @!p0 $0x3  }
0x8c: {  	_ =	swait.ge @!p0 [sflag:s0], s1  }
0x8d: {  	s1 =	ssub.s32 @!p0 $0x0, s1;
	[sflag:s0] =	ssyncset.done @!p0 $0x0  }
0x8e: {  	[sflag:s0] =	ssyncadd.s32 @!p0 s1  }
0x8f: {  	[bflag:$0x3] =	sbarrier.arrive $0xFFFF  }
0x90: {  	_ =	shalt  }

// kernel: kernel.8.cloned.1.call-start
scs
__scs_entry_jumppad:
0x0: {  	(pc) =	sbr.rel $0x88, $3  }
0x1: {  	(tag) =	ssettag $0x0;
	lr =	simm.s32 $0x1  }
0x2: {  	[smem:$0x3FA0] =	sst lr;
	_ =	strace $0xD0000000  }
0x3: {  	_ = 	snop  }
0x4: {  	_ = 	snop  }
0x5: {  	_ = 	snop  }
0x6: {  	_ = 	snop  }
0x7: {  	_ = 	snop  }
__scs_overlays_trampoline_lowered:
0x8: {  	[smem:$0x3FAF] =	sst s0  }
0x9: {  	[smem:$0x3FB0] =	sst s1  }
0xa: {  	[smem:$0x3FB1] =	sst s2  }
0xb: {  	[smem:$0x3FB2] =	sst s3  }
0xc: {  	[smem:$0x3FB3] =	sst s4  }
0xd: {  	[smem:$0x3FB4] =	sst s5  }
0xe: {  	[smem:$0x3FB5] =	sst s6  }
0xf: {  	[smem:$0x3FB6] =	sst s7  }
0x10: {  	[smem:$0x3FB7] =	sst s8  }
0x11: {  	[smem:$0x3FB8] =	sst s9;
	s0 =	simm.s32 @!p0 $0x0  }
0x12: {  	s1 =	sld [smem:$0x3F9E];
	s0 =	simm.s32 @p0 $0x1  }
0x13: {  	[smem:$0x3FB9] =	sst s0;
	s0 =	simm.s32 @!p1 $0x0  }
0x14: {  	s2 =	sld [smem:$0x3F9D];
	s0 =	simm.s32 @p1 $0x1  }
0x15: {  	[smem:$0x3FBA] =	sst s0;
	s0 =	simm.s32 @!p2 $0x0  }
0x16: {  	s3 =	sld [smem:$0x3FDB];
	s0 =	simm.s32 @p2 $0x1  }
0x17: {  	s4 =	simm.s32 $0x1BF5;
	[smem:$0x3FBC] =	sst s0  }
0x18: {  	s0 =	sld [smem:$0x3F9F];
	_ =	swait.ge [sflag:s4], $0x0  }
0x19: {  	s7 =	sld [smem:$0x3FA0]  }
0x1a: {  	s8 =	sadd.s32 $0xFFFFE003, lr  }
0x1b: {  	s9 =	sadd.s32 $0xFFFFFEF7, lr;
	s5 =	simm.s32 $0xFFFFFFFF;
	p2 =	slt.u32 s8, $0xFFFFF086  }
0x1c: {  	p1 =	slt.u32 s9, $0xF7A;
	s5 =	simm.s32 @!p2 $0x0  }
0x1d: {  	s5 =	simm.s32 @p1 $0x1;
	p0 =	seq.s32 s7, s2  }
0x1e: {  	s7 =	smul.u32 @!p0 $0xF7A, s2;
	p2 =	seq.s32 @!p0 s5, $0x0  }
0x1f: {  	s9 =	smul.u32 $0xF7A, s1;
	s8 =	simm.s32 @!p0 $0x1BF5;
	p2 =	por !p2, p0  }
0x20: {  	[sflag:s8] =	ssyncset.s32 @!p0 $0xFFFFF086;
	s6 =	sadd.s32 @!p0 s3, s7;
	s7 =	simm.s32 @!p0 $0x108  }
0x21: {  	s3 =	sadd.s32 s3, s9;
	s6 =	sadd.s32 @!p0 $0x88, s6;
	s7 =	simm.s32 @p2 $0x1082  }
0x22: {  	[simem:s7], [sflag:s8] =	dma.local @!p0 [hbm:s6], $0xF7A  }
0x23: {  	s9 =	sor.u32 $0xD0000000, s2;
	s6 =	simm.s32 $0x108;
	_ =	swait.ge @!p0 [sflag:s8], $0x0  }
0x24: {  	s3 =	sadd.s32 $0x88, s3;
	s6 =	simm.s32 @!p1 $0x1082;
	[sflag:s4] =	ssyncset.s32 $0xFFFFF086  }
0x25: {  	[simem:s6], [sflag:s4] =	dma.local [hbm:s3], $0xF7A  }
0x26: {  	[smem:$0x3FA0] =	sst s1;
	(tag) =	ssettag s2;
	_ =	strace s9  }
0x27: {  	s1 =	sld [smem:$0x3FB0]  }
0x28: {  	s2 =	sld [smem:$0x3FB1]  }
0x29: {  	s4 =	sld [smem:$0x3FB3]  }
0x2a: {  	p0 =	seq.s32 s5, $0x0;
	s5 =	sld [smem:$0x3FB4]  }
0x2b: {  	s6 =	sld [smem:$0x3FB5]  }
0x2c: {  	s7 =	sld [smem:$0x3FB6]  }
0x2d: {  	s3 =	simm.s32 $0x108;
	s8 =	sld [smem:$0x3FB7]  }
0x2e: {  	s3 =	simm.s32 @!p0 $0x1082;
	s9 =	sld [smem:$0x3FB8]  }
0x2f: {  	lr =	sadd.s32 s0, s3;
	s0 =	sld [smem:$0x3FAF]  }
0x30: {  	s3 =	sld [smem:$0x3FB2]  }
0x31: {  	[smem:$0x3FBB] =	sst s10  }
0x32: {  	s10 =	sld [smem:$0x3FB9];
	_ =	sdelay $0x3  }
0x33: {  	p0 =	seq.s32 s10, $0x1;
	s10 =	sld [smem:$0x3FBB];
	_ =	sdelay $0x3  }
0x34: {  	[smem:$0x3FBB] =	sst s10  }
0x35: {  	s10 =	sld [smem:$0x3FBA];
	_ =	sdelay $0x3  }
0x36: {  	p1 =	seq.s32 s10, $0x1;
	s10 =	sld [smem:$0x3FBB];
	_ =	sdelay $0x3  }
0x37: {  	[smem:$0x3FBB] =	sst s10  }
0x38: {  	s10 =	sld [smem:$0x3FBC]  }
0x39: {  	_ = 	snop;
	(pc) =	sbr.ind lr, $3  }
0x3a: {  	_ = 	snop  }
0x3b: {  	_ = 	snop  }
0x3c: {  	p2 =	seq.s32 s10, $0x1;
	s10 =	sld [smem:$0x3FBB]  }
0x3d: {  	_ =	shalt  }
0x3e: {  	_ =	shalt  }
0x3f: {  	_ =	shalt  }
0x40: {  	_ =	shalt  }
0x41: {  	_ =	shalt  }
0x42: {  	_ =	shalt  }
0x43: {  	_ =	shalt  }
0x44: {  	_ =	shalt  }
0x45: {  	_ =	shalt  }
0x46: {  	_ =	shalt  }
0x47: {  	_ =	shalt  }
0x48: {  	_ =	shalt  }
0x49: {  	_ =	shalt  }
0x4a: {  	_ =	shalt  }
0x4b: {  	_ =	shalt  }
0x4c: {  	_ =	shalt  }
0x4d: {  	_ =	shalt  }
0x4e: {  	_ =	shalt  }
0x4f: {  	_ =	shalt  }
0x50: {  	_ =	shalt  }
0x51: {  	_ =	shalt  }
0x52: {  	_ =	shalt  }
0x53: {  	_ =	shalt  }
0x54: {  	_ =	shalt  }
0x55: {  	_ =	shalt  }
0x56: {  	_ =	shalt  }
0x57: {  	_ =	shalt  }
0x58: {  	_ =	shalt  }
0x59: {  	_ =	shalt  }
0x5a: {  	_ =	shalt  }
0x5b: {  	_ =	shalt  }
0x5c: {  	_ =	shalt  }
0x5d: {  	_ =	shalt  }
0x5e: {  	_ =	shalt  }
0x5f: {  	_ =	shalt  }
0x60: {  	_ =	shalt  }
0x61: {  	_ =	shalt  }
0x62: {  	_ =	shalt  }
0x63: {  	_ =	shalt  }
0x64: {  	_ =	shalt  }
0x65: {  	_ =	shalt  }
0x66: {  	_ =	shalt  }
0x67: {  	_ =	shalt  }
0x68: {  	_ =	shalt  }
0x69: {  	_ =	shalt  }
0x6a: {  	_ =	shalt  }
0x6b: {  	_ =	shalt  }
0x6c: {  	_ =	shalt  }
0x6d: {  	_ =	shalt  }
0x6e: {  	_ =	shalt  }
0x6f: {  	_ =	shalt  }
0x70: {  	_ =	shalt  }
0x71: {  	_ =	shalt  }
0x72: {  	_ =	shalt  }
0x73: {  	_ =	shalt  }
0x74: {  	_ =	shalt  }
0x75: {  	_ =	shalt  }
0x76: {  	_ =	shalt  }
0x77: {  	_ =	shalt  }
0x78: {  	_ =	shalt  }
0x79: {  	_ =	shalt  }
0x7a: {  	_ =	shalt  }
0x7b: {  	_ =	shalt  }
0x7c: {  	_ =	shalt  }
0x7d: {  	_ =	shalt  }
0x7e: {  	_ =	shalt  }
0x7f: {  	_ =	shalt  }
0x80: {  	_ =	shalt  }
0x81: {  	_ =	shalt  }
0x82: {  	_ =	shalt  }
0x83: {  	_ =	shalt  }
0x84: {  	_ =	shalt  }
0x85: {  	_ =	shalt  }
0x86: {  	_ =	shalt  }
0x87: {  	_ =	shalt  }
.Lfunc_end0:
.L_simem_size_0:
called_computation.1_lowered:
.L_overlay_start_0:
0x88: {  	s2 =	sld [smem:$0x3FD9]  }
0x89: {  	s3 =	sld [smem:$0x3FFE];
	_ =	sdelay $0x1  }
0x8a: {  	s1 =	srdreg.scid  }
0x8b: {  	s0 =	sand.u32 $0x1, s1  }
0x8c: {  	s16 =	sshll.u32 s0, $0xA;
	s2 =	sadd.s32 s3, s2  }
0x8d: {  	s2 =	sadd.s32 s2, s16  }
0x8e: {  	[smem:$0x3FC7] =	sst s2  }
0x8f: {  	_ = 	snop  }
0x90: {  	(tm) =	ssettm $0x1  }
0x91: {  	s17 =	sld [smem:$0x3FFB];
	_ =	sdelay $0x3  }
0x92: {  	_ =	strace s17  }
0x93: {  	s2 =	sld [smem:$0x3FFC];
	_ =	sdelay $0x3  }
0x94: {  	_ =	strace s2  }
0x95: {  	s2 =	sld [smem:$0x3FFD];
	_ =	sdelay $0x3  }
0x96: {  	_ =	strace s2  }
0x97: {  	_ =	strace $0x8FFFFFFF  }
0x98: {  	s18 =	sld [smem:$0x3FDB];
	_ =	sdelay $0x1  }
0x99: {  	s19 =	simm.s32 $_scs_section_size  }
0x9a: {  	s4 =	simm.s32 $_size__tile_overlayer_lowered;
	s5 =	simm.s32 $_tile_overlayer_lowered  }
0x9b: {  	s22 =	simm.s32 $0x1BFF;
	s21 =	sshll.u32 s5, $0x1;
	s2 =	sadd.s32 s19, s18  }
0x9c: {  	s6 =	simm.s32 $0x0;
	s20 =	sshll.u32 s4, $0x1;
	s4 =	sadd.s32 s21, s2  }
0x9d: {  	[timem:s6], [sflag:s22] =	dma.local [hbm:s4], s20  }
0x9e: {  	_ =	swait.ge [sflag:s22], s20  }
0x9f: {  	s3 =	ssub.s32 $0x0, s20;
	[sflag:s22] =	ssyncset.done $0x0  }
0xa0: {  	[sflag:s22] =	ssyncadd.s32 s3;
	_ =	sdelay $0x1  }
0xa1: {  	s23 =	simm.s32 $0x1B8B  }
0xa2: {  	_ =	swait.ge [sflag:s23], $0x1  }
0xa3: {  	[sflag:s23] =	ssyncset.done $0x0  }
0xa4: {  	s25 =	simm.s32 $0x1B8E;
	s24 =	sld [smem:$0x3FFE];
	[sflag:s23] =	ssyncadd.s32 $0xFFFFFFFF  }
0xa5: {  	s26 =	simm.s32 $execute0_lowered;
	[smem:$0x3FD2] =	sst s25  }
0xa6: {  	s4 =	sshll.u32 s26, $0x1;
	_ =	strace $0x80000049;
	[dreg:$0x1] =	wrdreg $0xFFFFFFFF  }
0xa7: {  	s28 =	simm.s32 $_size_execute0_lowered;
	s2 =	sadd.s32 s2, s4;
	[dreg:$0x0] =	wrdreg $0x0  }
0xa8: {  	s4 =	sshll.u32 s28, $0x1;
	[dreg:$0x2] =	wrdreg s2  }
0xa9: {  	[dreg:$0x3] =	wrdreg s4  }
0xaa: {  	[dreg:$0x4] =	wrdreg $0xC0  }
0xab: {  	_ =	task [dreg:s6], $0x5FFFF  }
0xac: {  	[dreg:$0x1] =	wrdreg $0xFFFFFFFF  }
0xad: {  	[dreg:$0x0] =	wrdreg $0x60  }
0xae: {  	[dreg:$0x2] =	wrdreg s24  }
0xaf: {  	[dreg:$0x3] =	wrdreg $0x9  }
0xb0: {  	_ =	task.clear_ibuf [dreg:s6], $0x4FFFF;
	_ =	strace $0x90000049  }
0xb1: {  	s29 =	simm.s32 $0x9;
	_ =	strace $0x8000004B  }
0xb2: {  	_ =	swait.ge [sflag:s29], $0x1  }
0xb3: {  	[sflag:s29] =	ssyncadd.s32 $0xFFFFFFFF  }
0xb4: {  	_ =	strace $0x9000004B  }
0xb5: {  	_ =	sfence  }
0xb6: {  	s30 =	sld [smem:$0x0];
	_ =	sdelay $0x2  }
0xb7: {  	s31 =	sshll.u32 s1, $0xD;
	s1 =	sshrl.u32 s1, $0x2  }
0xb8: {  	s3 =	sand.u32 $0x4000, s31;
	s1 =	sadd.s32 s1, s30  }
0xb9: {  	s0 =	sor.u32 s3, s0;
	s1 =	sshll.u32 s1, $0x11  }
0xba: {  	s0 =	sor.u32 s1, s0  }
0xbb: {  	s0 =	sadd.s32 $0x8F2B, s0  }
0xbc: {  	[sflag:s0] =	ssyncadd.remote.s32 $0x1  }
0xbd: {  	_ =	sfence.sel $0xFFFF  }
0xbe: {  	[dreg:$0x0] =	wrdreg $0xFFFFFFFF;
	(pc) =	sbr.abs _section_cstart, $3  }
0xbf: {  	[dreg:$0x1] =	wrdreg $0xFFFFFFFF  }
0xc0: {  	_ =	task.clear_ibuf [dreg:s6], $0x2FFFF;
	_ =	strace $0x9FFFFFFF  }
0xc1: {  	(tm) =	ssettm $0x7FFFFFFF  }
tec
execute0_lowered:
.L_overlay_start_1:
0x0: {  	(tag) =	ssettag $0x1  }
0x1: {  	s1 =	srdreg.scid;
	s0 =	stileid.u32  }
0x2: {  	s5 =	rddreg [dreg:$0x0];
	s4 =	sand.u32 $0x1, s1;
	s31 =	sshll.u32 s0, $0x1  }
0x3: {  	s2 =	simm.s32 $0x0;
	s10 =	simm.s32 $0x0;
	s3 =	sor.u32 s4, s31  }
0x4: {  	[smem:$0x7FF] =	sst s2;
	s6 =	ssub.s32 $0x2, s4;
	s3 =	smul.u32 $0xC40, s3  }
0x5: {  	s1 =	rddreg [dreg:$0x1];
	_ =	strace $0x8000004A;
	s8 =	sshrl.u32 s6, $0x1  }
0x6: {  	s4 =	sadd.s32 $0x201200, s5;
	s8 =	ssub.s32 s6, s8;
	s7 =	sshrl.u32 s3, $0x3  }
0x7: {  	s9 =	sadd.s32 s7, s5;
	s5 =	sadd.s32 s4, s7;
	s7 =	smax.u32 s8, $0x1  }
0x8: {  	s8 =	simm.s32 $0xC80;
	s6 =	sadd.s32 $0x1200, s9;
	s9 =	simm.s32 $0x1  }
.LBB2_1:
0x9: {  	[tilespmem:s2], [sflag:$0x1] =	stream.linear.gather [hbm4b:s5+s2], $0xC40, $0x38;
	[tilespmem:$0x1900] =	vst v63  }
0xa: {  	_ =	swait.ge [sflag:s9], $0xC40  }
0xb: {  	[sflag:s9] =	ssyncset.done $0x0  }
0xc: {  	s11 =	simm.s32 $0x1;
	[sflag:s9] =	ssyncadd.s32 $0xFFFFF3C0  }
.LBB2_2:
0xd: {  	s12 =	smul.u32 $0x18800, s11;
	_ =	sdelay $0x1  }
0xe: {  	s12 =	sadd.s32 s3, s12  }
0xf: {  	s12 =	sshrl.u32 s12, $0x3  }
0x10: {  	s13 =	simm.s32 $0x0;
	s12 =	sadd.s32 s4, s12  }
0x11: {  	[tilespmem:s8], [sflag:$0x1] =	stream.linear.gather [hbm4b:s12+s13], $0xC40, $0x38;
	[tilespmem:$0x1900] =	vst v63  }
0x12: {  	_ =	swait.ge [sflag:s9], $0xC40  }
0x13: {  	[sflag:s9] =	ssyncset.done $0x0  }
0x14: {  	s12 =	simm.s32 $0x0;
	[sflag:s9] =	ssyncadd.s32 $0xFFFFF3C0  }
0x15: {  	v5 =	vld [tilespmem:s12+$0xC80]  }
0x16: {  	v6 =	vld [tilespmem:s12+$0xC90]  }
0x17: {  	v1 =	vld [tilespmem:s12+$0xCA0]  }
0x18: {  	v0 =	vld [tilespmem:s12+$0xCB0]  }
0x19: {  	v4 =	vld [tilespmem:s12+$0x0]  }
0x1a: {  	v2 =	vld [tilespmem:s12+$0x10]  }
0x1b: {  	s13 =	simm.s32 $0x100;
	v3 =	vld [tilespmem:s12+$0x20]  }
.LBB2_3:
0x1c: {  	s14 =	sshra.s32 s13, $0x2;
	p0 =	sne.s32 s13, $0x3000;
	v7 =	vld [tilespmem:s12+$0x30];
	v8 =	vmov v1  }
0x1d: {  	v9 =	vld [tilespmem:s14+$0xC80];
	v10 =	vmov v0  }
0x1e: {  	v11 =	vld [tilespmem:s14+$0xC90];
	v0 =	vadd.s32 v4, v5  }
.Ltmp0:
0x1f: {  	v1 =	vld [tilespmem:s14+$0xCA0];
	[tilespmem:s12+$0x0] =	vst v0;
	v2 =	vadd.s32 v2, v6;
	(pc) =	sbr.rel @p0 .LBB2_3-.Ltmp0, $4  }
0x20: {  	v0 =	vld [tilespmem:s14+$0xCB0];
	[tilespmem:s12+$0x10] =	vst v2;
	v2 =	vadd.s32 v3, v8  }
0x21: {  	v4 =	vld [tilespmem:s14+$0x0];
	[tilespmem:s12+$0x20] =	vst v2;
	v3 =	vadd.s32 v7, v10  }
0x22: {  	v2 =	vld [tilespmem:s14+$0x10];
	[tilespmem:s12+$0x30] =	vst v3;
	v5 =	vmov v9;
	s12 =	smov.u32 s14  }
0x23: {  	s13 =	sadd.s32 $0x100, s13;
	v3 =	vld [tilespmem:s12+$0x20];
	v6 =	vmov v11  }
0x24: {  	v7 =	vld [tilespmem:s12+$0x30];
	s11 =	sadd.s32 $0x1, s11  }
0x25: {  	p0 =	sne.s32 s11, $0x20  }
.Ltmp1:
0x26: {  	v4 =	vadd.s32 v4, v5;
	(pc) =	sbr.rel @p0 .LBB2_2-.Ltmp1, $4  }
0x27: {  	[tilespmem:s12+$0x0] =	vst v4;
	v2 =	vadd.s32 v2, v6  }
0x28: {  	[tilespmem:s12+$0x10] =	vst v2;
	v1 =	vadd.s32 v3, v1  }
0x29: {  	[tilespmem:s12+$0x20] =	vst v1;
	v0 =	vadd.s32 v7, v0  }
0x2a: {  	[tilespmem:s12+$0x30] =	vst v0  }
0x2b: {  	s10 =	sadd.s32 $0x1, s10  }
0x2c: {  	p0 =	sne.s32 s10, s7  }
.Ltmp2:
0x2d: {  	_ = 	snop;
	(pc) =	sbr.rel @p0 .LBB2_1-.Ltmp2, $4  }
0x2e: {  	[hbm4b:s6+s2] =	stream.linear.scatter [tilespmem:s2], [sflag:$0x1], $0xC40, $0x38;
	[tilespmem:$0x1900] =	vst v63  }
0x2f: {  	_ =	swait.ge [sflag:s9], $0xC40  }
0x30: {  	[sflag:s9] =	ssyncset.done $0x0  }
0x31: {  	[sflag:s9] =	ssyncadd.s32 $0xFFFFF3C0  }
0x32: {  	_ =	sfence.sel $0x180000  }
0x33: {  	[bflag:$0x0] =	sbarrier.arrive $0xFFFF  }
0x34: {  	p0 =	sne.s32 s0, $0x0;
	_ =	strace $0x9000004A  }
0x35: {  	s0 =	sadd.s32 @!p0 $0x100000, s1;
	[bflag:$0x2] =	sbarrier.arrive $0xFFFF  }
0x36: {  	[sflag:s0] =	ssyncadd.tile.s32 @!p0 $0x1;
	_ =	shalt  }
.Lfunc_end2:
_tile_overlayer_lowered:
.L_overlay_start_2:
0x37: {  	(tag) =	ssettag $0x2  }
0x38: {  	s0 =	rddreg [dreg:$0x0];
	s2 =	stileid.u32  }
0x39: {  	s1 =	rddreg [dreg:$0x1];
	p0 =	sne.s32 s2, $0x0  }
0x3a: {  	s3 =	rddreg [dreg:$0x2];
	[bflag:$0x3] =	sbarrier.arrive $0xFFFF;
	s2 =	simm.s32 @!p0 $0x1C01  }
0x3b: {  	[timem:s3], [sflag:s2] =	dma.local @!p0 [hbm:s0], s1  }
0x3c: {  	s0 =	simm.s32 @!p0 $0x1  }
0x3d: {  	_ =	swait.ge @!p0 [sflag:s0], s1  }
0x3e: {  	s1 =	ssub.s32 @!p0 $0x0, s1;
	[sflag:s0] =	ssyncset.done @!p0 $0x0  }
0x3f: {  	[sflag:s0] =	ssyncadd.s32 @!p0 s1  }
0x40: {  	[bflag:$0x3] =	sbarrier.arrive $0xFFFF  }
0x41: {  	_ =	shalt  }

</sc_bundles>
